<compile_context>
chip_gen: v7x
topology: tpu7x:2x2x1
jax: 0.10.2.dev20260603
libtpu: 0.0.44.dev20260713+nightly
codegen_flags: <defaults>
</compile_context>

<pallas_src>
import jax
import jax.numpy as jnp
import numpy as np
from jax import lax
from jax.experimental import pallas as pl
from jax.experimental.pallas import tpu as pltpu
from jax.experimental.pallas import tpu_sc as plsc

N = 10000
D_IN = 128
D_HID = 256
D_OUT = 128
E = 320000
R = 10240
CHUNK = 128
NC, NS = 2, 16
EROWS = 2560
ERR = E // CHUNK
EPAD = EROWS * CHUNK
HALF = R // 2
F32 = jnp.float32

_MESH = plsc.VectorSubcoreMesh(core_axis_name="c", subcore_axis_name="s")


def _deg_body(ej_hbm, deg0_hbm, deg1_hbm, idx_v, acc_v, red_v, tmp_v,
              stage_sh):
    c = lax.axis_index("c")
    s = lax.axis_index("s")
    base_rows = ERR // NS
    extra = ERR % NS
    nrows = base_rows + jnp.where(s < extra, 1, 0)
    lanes = lax.iota(jnp.int32, 16)
    lane_off = lanes * HALF
    ones = jnp.ones((16,), F32)
    lo = c * HALF
    pltpu.sync_copy(ej_hbm.at[1, pl.ds(s * base_rows * CHUNK,
                                       base_rows * CHUNK)],
                    idx_v.at[pl.ds(0, base_rows * CHUNK)])

    @pl.when(s < extra)
    def _():
        pltpu.sync_copy(
            ej_hbm.at[1, pl.ds((base_rows * NS + s) * CHUNK, CHUNK)],
            idx_v.at[pl.ds(base_rows * CHUNK, CHUNK)])

    def zero_acc(i, _):
        for u in range(8):
            acc_v[pl.ds((i * 8 + u) * 16, 16)] = jnp.zeros((16,), F32)
        return 0
    lax.fori_loop(0, (16 * HALF) // 128, zero_acc, 0)

    def row_body(i, _):
        for k in range(CHUNK // 16):
            v = idx_v[pl.ds(i * CHUNK + k * 16, 16)]
            rel = v - lo
            m = (rel >= 0) & (rel < HALF)
            rel_c = jnp.clip(rel, 0, HALF - 1)
            plsc.addupdate_scatter(acc_v, [rel_c + lane_off], ones,
                                   mask=m)
        return 0
    lax.fori_loop(0, nrows, row_body, 0)

    def red_body(j, _):
        t = acc_v[pl.ds(j * 16, 16)]
        for l in range(1, 16):
            t = t + acc_v[pl.ds(l * HALF + j * 16, 16)]
        red_v[pl.ds(j * 16, 16)] = t
        return 0
    lax.fori_loop(0, HALF // 16, red_body, 0)

    pltpu.sync_copy(red_v, stage_sh.at[s])
    plsc.subcore_barrier()
    rows = HALF // 8

    @pl.when(s < 8)
    def _():
        pltpu.sync_copy(stage_sh.at[:, pl.ds(s * rows, rows)], tmp_v)

        def add_body(j, _):
            acc = tmp_v[0, pl.ds(j * 16, 16)]
            for l in range(1, NS):
                acc = acc + tmp_v[l, pl.ds(j * 16, 16)]
            red_v[pl.ds(j * 16, 16)] = acc
            return 0
        lax.fori_loop(0, rows // 16, add_body, 0)

        @pl.when(c == 0)
        def _():
            pltpu.sync_copy(red_v.at[pl.ds(0, rows)],
                            deg0_hbm.at[pl.ds(s * rows, rows)])

        @pl.when(c == 1)
        def _():
            pltpu.sync_copy(red_v.at[pl.ds(0, rows)],
                            deg1_hbm.at[pl.ds(s * rows, rows)])


_deg_call = pl.kernel(
    _deg_body,
    name='degk',
    out_type=[jax.ShapeDtypeStruct((HALF,), F32),
              jax.ShapeDtypeStruct((HALF,), F32)],
    mesh=_MESH,
    compiler_params=pltpu.CompilerParams(needs_layout_passes=False),
    scratch_types=[
        pltpu.VMEM(((ERR // NS + 1) * CHUNK,), jnp.int32),
        pltpu.VMEM((16 * HALF,), F32),
        pltpu.VMEM((HALF,), F32),
        pltpu.VMEM((NS, HALF // 8), F32),
        pltpu.VMEM_SHARED((NS, HALF), F32),
    ],
)


def _fill_zeros2d(ref, rows, cols):
    def body(i, _):
        for j in range(cols // 16):
            ref[i, pl.ds(j * 16, 16)] = jnp.zeros((16,), F32)
        return 0
    lax.fori_loop(0, rows, body, 0)


def _idx_wait(src_hbm, sb, db, semi):
    pltpu.make_async_copy(src_hbm.at[pl.ds(0, CHUNK)], sb, semi).wait()
    pltpu.make_async_copy(src_hbm.at[pl.ds(0, CHUNK)], db, semi).wait()


def _agg_body_common(ht_hbm, src_hbm, dst_hbm, acc_sh, gbufs, sbufs, dbufs,
                     semg, semi, s, row0, nrows):
    _fill_zeros2d(gbufs[0], CHUNK, gbufs[0].shape[1])
    rows = R // NS
    zdescs = [pltpu.make_async_copy(
        gbufs[0], acc_sh.at[pl.ds(s * rows + k * CHUNK, CHUNK)], semg[0])
        for k in range(rows // CHUNK)]
    for d in zdescs:
        d.start()
    for d in zdescs:
        d.wait()
    plsc.subcore_barrier()

    for tslot in range(4):
        pltpu.async_copy(src_hbm.at[pl.ds((row0 + tslot) * CHUNK, CHUNK)],
                         sbufs[tslot], semi[tslot])
        pltpu.async_copy(dst_hbm.at[pl.ds((row0 + tslot) * CHUNK, CHUNK)],
                         dbufs[tslot], semi[tslot])
    for bg in range(2):
        _idx_wait(src_hbm, sbufs[bg], dbufs[bg], semi[bg])
        pltpu.async_copy(ht_hbm.at[sbufs[bg]], gbufs[bg], semg[bg])

    nsteps = nrows // 4

    def step(g, _):
        for b4 in range(4):
            i = g * 4 + b4
            gi = b4 % 2
            s2 = (b4 + 2) % 4
            pltpu.make_async_copy(ht_hbm.at[sbufs[b4]], gbufs[gi],
                                  semg[gi]).wait()
            pltpu.sync_copy(gbufs[gi], acc_sh.at[dbufs[b4]], add=True)
            @pl.when(g < nsteps - 1)
            def _():
                pltpu.async_copy(
                    src_hbm.at[pl.ds((row0 + i + 4) * CHUNK, CHUNK)],
                    sbufs[b4], semi[b4])
                pltpu.async_copy(
                    dst_hbm.at[pl.ds((row0 + i + 4) * CHUNK, CHUNK)],
                    dbufs[b4], semi[b4])
            if b4 < 2:
                _idx_wait(src_hbm, sbufs[s2], dbufs[s2], semi[s2])
                pltpu.async_copy(ht_hbm.at[sbufs[s2]], gbufs[gi],
                                 semg[gi])
            else:
                @pl.when(g < nsteps - 1)
                def _():
                    _idx_wait(src_hbm, sbufs[s2], dbufs[s2], semi[s2])
                    pltpu.async_copy(ht_hbm.at[sbufs[s2]], gbufs[gi],
                                     semg[gi])
        return 0
    lax.fori_loop(0, nsteps, step, 0)


def _agg_epilogue(acc_sh, out_hbm, s):
    rows = R // NS
    pltpu.sync_copy(acc_sh.at[pl.ds(s * rows, rows)],
                    out_hbm.at[pl.ds(s * rows, rows)])


def _agg_scratch(dsc):
    return [
        pltpu.VMEM((CHUNK, dsc), F32),
        pltpu.VMEM((CHUNK, dsc), F32),
        pltpu.VMEM((CHUNK,), jnp.int32),
        pltpu.VMEM((CHUNK,), jnp.int32),
        pltpu.VMEM((CHUNK,), jnp.int32),
        pltpu.VMEM((CHUNK,), jnp.int32),
        pltpu.VMEM((CHUNK,), jnp.int32),
        pltpu.VMEM((CHUNK,), jnp.int32),
        pltpu.VMEM((CHUNK,), jnp.int32),
        pltpu.VMEM((CHUNK,), jnp.int32),
        pltpu.VMEM_SHARED((R, dsc), F32),
        pltpu.SemaphoreType.DMA,
        pltpu.SemaphoreType.DMA,
        pltpu.SemaphoreType.DMA,
        pltpu.SemaphoreType.DMA,
        pltpu.SemaphoreType.DMA,
        pltpu.SemaphoreType.DMA,
    ]


def _agg2_body(ht_hbm, src_hbm, dst_hbm, agg0_hbm, agg1_hbm,
               gb0, gb1, sb0, sb1, sb2, sb3, db0, db1, db2, db3, acc_sh,
               smg0, smg1, smi0, smi1, smi2, smi3):
    c = lax.axis_index("c")
    s = lax.axis_index("s")
    nrows = EROWS // (NC * NS)
    _agg_body_common(ht_hbm, src_hbm, dst_hbm, acc_sh,
                     (gb0, gb1), (sb0, sb1, sb2, sb3),
                     (db0, db1, db2, db3), (smg0, smg1),
                     (smi0, smi1, smi2, smi3), s,
                     (c * NS + s) * nrows, nrows)
    plsc.subcore_barrier()

    @pl.when(c == 0)
    def _():
        _agg_epilogue(acc_sh, agg0_hbm, s)

    @pl.when(c == 1)
    def _():
        _agg_epilogue(acc_sh, agg1_hbm, s)


_agg2_call = pl.kernel(
    _agg2_body,
    name='agg2k',
    out_type=[jax.ShapeDtypeStruct((R, D_OUT), F32),
              jax.ShapeDtypeStruct((R, D_OUT), F32)],
    mesh=_MESH,
    scratch_types=_agg_scratch(D_OUT),
)


_BR = 2048
_GRID = R // _BR


def _s1_body(x_ref, dg_ref, xd_ref, dis_ref):
    deg = dg_ref[...] + 1.0
    dis = lax.rsqrt(deg)
    dis_ref[...] = dis
    row = (pl.program_id(0) * _BR
           + lax.broadcasted_iota(jnp.int32, (_BR, 1), 0))
    xd_ref[...] = jnp.where(row < N, x_ref[...] * dis, 0.0)


_s1_call = pl.pallas_call(
    _s1_body,
    grid=(_GRID,),
    in_specs=[
        pl.BlockSpec((_BR, D_IN), lambda i: (i, 0)),
        pl.BlockSpec((_BR, 1), lambda i: (i, 0)),
    ],
    out_specs=[
        pl.BlockSpec((_BR, D_IN), lambda i: (i, 0)),
        pl.BlockSpec((_BR, 1), lambda i: (i, 0)),
    ],
    out_shape=[
        jax.ShapeDtypeStruct((R, D_IN), F32),
        jax.ShapeDtypeStruct((R, 1), F32),
    ],
)


def _t2_body(p0_ref, p1_ref, xd_ref, dis_ref, b1_ref, w1_ref, w2_ref,
             hrelu_ref, ht2_ref):
    dis = dis_ref[...]
    u = p0_ref[...] + p1_ref[...] + xd_ref[...]
    h1 = jnp.dot(u, w1_ref[...], preferred_element_type=F32)
    out1 = h1 * dis + b1_ref[...]
    hr = jnp.maximum(out1, 0.0)
    hrelu_ref[...] = hr
    ht2_ref[...] = jnp.dot(hr, w2_ref[...],
                           preferred_element_type=F32) * dis


_t2_call = pl.pallas_call(
    _t2_body,
    grid=(_GRID,),
    in_specs=[
        pl.BlockSpec((_BR, D_IN), lambda i: (i, 0)),
        pl.BlockSpec((_BR, D_IN), lambda i: (i, 0)),
        pl.BlockSpec((_BR, D_IN), lambda i: (i, 0)),
        pl.BlockSpec((_BR, 1), lambda i: (i, 0)),
        pl.BlockSpec((1, D_HID), lambda i: (0, 0)),
        pl.BlockSpec((D_IN, D_HID), lambda i: (0, 0)),
        pl.BlockSpec((D_HID, D_OUT), lambda i: (0, 0)),
    ],
    out_specs=[
        pl.BlockSpec((_BR, D_HID), lambda i: (i, 0)),
        pl.BlockSpec((_BR, D_OUT), lambda i: (i, 0)),
    ],
    out_shape=[
        jax.ShapeDtypeStruct((N, D_HID), F32),
        jax.ShapeDtypeStruct((R, D_OUT), F32),
    ],
)


def _k3_body(a0_ref, a1_ref, ht2_ref, dis_ref, b2_ref, out_ref):
    s = a0_ref[...] + a1_ref[...] + ht2_ref[...]
    out_ref[...] = s * dis_ref[...] + b2_ref[...]


_k3_call = pl.pallas_call(
    _k3_body,
    grid=(_GRID,),
    in_specs=[
        pl.BlockSpec((_BR, D_OUT), lambda i: (i, 0)),
        pl.BlockSpec((_BR, D_OUT), lambda i: (i, 0)),
        pl.BlockSpec((_BR, D_OUT), lambda i: (i, 0)),
        pl.BlockSpec((_BR, 1), lambda i: (i, 0)),
        pl.BlockSpec((1, D_OUT), lambda i: (0, 0)),
    ],
    out_specs=pl.BlockSpec((_BR, D_OUT), lambda i: (i, 0)),
    out_shape=jax.ShapeDtypeStruct((N, D_OUT), F32),
)


def kernel(x, edge_index, W1, b1, W2, b2):
    pad_e = EPAD - E
    spread = jnp.asarray(N + np.arange(pad_e) % (R - N), dtype=jnp.int32)
    src = jnp.concatenate([edge_index[0], spread])
    dst = jnp.concatenate([edge_index[1], spread])
    deg0, deg1 = _deg_call(edge_index)
    deg = jnp.concatenate([deg0, deg1]).reshape(R, 1)
    xd, dis = _s1_call(x, deg)
    p0, p1 = _agg2_call(xd, src, dst)
    hrelu, ht2 = _t2_call(p0, p1, xd, dis, b1.reshape(1, -1), W1, W2)
    q0, q1 = _agg2_call(ht2, src, dst)
    out2 = _k3_call(q0, q1, ht2, dis, b2.reshape(1, -1))
    return out2, hrelu

# --- scband reference (transcript-rebuilt; emitter-appended) ---
"""Pipeline reference for scband-gcnmodel-49563922596647 (READ-ONLY COPY).

The authoritative reference and input builder live on the scoring server;
editing this copy changes nothing except your own understanding.
"""

import jax, jax.numpy as jnp
import numpy as np

N = 10000
D_IN = 128
D_HID = 256
D_OUT = 128
E = 320000


def gcn_conv(x, edge_index, W, b):
    n = x.shape[0]
    loop = jnp.arange(n, dtype=edge_index.dtype)
    src = jnp.concatenate([edge_index[0], loop])
    dst = jnp.concatenate([edge_index[1], loop])
    deg = jnp.zeros((n,), dtype=x.dtype).at[dst].add(1.0)
    deg_inv_sqrt = jnp.where(deg > 0, deg ** -0.5, 0.0)
    norm = deg_inv_sqrt[src] * deg_inv_sqrt[dst]
    h = x @ W
    msg = h[src] * norm[:, None]
    out = jnp.zeros((n, W.shape[1]), dtype=x.dtype).at[dst].add(msg)
    return out + b


def setup_inputs(seed: int = 0):
    key = jax.random.key(seed)
    k1, k2, k3, k4 = jax.random.split(key, 4)
    x = jax.random.normal(k1, (N, D_IN), dtype=jnp.float32)
    edge_index = jax.random.randint(k2, (2, E), 0, N, dtype=jnp.int32)
    W1 = jax.random.normal(k3, (D_IN, D_HID), dtype=jnp.float32) * 0.05
    b1 = jnp.zeros((D_HID,), dtype=jnp.float32)
    W2 = jax.random.normal(k4, (D_HID, D_OUT), dtype=jnp.float32) * 0.05
    b2 = jnp.zeros((D_OUT,), dtype=jnp.float32)
    return {"x": x, "edge_index": edge_index, "W1": W1, "b1": b1, "W2": W2, "b2": b2}


def reference(x, edge_index, W1, b1, W2, b2):
    # GCNConv 1 (symmetric-normalized aggregation with self-loops)
    h1 = gcn_conv(x, edge_index, W1, b1)
    # ReLU activation
    h = jax.nn.relu(h1)
    # Dropout(p=0.5) is identity in eval mode
    # GCNConv 2
    out = gcn_conv(h, edge_index, W2, b2)
    return (out, h)

if __name__ == "__main__":
    import jax
    _d = setup_inputs()
    print(jax.jit(kernel)(*tuple(_d.values())))

</pallas_src>

<mosaic_0001>
#map = affine_map<(d0, d1) -> (0, 0)>
#map1 = affine_map<(d0, d1) -> (0)>
module attributes {stable_mosaic.version = 14 : i64} {
  func.func @degk(%arg0: i32, %arg1: i32, %arg2: memref<2x320000xi32, #tpu.memory_space<hbm>>, %arg3: memref<5120xf32, #tpu.memory_space<hbm>>, %arg4: memref<5120xf32, #tpu.memory_space<hbm>>, %arg5: memref<20096xi32, #tpu.memory_space<vmem>>, %arg6: memref<81920xf32, #tpu.memory_space<vmem>>, %arg7: memref<5120xf32, #tpu.memory_space<vmem>>, %arg8: memref<16x640xf32, #tpu.memory_space<vmem>>, %arg9: memref<16x5120xf32, #tpu.memory_space<vmem_shared>>) attributes {dimension_semantics = [#tpu.dimension_semantics<core_parallel>, #tpu.dimension_semantics<subcore_parallel>], iteration_bounds = array<i64: 2, 16>, scalar_prefetch = 0 : i64, scratch_operands = 5 : i64, tpu.core_type = #tpu.core_type<sc_vector_subcore>, window_params = [{transform_indices = #map}, {transform_indices = #map1}, {transform_indices = #map1}]} {
    %lt3A = arith.constant 4 : i32
    %lt3A_0 = arith.cmpi slt, %arg1, %lt3A : i32
    %jit3A = arith.constant 1 : i32
    %jit3A_1 = arith.constant 0 : i32
    %select_n3A = arith.select %lt3A_0, %jit3A, %jit3A_1 : i32
    %add3A = arith.constant 156 : i32
    %add3A_2 = arith.addi %add3A, %select_n3A : i32
    %iota3A = tpu.iota {dimensions = array<i32: 0>} : vector<16xi32>
    %mul3A = arith.constant 5120 : i32
    %mul3A_3 = vector.broadcast %mul3A : i32 to vector<16xi32>
    %mul3A_4 = arith.muli %iota3A, %mul3A_3 : vector<16xi32>
    %broadcast_in_dim3A = arith.constant 1.000000e+00 : f32
    %broadcast_in_dim3A_5 = vector.broadcast %broadcast_in_dim3A : f32 to vector<16xf32>
    %mul3A_6 = arith.constant 5120 : i32
    %mul3A_7 = arith.muli %arg0, %mul3A_6 : i32
    %mul3A_8 = arith.constant 156 : i32
    %mul3A_9 = arith.muli %arg1, %mul3A_8 : i32
    %mul3A_10 = arith.constant 128 : i32
    %mul3A_11 = arith.muli %mul3A_9, %mul3A_10 : i32
    %run_scoped3A = arith.constant 1 : i32
    "tpu.region"() ({
      %run_scoped3A_44 = tpu.sem_alloc : memref<!tpu.dma_semaphore, #tpu.memory_space<semaphore_mem>>
      %dma_start3A = arith.constant 0 : i32
      %dma_start3A_45 = tpu.memref_slice %arg5[%dma_start3A] : memref<20096xi32, #tpu.memory_space<vmem>> -> memref<19968xi32, #tpu.memory_space<vmem>>
      %dma_start3A_46 = tpu.memref_slice %arg2[%run_scoped3A, %mul3A_11] : memref<2x320000xi32, #tpu.memory_space<hbm>> -> memref<1x19968xi32, #tpu.memory_space<hbm>>
      %dma_start3A_47 = tpu.memref_squeeze %dma_start3A_46 : memref<1x19968xi32, #tpu.memory_space<hbm>> -> memref<19968xi32, #tpu.memory_space<hbm>>
      %dma_start3A_48 = arith.constant 0 : i32
      %dma_start3A_49 = tpu.memref_slice %arg5[%dma_start3A_48] : memref<20096xi32, #tpu.memory_space<vmem>> -> memref<19968xi32, #tpu.memory_space<vmem>>
      %dma_start3A_50 = tpu.memref_slice %arg2[%run_scoped3A, %mul3A_11] : memref<2x320000xi32, #tpu.memory_space<hbm>> -> memref<1x19968xi32, #tpu.memory_space<hbm>>
      %dma_start3A_51 = tpu.memref_squeeze %dma_start3A_50 : memref<1x19968xi32, #tpu.memory_space<hbm>> -> memref<19968xi32, #tpu.memory_space<hbm>>
      tpu.enqueue_dma source(%dma_start3A_51 : memref<19968xi32, #tpu.memory_space<hbm>>) target(%dma_start3A_49 : memref<19968xi32, #tpu.memory_space<vmem>>) target_semaphore(%run_scoped3A_44 : memref<!tpu.dma_semaphore, #tpu.memory_space<semaphore_mem>>)
      %dma_wait3A = arith.constant 0 : i32
      %dma_wait3A_52 = tpu.memref_slice %arg5[%dma_wait3A] : memref<20096xi32, #tpu.memory_space<vmem>> -> memref<19968xi32, #tpu.memory_space<vmem>>
      %dma_wait3A_53 = tpu.memref_slice %arg2[%run_scoped3A, %mul3A_11] : memref<2x320000xi32, #tpu.memory_space<hbm>> -> memref<1x19968xi32, #tpu.memory_space<hbm>>
      %dma_wait3A_54 = tpu.memref_squeeze %dma_wait3A_53 : memref<1x19968xi32, #tpu.memory_space<hbm>> -> memref<19968xi32, #tpu.memory_space<hbm>>
      %dma_wait3A_55 = arith.constant 0 : i32
      %dma_wait3A_56 = tpu.memref_slice %arg5[%dma_wait3A_55] : memref<20096xi32, #tpu.memory_space<vmem>> -> memref<19968xi32, #tpu.memory_space<vmem>>
      %dma_wait3A_57 = tpu.memref_slice %arg2[%run_scoped3A, %mul3A_11] : memref<2x320000xi32, #tpu.memory_space<hbm>> -> memref<1x19968xi32, #tpu.memory_space<hbm>>
      %dma_wait3A_58 = tpu.memref_squeeze %dma_wait3A_57 : memref<1x19968xi32, #tpu.memory_space<hbm>> -> memref<19968xi32, #tpu.memory_space<hbm>>
      tpu.wait_dma2 semaphore(%run_scoped3A_44 : memref<!tpu.dma_semaphore, #tpu.memory_space<semaphore_mem>>) src(%dma_wait3A_58 : memref<19968xi32, #tpu.memory_space<hbm>>) dst(%dma_wait3A_56 : memref<19968xi32, #tpu.memory_space<vmem>>)
      tpu.yield
    }) : () -> ()
    %lt3A_12 = arith.constant 4 : i32
    %lt3A_13 = arith.cmpi slt, %arg1, %lt3A_12 : i32
    %convert_element_type3A = arith.extui %lt3A_13 : i1 to i32
    %cond3A = arith.constant 0 : i32
    %cond3A_14 = arith.cmpi ne, %convert_element_type3A, %cond3A : i32
    scf.if %cond3A_14 {
      %add3A_44 = arith.constant 2496 : i32
      %add3A_45 = arith.addi %add3A_44, %arg1 : i32
      %mul3A_46 = arith.constant 128 : i32
      %mul3A_47 = arith.muli %add3A_45, %mul3A_46 : i32
      %run_scoped3A_48 = arith.constant 1 : i32
      "tpu.region"() ({
        %run_scoped3A_49 = tpu.sem_alloc : memref<!tpu.dma_semaphore, #tpu.memory_space<semaphore_mem>>
        %dma_start3A = arith.constant 19968 : i32
        %dma_start3A_50 = tpu.memref_slice %arg5[%dma_start3A] : memref<20096xi32, #tpu.memory_space<vmem>> -> memref<128xi32, #tpu.memory_space<vmem>>
        %dma_start3A_51 = tpu.memref_slice %arg2[%run_scoped3A_48, %mul3A_47] : memref<2x320000xi32, #tpu.memory_space<hbm>> -> memref<1x128xi32, #tpu.memory_space<hbm>>
        %dma_start3A_52 = tpu.memref_squeeze %dma_start3A_51 : memref<1x128xi32, #tpu.memory_space<hbm>> -> memref<128xi32, #tpu.memory_space<hbm>>
        %dma_start3A_53 = arith.constant 19968 : i32
        %dma_start3A_54 = tpu.memref_slice %arg5[%dma_start3A_53] : memref<20096xi32, #tpu.memory_space<vmem>> -> memref<128xi32, #tpu.memory_space<vmem>>
        %dma_start3A_55 = tpu.memref_slice %arg2[%run_scoped3A_48, %mul3A_47] : memref<2x320000xi32, #tpu.memory_space<hbm>> -> memref<1x128xi32, #tpu.memory_space<hbm>>
        %dma_start3A_56 = tpu.memref_squeeze %dma_start3A_55 : memref<1x128xi32, #tpu.memory_space<hbm>> -> memref<128xi32, #tpu.memory_space<hbm>>
        tpu.enqueue_dma source(%dma_start3A_56 : memref<128xi32, #tpu.memory_space<hbm>>) target(%dma_start3A_54 : memref<128xi32, #tpu.memory_space<vmem>>) target_semaphore(%run_scoped3A_49 : memref<!tpu.dma_semaphore, #tpu.memory_space<semaphore_mem>>)
        %dma_wait3A = arith.constant 19968 : i32
        %dma_wait3A_57 = tpu.memref_slice %arg5[%dma_wait3A] : memref<20096xi32, #tpu.memory_space<vmem>> -> memref<128xi32, #tpu.memory_space<vmem>>
        %dma_wait3A_58 = tpu.memref_slice %arg2[%run_scoped3A_48, %mul3A_47] : memref<2x320000xi32, #tpu.memory_space<hbm>> -> memref<1x128xi32, #tpu.memory_space<hbm>>
        %dma_wait3A_59 = tpu.memref_squeeze %dma_wait3A_58 : memref<1x128xi32, #tpu.memory_space<hbm>> -> memref<128xi32, #tpu.memory_space<hbm>>
        %dma_wait3A_60 = arith.constant 19968 : i32
        %dma_wait3A_61 = tpu.memref_slice %arg5[%dma_wait3A_60] : memref<20096xi32, #tpu.memory_space<vmem>> -> memref<128xi32, #tpu.memory_space<vmem>>
        %dma_wait3A_62 = tpu.memref_slice %arg2[%run_scoped3A_48, %mul3A_47] : memref<2x320000xi32, #tpu.memory_space<hbm>> -> memref<1x128xi32, #tpu.memory_space<hbm>>
        %dma_wait3A_63 = tpu.memref_squeeze %dma_wait3A_62 : memref<1x128xi32, #tpu.memory_space<hbm>> -> memref<128xi32, #tpu.memory_space<hbm>>
        tpu.wait_dma2 semaphore(%run_scoped3A_49 : memref<!tpu.dma_semaphore, #tpu.memory_space<semaphore_mem>>) src(%dma_wait3A_63 : memref<128xi32, #tpu.memory_space<hbm>>) dst(%dma_wait3A_61 : memref<128xi32, #tpu.memory_space<vmem>>)
        tpu.yield
      }) : () -> ()
    } else {
    }
    %scan3A = arith.constant 0 : i32
    %scan3A_15 = arith.constant 0 : i32
    %scan3A_16 = arith.constant 640 : i32
    %scan3A_17 = arith.addi %scan3A_15, %scan3A_16 : i32
    %scan3A_18 = arith.constant 1 : i32
    %scan3A_19 = scf.for %scan3A_44 = %scan3A_15 to %scan3A_17 step %scan3A_18 iter_args(%scan3A_45 = %scan3A) -> (i32)  : i32 {
      %broadcast_in_dim3A_46 = arith.constant 0.000000e+00 : f32
      %broadcast_in_dim3A_47 = vector.broadcast %broadcast_in_dim3A_46 : f32 to vector<16xf32>
      %mul3A_48 = arith.constant 8 : i32
      %mul3A_49 = arith.muli %scan3A_44, %mul3A_48 : i32
      %add3A_50 = arith.constant 0 : i32
      %add3A_51 = arith.addi %mul3A_49, %add3A_50 : i32
      %mul3A_52 = arith.constant 16 : i32
      %mul3A_53 = arith.muli %add3A_51, %mul3A_52 : i32
      %swap3A = arith.index_cast %mul3A_53 : i32 to index
      %swap3A_54 = tpu.vector_load %arg6[%swap3A] {strides = array<i32>} : memref<81920xf32, #tpu.memory_space<vmem>>, vector<16xf32>,
      tpu.vector_store %arg6[%swap3A], %broadcast_in_dim3A_47 {strides = array<i32>} : memref<81920xf32, #tpu.memory_space<vmem>>, vector<16xf32>,
      %broadcast_in_dim3A_55 = arith.constant 0.000000e+00 : f32
      %broadcast_in_dim3A_56 = vector.broadcast %broadcast_in_dim3A_55 : f32 to vector<16xf32>
      %mul3A_57 = arith.constant 8 : i32
      %mul3A_58 = arith.muli %scan3A_44, %mul3A_57 : i32
      %add3A_59 = arith.constant 1 : i32
      %add3A_60 = arith.addi %mul3A_58, %add3A_59 : i32
      %mul3A_61 = arith.constant 16 : i32
      %mul3A_62 = arith.muli %add3A_60, %mul3A_61 : i32
      %swap3A_63 = arith.index_cast %mul3A_62 : i32 to index
      %swap3A_64 = tpu.vector_load %arg6[%swap3A_63] {strides = array<i32>} : memref<81920xf32, #tpu.memory_space<vmem>>, vector<16xf32>,
      tpu.vector_store %arg6[%swap3A_63], %broadcast_in_dim3A_56 {strides = array<i32>} : memref<81920xf32, #tpu.memory_space<vmem>>, vector<16xf32>,
      %broadcast_in_dim3A_65 = arith.constant 0.000000e+00 : f32
      %broadcast_in_dim3A_66 = vector.broadcast %broadcast_in_dim3A_65 : f32 to vector<16xf32>
      %mul3A_67 = arith.constant 8 : i32
      %mul3A_68 = arith.muli %scan3A_44, %mul3A_67 : i32
      %add3A_69 = arith.constant 2 : i32
      %add3A_70 = arith.addi %mul3A_68, %add3A_69 : i32
      %mul3A_71 = arith.constant 16 : i32
      %mul3A_72 = arith.muli %add3A_70, %mul3A_71 : i32
      %swap3A_73 = arith.index_cast %mul3A_72 : i32 to index
      %swap3A_74 = tpu.vector_load %arg6[%swap3A_73] {strides = array<i32>} : memref<81920xf32, #tpu.memory_space<vmem>>, vector<16xf32>,
      tpu.vector_store %arg6[%swap3A_73], %broadcast_in_dim3A_66 {strides = array<i32>} : memref<81920xf32, #tpu.memory_space<vmem>>, vector<16xf32>,
      %broadcast_in_dim3A_75 = arith.constant 0.000000e+00 : f32
      %broadcast_in_dim3A_76 = vector.broadcast %broadcast_in_dim3A_75 : f32 to vector<16xf32>
      %mul3A_77 = arith.constant 8 : i32
      %mul3A_78 = arith.muli %scan3A_44, %mul3A_77 : i32
      %add3A_79 = arith.constant 3 : i32
      %add3A_80 = arith.addi %mul3A_78, %add3A_79 : i32
      %mul3A_81 = arith.constant 16 : i32
      %mul3A_82 = arith.muli %add3A_80, %mul3A_81 : i32
      %swap3A_83 = arith.index_cast %mul3A_82 : i32 to index
      %swap3A_84 = tpu.vector_load %arg6[%swap3A_83] {strides = array<i32>} : memref<81920xf32, #tpu.memory_space<vmem>>, vector<16xf32>,
      tpu.vector_store %arg6[%swap3A_83], %broadcast_in_dim3A_76 {strides = array<i32>} : memref<81920xf32, #tpu.memory_space<vmem>>, vector<16xf32>,
      %broadcast_in_dim3A_85 = arith.constant 0.000000e+00 : f32
      %broadcast_in_dim3A_86 = vector.broadcast %broadcast_in_dim3A_85 : f32 to vector<16xf32>
      %mul3A_87 = arith.constant 8 : i32
      %mul3A_88 = arith.muli %scan3A_44, %mul3A_87 : i32
      %add3A_89 = arith.constant 4 : i32
      %add3A_90 = arith.addi %mul3A_88, %add3A_89 : i32
      %mul3A_91 = arith.constant 16 : i32
      %mul3A_92 = arith.muli %add3A_90, %mul3A_91 : i32
      %swap3A_93 = arith.index_cast %mul3A_92 : i32 to index
      %swap3A_94 = tpu.vector_load %arg6[%swap3A_93] {strides = array<i32>} : memref<81920xf32, #tpu.memory_space<vmem>>, vector<16xf32>,
      tpu.vector_store %arg6[%swap3A_93], %broadcast_in_dim3A_86 {strides = array<i32>} : memref<81920xf32, #tpu.memory_space<vmem>>, vector<16xf32>,
      %broadcast_in_dim3A_95 = arith.constant 0.000000e+00 : f32
      %broadcast_in_dim3A_96 = vector.broadcast %broadcast_in_dim3A_95 : f32 to vector<16xf32>
      %mul3A_97 = arith.constant 8 : i32
      %mul3A_98 = arith.muli %scan3A_44, %mul3A_97 : i32
      %add3A_99 = arith.constant 5 : i32
      %add3A_100 = arith.addi %mul3A_98, %add3A_99 : i32
      %mul3A_101 = arith.constant 16 : i32
      %mul3A_102 = arith.muli %add3A_100, %mul3A_101 : i32
      %swap3A_103 = arith.index_cast %mul3A_102 : i32 to index
      %swap3A_104 = tpu.vector_load %arg6[%swap3A_103] {strides = array<i32>} : memref<81920xf32, #tpu.memory_space<vmem>>, vector<16xf32>,
      tpu.vector_store %arg6[%swap3A_103], %broadcast_in_dim3A_96 {strides = array<i32>} : memref<81920xf32, #tpu.memory_space<vmem>>, vector<16xf32>,
      %broadcast_in_dim3A_105 = arith.constant 0.000000e+00 : f32
      %broadcast_in_dim3A_106 = vector.broadcast %broadcast_in_dim3A_105 : f32 to vector<16xf32>
      %mul3A_107 = arith.constant 8 : i32
      %mul3A_108 = arith.muli %scan3A_44, %mul3A_107 : i32
      %add3A_109 = arith.constant 6 : i32
      %add3A_110 = arith.addi %mul3A_108, %add3A_109 : i32
      %mul3A_111 = arith.constant 16 : i32
      %mul3A_112 = arith.muli %add3A_110, %mul3A_111 : i32
      %swap3A_113 = arith.index_cast %mul3A_112 : i32 to index
      %swap3A_114 = tpu.vector_load %arg6[%swap3A_113] {strides = array<i32>} : memref<81920xf32, #tpu.memory_space<vmem>>, vector<16xf32>,
      tpu.vector_store %arg6[%swap3A_113], %broadcast_in_dim3A_106 {strides = array<i32>} : memref<81920xf32, #tpu.memory_space<vmem>>, vector<16xf32>,
      %broadcast_in_dim3A_115 = arith.constant 0.000000e+00 : f32
      %broadcast_in_dim3A_116 = vector.broadcast %broadcast_in_dim3A_115 : f32 to vector<16xf32>
      %mul3A_117 = arith.constant 8 : i32
      %mul3A_118 = arith.muli %scan3A_44, %mul3A_117 : i32
      %add3A_119 = arith.constant 7 : i32
      %add3A_120 = arith.addi %mul3A_118, %add3A_119 : i32
      %mul3A_121 = arith.constant 16 : i32
      %mul3A_122 = arith.muli %add3A_120, %mul3A_121 : i32
      %swap3A_123 = arith.index_cast %mul3A_122 : i32 to index
      %swap3A_124 = tpu.vector_load %arg6[%swap3A_123] {strides = array<i32>} : memref<81920xf32, #tpu.memory_space<vmem>>, vector<16xf32>,
      tpu.vector_store %arg6[%swap3A_123], %broadcast_in_dim3A_116 {strides = array<i32>} : memref<81920xf32, #tpu.memory_space<vmem>>, vector<16xf32>,
      %scan3A_125 = arith.constant 0 : i32
      scf.yield %scan3A_125 : i32
    }
    %scan3A_20 = arith.constant 640 : i32
    %while3A = arith.constant 0 : i32
    %while3A_21 = arith.constant 0 : i32
    %while3A_22 = arith.subi %add3A_2, %while3A : i32
    %while3A_23 = arith.addi %while3A, %while3A_22 : i32
    %while3A_24 = arith.constant 1 : i32
    %while3A_25 = arith.divsi %while3A_22, %while3A_24 : i32
    %while3A_26 = arith.muli %while3A_25, %while3A_24 : i32
    %while3A_27 = arith.addi %while3A, %while3A_26 : i32
    %while3A_28 = arith.constant 1 : i32
    %while3A_29 = scf.for %while3A_44 = %while3A to %while3A_27 step %while3A_28 iter_args(%while3A_45 = %while3A_21) -> (i32)  : i32 {
      %mul3A_46 = arith.constant 128 : i32
      %mul3A_47 = arith.muli %while3A_44, %mul3A_46 : i32
      %add3A_48 = arith.constant 0 : i32
      %add3A_49 = arith.addi %mul3A_47, %add3A_48 : i32
      %get3A = arith.index_cast %add3A_49 : i32 to index
      %get3A_50 = tpu.vector_load %arg5[%get3A] {strides = array<i32>} : memref<20096xi32, #tpu.memory_space<vmem>>, vector<16xi32>,
      %sub3A = vector.broadcast %mul3A_7 : i32 to vector<16xi32>
      %sub3A_51 = arith.subi %get3A_50, %sub3A : vector<16xi32>
      %ge3A = arith.constant 0 : i32
      %ge3A_52 = vector.broadcast %ge3A : i32 to vector<16xi32>
      %ge3A_53 = arith.cmpi sge, %sub3A_51, %ge3A_52 : vector<16xi32>
      %lt3A_54 = arith.constant 5120 : i32
      %lt3A_55 = vector.broadcast %lt3A_54 : i32 to vector<16xi32>
      %lt3A_56 = arith.cmpi slt, %sub3A_51, %lt3A_55 : vector<16xi32>
      %and3A = arith.andi %ge3A_53, %lt3A_56 : vector<16xi1>
      %jit3A_57 = arith.constant 0 : i32
      %jit3A_58 = arith.constant 5119 : i32
      %max3A = vector.broadcast %jit3A_57 : i32 to vector<16xi32>
      %max3A_59 = arith.maxsi %max3A, %sub3A_51 : vector<16xi32>
      %min3A = vector.broadcast %jit3A_58 : i32 to vector<16xi32>
      %min3A_60 = arith.minsi %min3A, %max3A_59 : vector<16xi32>
      %add3A_61 = arith.addi %min3A_60, %mul3A_4 : vector<16xi32>
      tpu.vector_store_idx %arg6[%add3A_61], %broadcast_in_dim3A_5 masked %and3A {add = true} : memref<81920xf32, #tpu.memory_space<vmem>>[vector<16xi32>], vector<16xf32>, vector<16xi1>
      %mul3A_62 = arith.constant 128 : i32
      %mul3A_63 = arith.muli %while3A_44, %mul3A_62 : i32
      %add3A_64 = arith.constant 16 : i32
      %add3A_65 = arith.addi %mul3A_63, %add3A_64 : i32
      %get3A_66 = arith.index_cast %add3A_65 : i32 to index
      %get3A_67 = tpu.vector_load %arg5[%get3A_66] {strides = array<i32>} : memref<20096xi32, #tpu.memory_space<vmem>>, vector<16xi32>,
      %sub3A_68 = vector.broadcast %mul3A_7 : i32 to vector<16xi32>
      %sub3A_69 = arith.subi %get3A_67, %sub3A_68 : vector<16xi32>
      %ge3A_70 = arith.constant 0 : i32
      %ge3A_71 = vector.broadcast %ge3A_70 : i32 to vector<16xi32>
      %ge3A_72 = arith.cmpi sge, %sub3A_69, %ge3A_71 : vector<16xi32>
      %lt3A_73 = arith.constant 5120 : i32
      %lt3A_74 = vector.broadcast %lt3A_73 : i32 to vector<16xi32>
      %lt3A_75 = arith.cmpi slt, %sub3A_69, %lt3A_74 : vector<16xi32>
      %and3A_76 = arith.andi %ge3A_72, %lt3A_75 : vector<16xi1>
      %jit3A_77 = arith.constant 0 : i32
      %jit3A_78 = arith.constant 5119 : i32
      %max3A_79 = vector.broadcast %jit3A_77 : i32 to vector<16xi32>
      %max3A_80 = arith.maxsi %max3A_79, %sub3A_69 : vector<16xi32>
      %min3A_81 = vector.broadcast %jit3A_78 : i32 to vector<16xi32>
      %min3A_82 = arith.minsi %min3A_81, %max3A_80 : vector<16xi32>
      %add3A_83 = arith.addi %min3A_82, %mul3A_4 : vector<16xi32>
      tpu.vector_store_idx %arg6[%add3A_83], %broadcast_in_dim3A_5 masked %and3A_76 {add = true} : memref<81920xf32, #tpu.memory_space<vmem>>[vector<16xi32>], vector<16xf32>, vector<16xi1>
      %mul3A_84 = arith.constant 128 : i32
      %mul3A_85 = arith.muli %while3A_44, %mul3A_84 : i32
      %add3A_86 = arith.constant 32 : i32
      %add3A_87 = arith.addi %mul3A_85, %add3A_86 : i32
      %get3A_88 = arith.index_cast %add3A_87 : i32 to index
      %get3A_89 = tpu.vector_load %arg5[%get3A_88] {strides = array<i32>} : memref<20096xi32, #tpu.memory_space<vmem>>, vector<16xi32>,
      %sub3A_90 = vector.broadcast %mul3A_7 : i32 to vector<16xi32>
      %sub3A_91 = arith.subi %get3A_89, %sub3A_90 : vector<16xi32>
      %ge3A_92 = arith.constant 0 : i32
      %ge3A_93 = vector.broadcast %ge3A_92 : i32 to vector<16xi32>
      %ge3A_94 = arith.cmpi sge, %sub3A_91, %ge3A_93 : vector<16xi32>
      %lt3A_95 = arith.constant 5120 : i32
      %lt3A_96 = vector.broadcast %lt3A_95 : i32 to vector<16xi32>
      %lt3A_97 = arith.cmpi slt, %sub3A_91, %lt3A_96 : vector<16xi32>
      %and3A_98 = arith.andi %ge3A_94, %lt3A_97 : vector<16xi1>
      %jit3A_99 = arith.constant 0 : i32
      %jit3A_100 = arith.constant 5119 : i32
      %max3A_101 = vector.broadcast %jit3A_99 : i32 to vector<16xi32>
      %max3A_102 = arith.maxsi %max3A_101, %sub3A_91 : vector<16xi32>
      %min3A_103 = vector.broadcast %jit3A_100 : i32 to vector<16xi32>
      %min3A_104 = arith.minsi %min3A_103, %max3A_102 : vector<16xi32>
      %add3A_105 = arith.addi %min3A_104, %mul3A_4 : vector<16xi32>
      tpu.vector_store_idx %arg6[%add3A_105], %broadcast_in_dim3A_5 masked %and3A_98 {add = true} : memref<81920xf32, #tpu.memory_space<vmem>>[vector<16xi32>], vector<16xf32>, vector<16xi1>
      %mul3A_106 = arith.constant 128 : i32
      %mul3A_107 = arith.muli %while3A_44, %mul3A_106 : i32
      %add3A_108 = arith.constant 48 : i32
      %add3A_109 = arith.addi %mul3A_107, %add3A_108 : i32
      %get3A_110 = arith.index_cast %add3A_109 : i32 to index
      %get3A_111 = tpu.vector_load %arg5[%get3A_110] {strides = array<i32>} : memref<20096xi32, #tpu.memory_space<vmem>>, vector<16xi32>,
      %sub3A_112 = vector.broadcast %mul3A_7 : i32 to vector<16xi32>
      %sub3A_113 = arith.subi %get3A_111, %sub3A_112 : vector<16xi32>
      %ge3A_114 = arith.constant 0 : i32
      %ge3A_115 = vector.broadcast %ge3A_114 : i32 to vector<16xi32>
      %ge3A_116 = arith.cmpi sge, %sub3A_113, %ge3A_115 : vector<16xi32>
      %lt3A_117 = arith.constant 5120 : i32
      %lt3A_118 = vector.broadcast %lt3A_117 : i32 to vector<16xi32>
      %lt3A_119 = arith.cmpi slt, %sub3A_113, %lt3A_118 : vector<16xi32>
      %and3A_120 = arith.andi %ge3A_116, %lt3A_119 : vector<16xi1>
      %jit3A_121 = arith.constant 0 : i32
      %jit3A_122 = arith.constant 5119 : i32
      %max3A_123 = vector.broadcast %jit3A_121 : i32 to vector<16xi32>
      %max3A_124 = arith.maxsi %max3A_123, %sub3A_113 : vector<16xi32>
      %min3A_125 = vector.broadcast %jit3A_122 : i32 to vector<16xi32>
      %min3A_126 = arith.minsi %min3A_125, %max3A_124 : vector<16xi32>
      %add3A_127 = arith.addi %min3A_126, %mul3A_4 : vector<16xi32>
      tpu.vector_store_idx %arg6[%add3A_127], %broadcast_in_dim3A_5 masked %and3A_120 {add = true} : memref<81920xf32, #tpu.memory_space<vmem>>[vector<16xi32>], vector<16xf32>, vector<16xi1>
      %mul3A_128 = arith.constant 128 : i32
      %mul3A_129 = arith.muli %while3A_44, %mul3A_128 : i32
      %add3A_130 = arith.constant 64 : i32
      %add3A_131 = arith.addi %mul3A_129, %add3A_130 : i32
      %get3A_132 = arith.index_cast %add3A_131 : i32 to index
      %get3A_133 = tpu.vector_load %arg5[%get3A_132] {strides = array<i32>} : memref<20096xi32, #tpu.memory_space<vmem>>, vector<16xi32>,
      %sub3A_134 = vector.broadcast %mul3A_7 : i32 to vector<16xi32>
      %sub3A_135 = arith.subi %get3A_133, %sub3A_134 : vector<16xi32>
      %ge3A_136 = arith.constant 0 : i32
      %ge3A_137 = vector.broadcast %ge3A_136 : i32 to vector<16xi32>
      %ge3A_138 = arith.cmpi sge, %sub3A_135, %ge3A_137 : vector<16xi32>
      %lt3A_139 = arith.constant 5120 : i32
      %lt3A_140 = vector.broadcast %lt3A_139 : i32 to vector<16xi32>
      %lt3A_141 = arith.cmpi slt, %sub3A_135, %lt3A_140 : vector<16xi32>
      %and3A_142 = arith.andi %ge3A_138, %lt3A_141 : vector<16xi1>
      %jit3A_143 = arith.constant 0 : i32
      %jit3A_144 = arith.constant 5119 : i32
      %max3A_145 = vector.broadcast %jit3A_143 : i32 to vector<16xi32>
      %max3A_146 = arith.maxsi %max3A_145, %sub3A_135 : vector<16xi32>
      %min3A_147 = vector.broadcast %jit3A_144 : i32 to vector<16xi32>
      %min3A_148 = arith.minsi %min3A_147, %max3A_146 : vector<16xi32>
      %add3A_149 = arith.addi %min3A_148, %mul3A_4 : vector<16xi32>
      tpu.vector_store_idx %arg6[%add3A_149], %broadcast_in_dim3A_5 masked %and3A_142 {add = true} : memref<81920xf32, #tpu.memory_space<vmem>>[vector<16xi32>], vector<16xf32>, vector<16xi1>
      %mul3A_150 = arith.constant 128 : i32
      %mul3A_151 = arith.muli %while3A_44, %mul3A_150 : i32
      %add3A_152 = arith.constant 80 : i32
      %add3A_153 = arith.addi %mul3A_151, %add3A_152 : i32
      %get3A_154 = arith.index_cast %add3A_153 : i32 to index
      %get3A_155 = tpu.vector_load %arg5[%get3A_154] {strides = array<i32>} : memref<20096xi32, #tpu.memory_space<vmem>>, vector<16xi32>,
      %sub3A_156 = vector.broadcast %mul3A_7 : i32 to vector<16xi32>
      %sub3A_157 = arith.subi %get3A_155, %sub3A_156 : vector<16xi32>
      %ge3A_158 = arith.constant 0 : i32
      %ge3A_159 = vector.broadcast %ge3A_158 : i32 to vector<16xi32>
      %ge3A_160 = arith.cmpi sge, %sub3A_157, %ge3A_159 : vector<16xi32>
      %lt3A_161 = arith.constant 5120 : i32
      %lt3A_162 = vector.broadcast %lt3A_161 : i32 to vector<16xi32>
      %lt3A_163 = arith.cmpi slt, %sub3A_157, %lt3A_162 : vector<16xi32>
      %and3A_164 = arith.andi %ge3A_160, %lt3A_163 : vector<16xi1>
      %jit3A_165 = arith.constant 0 : i32
      %jit3A_166 = arith.constant 5119 : i32
      %max3A_167 = vector.broadcast %jit3A_165 : i32 to vector<16xi32>
      %max3A_168 = arith.maxsi %max3A_167, %sub3A_157 : vector<16xi32>
      %min3A_169 = vector.broadcast %jit3A_166 : i32 to vector<16xi32>
      %min3A_170 = arith.minsi %min3A_169, %max3A_168 : vector<16xi32>
      %add3A_171 = arith.addi %min3A_170, %mul3A_4 : vector<16xi32>
      tpu.vector_store_idx %arg6[%add3A_171], %broadcast_in_dim3A_5 masked %and3A_164 {add = true} : memref<81920xf32, #tpu.memory_space<vmem>>[vector<16xi32>], vector<16xf32>, vector<16xi1>
      %mul3A_172 = arith.constant 128 : i32
      %mul3A_173 = arith.muli %while3A_44, %mul3A_172 : i32
      %add3A_174 = arith.constant 96 : i32
      %add3A_175 = arith.addi %mul3A_173, %add3A_174 : i32
      %get3A_176 = arith.index_cast %add3A_175 : i32 to index
      %get3A_177 = tpu.vector_load %arg5[%get3A_176] {strides = array<i32>} : memref<20096xi32, #tpu.memory_space<vmem>>, vector<16xi32>,
      %sub3A_178 = vector.broadcast %mul3A_7 : i32 to vector<16xi32>
      %sub3A_179 = arith.subi %get3A_177, %sub3A_178 : vector<16xi32>
      %ge3A_180 = arith.constant 0 : i32
      %ge3A_181 = vector.broadcast %ge3A_180 : i32 to vector<16xi32>
      %ge3A_182 = arith.cmpi sge, %sub3A_179, %ge3A_181 : vector<16xi32>
      %lt3A_183 = arith.constant 5120 : i32
      %lt3A_184 = vector.broadcast %lt3A_183 : i32 to vector<16xi32>
      %lt3A_185 = arith.cmpi slt, %sub3A_179, %lt3A_184 : vector<16xi32>
      %and3A_186 = arith.andi %ge3A_182, %lt3A_185 : vector<16xi1>
      %jit3A_187 = arith.constant 0 : i32
      %jit3A_188 = arith.constant 5119 : i32
      %max3A_189 = vector.broadcast %jit3A_187 : i32 to vector<16xi32>
      %max3A_190 = arith.maxsi %max3A_189, %sub3A_179 : vector<16xi32>
      %min3A_191 = vector.broadcast %jit3A_188 : i32 to vector<16xi32>
      %min3A_192 = arith.minsi %min3A_191, %max3A_190 : vector<16xi32>
      %add3A_193 = arith.addi %min3A_192, %mul3A_4 : vector<16xi32>
      tpu.vector_store_idx %arg6[%add3A_193], %broadcast_in_dim3A_5 masked %and3A_186 {add = true} : memref<81920xf32, #tpu.memory_space<vmem>>[vector<16xi32>], vector<16xf32>, vector<16xi1>
      %mul3A_194 = arith.constant 128 : i32
      %mul3A_195 = arith.muli %while3A_44, %mul3A_194 : i32
      %add3A_196 = arith.constant 112 : i32
      %add3A_197 = arith.addi %mul3A_195, %add3A_196 : i32
      %get3A_198 = arith.index_cast %add3A_197 : i32 to index
      %get3A_199 = tpu.vector_load %arg5[%get3A_198] {strides = array<i32>} : memref<20096xi32, #tpu.memory_space<vmem>>, vector<16xi32>,
      %sub3A_200 = vector.broadcast %mul3A_7 : i32 to vector<16xi32>
      %sub3A_201 = arith.subi %get3A_199, %sub3A_200 : vector<16xi32>
      %ge3A_202 = arith.constant 0 : i32
      %ge3A_203 = vector.broadcast %ge3A_202 : i32 to vector<16xi32>
      %ge3A_204 = arith.cmpi sge, %sub3A_201, %ge3A_203 : vector<16xi32>
      %lt3A_205 = arith.constant 5120 : i32
      %lt3A_206 = vector.broadcast %lt3A_205 : i32 to vector<16xi32>
      %lt3A_207 = arith.cmpi slt, %sub3A_201, %lt3A_206 : vector<16xi32>
      %and3A_208 = arith.andi %ge3A_204, %lt3A_207 : vector<16xi1>
      %jit3A_209 = arith.constant 0 : i32
      %jit3A_210 = arith.constant 5119 : i32
      %max3A_211 = vector.broadcast %jit3A_209 : i32 to vector<16xi32>
      %max3A_212 = arith.maxsi %max3A_211, %sub3A_201 : vector<16xi32>
      %min3A_213 = vector.broadcast %jit3A_210 : i32 to vector<16xi32>
      %min3A_214 = arith.minsi %min3A_213, %max3A_212 : vector<16xi32>
      %add3A_215 = arith.addi %min3A_214, %mul3A_4 : vector<16xi32>
      tpu.vector_store_idx %arg6[%add3A_215], %broadcast_in_dim3A_5 masked %and3A_208 {add = true} : memref<81920xf32, #tpu.memory_space<vmem>>[vector<16xi32>], vector<16xf32>, vector<16xi1>
      %while3A_216 = arith.constant 0 : i32
      scf.yield %while3A_216 : i32
    }
    %while3A_30 = arith.constant 1 : i32
    %while3A_31 = scf.for %while3A_44 = %while3A_27 to %while3A_23 step %while3A_30 iter_args(%while3A_45 = %while3A_29) -> (i32)  : i32 {
      %mul3A_46 = arith.constant 128 : i32
      %mul3A_47 = arith.muli %while3A_44, %mul3A_46 : i32
      %add3A_48 = arith.constant 0 : i32
      %add3A_49 = arith.addi %mul3A_47, %add3A_48 : i32
      %get3A = arith.index_cast %add3A_49 : i32 to index
      %get3A_50 = tpu.vector_load %arg5[%get3A] {strides = array<i32>} : memref<20096xi32, #tpu.memory_space<vmem>>, vector<16xi32>,
      %sub3A = vector.broadcast %mul3A_7 : i32 to vector<16xi32>
      %sub3A_51 = arith.subi %get3A_50, %sub3A : vector<16xi32>
      %ge3A = arith.constant 0 : i32
      %ge3A_52 = vector.broadcast %ge3A : i32 to vector<16xi32>
      %ge3A_53 = arith.cmpi sge, %sub3A_51, %ge3A_52 : vector<16xi32>
      %lt3A_54 = arith.constant 5120 : i32
      %lt3A_55 = vector.broadcast %lt3A_54 : i32 to vector<16xi32>
      %lt3A_56 = arith.cmpi slt, %sub3A_51, %lt3A_55 : vector<16xi32>
      %and3A = arith.andi %ge3A_53, %lt3A_56 : vector<16xi1>
      %jit3A_57 = arith.constant 0 : i32
      %jit3A_58 = arith.constant 5119 : i32
      %max3A = vector.broadcast %jit3A_57 : i32 to vector<16xi32>
      %max3A_59 = arith.maxsi %max3A, %sub3A_51 : vector<16xi32>
      %min3A = vector.broadcast %jit3A_58 : i32 to vector<16xi32>
      %min3A_60 = arith.minsi %min3A, %max3A_59 : vector<16xi32>
      %add3A_61 = arith.addi %min3A_60, %mul3A_4 : vector<16xi32>
      tpu.vector_store_idx %arg6[%add3A_61], %broadcast_in_dim3A_5 masked %and3A {add = true} : memref<81920xf32, #tpu.memory_space<vmem>>[vector<16xi32>], vector<16xf32>, vector<16xi1>
      %mul3A_62 = arith.constant 128 : i32
      %mul3A_63 = arith.muli %while3A_44, %mul3A_62 : i32
      %add3A_64 = arith.constant 16 : i32
      %add3A_65 = arith.addi %mul3A_63, %add3A_64 : i32
      %get3A_66 = arith.index_cast %add3A_65 : i32 to index
      %get3A_67 = tpu.vector_load %arg5[%get3A_66] {strides = array<i32>} : memref<20096xi32, #tpu.memory_space<vmem>>, vector<16xi32>,
      %sub3A_68 = vector.broadcast %mul3A_7 : i32 to vector<16xi32>
      %sub3A_69 = arith.subi %get3A_67, %sub3A_68 : vector<16xi32>
      %ge3A_70 = arith.constant 0 : i32
      %ge3A_71 = vector.broadcast %ge3A_70 : i32 to vector<16xi32>
      %ge3A_72 = arith.cmpi sge, %sub3A_69, %ge3A_71 : vector<16xi32>
      %lt3A_73 = arith.constant 5120 : i32
      %lt3A_74 = vector.broadcast %lt3A_73 : i32 to vector<16xi32>
      %lt3A_75 = arith.cmpi slt, %sub3A_69, %lt3A_74 : vector<16xi32>
      %and3A_76 = arith.andi %ge3A_72, %lt3A_75 : vector<16xi1>
      %jit3A_77 = arith.constant 0 : i32
      %jit3A_78 = arith.constant 5119 : i32
      %max3A_79 = vector.broadcast %jit3A_77 : i32 to vector<16xi32>
      %max3A_80 = arith.maxsi %max3A_79, %sub3A_69 : vector<16xi32>
      %min3A_81 = vector.broadcast %jit3A_78 : i32 to vector<16xi32>
      %min3A_82 = arith.minsi %min3A_81, %max3A_80 : vector<16xi32>
      %add3A_83 = arith.addi %min3A_82, %mul3A_4 : vector<16xi32>
      tpu.vector_store_idx %arg6[%add3A_83], %broadcast_in_dim3A_5 masked %and3A_76 {add = true} : memref<81920xf32, #tpu.memory_space<vmem>>[vector<16xi32>], vector<16xf32>, vector<16xi1>
      %mul3A_84 = arith.constant 128 : i32
      %mul3A_85 = arith.muli %while3A_44, %mul3A_84 : i32
      %add3A_86 = arith.constant 32 : i32
      %add3A_87 = arith.addi %mul3A_85, %add3A_86 : i32
      %get3A_88 = arith.index_cast %add3A_87 : i32 to index
      %get3A_89 = tpu.vector_load %arg5[%get3A_88] {strides = array<i32>} : memref<20096xi32, #tpu.memory_space<vmem>>, vector<16xi32>,
      %sub3A_90 = vector.broadcast %mul3A_7 : i32 to vector<16xi32>
      %sub3A_91 = arith.subi %get3A_89, %sub3A_90 : vector<16xi32>
      %ge3A_92 = arith.constant 0 : i32
      %ge3A_93 = vector.broadcast %ge3A_92 : i32 to vector<16xi32>
      %ge3A_94 = arith.cmpi sge, %sub3A_91, %ge3A_93 : vector<16xi32>
      %lt3A_95 = arith.constant 5120 : i32
      %lt3A_96 = vector.broadcast %lt3A_95 : i32 to vector<16xi32>
      %lt3A_97 = arith.cmpi slt, %sub3A_91, %lt3A_96 : vector<16xi32>
      %and3A_98 = arith.andi %ge3A_94, %lt3A_97 : vector<16xi1>
      %jit3A_99 = arith.constant 0 : i32
      %jit3A_100 = arith.constant 5119 : i32
      %max3A_101 = vector.broadcast %jit3A_99 : i32 to vector<16xi32>
      %max3A_102 = arith.maxsi %max3A_101, %sub3A_91 : vector<16xi32>
      %min3A_103 = vector.broadcast %jit3A_100 : i32 to vector<16xi32>
      %min3A_104 = arith.minsi %min3A_103, %max3A_102 : vector<16xi32>
      %add3A_105 = arith.addi %min3A_104, %mul3A_4 : vector<16xi32>
      tpu.vector_store_idx %arg6[%add3A_105], %broadcast_in_dim3A_5 masked %and3A_98 {add = true} : memref<81920xf32, #tpu.memory_space<vmem>>[vector<16xi32>], vector<16xf32>, vector<16xi1>
      %mul3A_106 = arith.constant 128 : i32
      %mul3A_107 = arith.muli %while3A_44, %mul3A_106 : i32
      %add3A_108 = arith.constant 48 : i32
      %add3A_109 = arith.addi %mul3A_107, %add3A_108 : i32
      %get3A_110 = arith.index_cast %add3A_109 : i32 to index
      %get3A_111 = tpu.vector_load %arg5[%get3A_110] {strides = array<i32>} : memref<20096xi32, #tpu.memory_space<vmem>>, vector<16xi32>,
      %sub3A_112 = vector.broadcast %mul3A_7 : i32 to vector<16xi32>
      %sub3A_113 = arith.subi %get3A_111, %sub3A_112 : vector<16xi32>
      %ge3A_114 = arith.constant 0 : i32
      %ge3A_115 = vector.broadcast %ge3A_114 : i32 to vector<16xi32>
      %ge3A_116 = arith.cmpi sge, %sub3A_113, %ge3A_115 : vector<16xi32>
      %lt3A_117 = arith.constant 5120 : i32
      %lt3A_118 = vector.broadcast %lt3A_117 : i32 to vector<16xi32>
      %lt3A_119 = arith.cmpi slt, %sub3A_113, %lt3A_118 : vector<16xi32>
      %and3A_120 = arith.andi %ge3A_116, %lt3A_119 : vector<16xi1>
      %jit3A_121 = arith.constant 0 : i32
      %jit3A_122 = arith.constant 5119 : i32
      %max3A_123 = vector.broadcast %jit3A_121 : i32 to vector<16xi32>
      %max3A_124 = arith.maxsi %max3A_123, %sub3A_113 : vector<16xi32>
      %min3A_125 = vector.broadcast %jit3A_122 : i32 to vector<16xi32>
      %min3A_126 = arith.minsi %min3A_125, %max3A_124 : vector<16xi32>
      %add3A_127 = arith.addi %min3A_126, %mul3A_4 : vector<16xi32>
      tpu.vector_store_idx %arg6[%add3A_127], %broadcast_in_dim3A_5 masked %and3A_120 {add = true} : memref<81920xf32, #tpu.memory_space<vmem>>[vector<16xi32>], vector<16xf32>, vector<16xi1>
      %mul3A_128 = arith.constant 128 : i32
      %mul3A_129 = arith.muli %while3A_44, %mul3A_128 : i32
      %add3A_130 = arith.constant 64 : i32
      %add3A_131 = arith.addi %mul3A_129, %add3A_130 : i32
      %get3A_132 = arith.index_cast %add3A_131 : i32 to index
      %get3A_133 = tpu.vector_load %arg5[%get3A_132] {strides = array<i32>} : memref<20096xi32, #tpu.memory_space<vmem>>, vector<16xi32>,
      %sub3A_134 = vector.broadcast %mul3A_7 : i32 to vector<16xi32>
      %sub3A_135 = arith.subi %get3A_133, %sub3A_134 : vector<16xi32>
      %ge3A_136 = arith.constant 0 : i32
      %ge3A_137 = vector.broadcast %ge3A_136 : i32 to vector<16xi32>
      %ge3A_138 = arith.cmpi sge, %sub3A_135, %ge3A_137 : vector<16xi32>
      %lt3A_139 = arith.constant 5120 : i32
      %lt3A_140 = vector.broadcast %lt3A_139 : i32 to vector<16xi32>
      %lt3A_141 = arith.cmpi slt, %sub3A_135, %lt3A_140 : vector<16xi32>
      %and3A_142 = arith.andi %ge3A_138, %lt3A_141 : vector<16xi1>
      %jit3A_143 = arith.constant 0 : i32
      %jit3A_144 = arith.constant 5119 : i32
      %max3A_145 = vector.broadcast %jit3A_143 : i32 to vector<16xi32>
      %max3A_146 = arith.maxsi %max3A_145, %sub3A_135 : vector<16xi32>
      %min3A_147 = vector.broadcast %jit3A_144 : i32 to vector<16xi32>
      %min3A_148 = arith.minsi %min3A_147, %max3A_146 : vector<16xi32>
      %add3A_149 = arith.addi %min3A_148, %mul3A_4 : vector<16xi32>
      tpu.vector_store_idx %arg6[%add3A_149], %broadcast_in_dim3A_5 masked %and3A_142 {add = true} : memref<81920xf32, #tpu.memory_space<vmem>>[vector<16xi32>], vector<16xf32>, vector<16xi1>
      %mul3A_150 = arith.constant 128 : i32
      %mul3A_151 = arith.muli %while3A_44, %mul3A_150 : i32
      %add3A_152 = arith.constant 80 : i32
      %add3A_153 = arith.addi %mul3A_151, %add3A_152 : i32
      %get3A_154 = arith.index_cast %add3A_153 : i32 to index
      %get3A_155 = tpu.vector_load %arg5[%get3A_154] {strides = array<i32>} : memref<20096xi32, #tpu.memory_space<vmem>>, vector<16xi32>,
      %sub3A_156 = vector.broadcast %mul3A_7 : i32 to vector<16xi32>
      %sub3A_157 = arith.subi %get3A_155, %sub3A_156 : vector<16xi32>
      %ge3A_158 = arith.constant 0 : i32
      %ge3A_159 = vector.broadcast %ge3A_158 : i32 to vector<16xi32>
      %ge3A_160 = arith.cmpi sge, %sub3A_157, %ge3A_159 : vector<16xi32>
      %lt3A_161 = arith.constant 5120 : i32
      %lt3A_162 = vector.broadcast %lt3A_161 : i32 to vector<16xi32>
      %lt3A_163 = arith.cmpi slt, %sub3A_157, %lt3A_162 : vector<16xi32>
      %and3A_164 = arith.andi %ge3A_160, %lt3A_163 : vector<16xi1>
      %jit3A_165 = arith.constant 0 : i32
      %jit3A_166 = arith.constant 5119 : i32
      %max3A_167 = vector.broadcast %jit3A_165 : i32 to vector<16xi32>
      %max3A_168 = arith.maxsi %max3A_167, %sub3A_157 : vector<16xi32>
      %min3A_169 = vector.broadcast %jit3A_166 : i32 to vector<16xi32>
      %min3A_170 = arith.minsi %min3A_169, %max3A_168 : vector<16xi32>
      %add3A_171 = arith.addi %min3A_170, %mul3A_4 : vector<16xi32>
      tpu.vector_store_idx %arg6[%add3A_171], %broadcast_in_dim3A_5 masked %and3A_164 {add = true} : memref<81920xf32, #tpu.memory_space<vmem>>[vector<16xi32>], vector<16xf32>, vector<16xi1>
      %mul3A_172 = arith.constant 128 : i32
      %mul3A_173 = arith.muli %while3A_44, %mul3A_172 : i32
      %add3A_174 = arith.constant 96 : i32
      %add3A_175 = arith.addi %mul3A_173, %add3A_174 : i32
      %get3A_176 = arith.index_cast %add3A_175 : i32 to index
      %get3A_177 = tpu.vector_load %arg5[%get3A_176] {strides = array<i32>} : memref<20096xi32, #tpu.memory_space<vmem>>, vector<16xi32>,
      %sub3A_178 = vector.broadcast %mul3A_7 : i32 to vector<16xi32>
      %sub3A_179 = arith.subi %get3A_177, %sub3A_178 : vector<16xi32>
      %ge3A_180 = arith.constant 0 : i32
      %ge3A_181 = vector.broadcast %ge3A_180 : i32 to vector<16xi32>
      %ge3A_182 = arith.cmpi sge, %sub3A_179, %ge3A_181 : vector<16xi32>
      %lt3A_183 = arith.constant 5120 : i32
      %lt3A_184 = vector.broadcast %lt3A_183 : i32 to vector<16xi32>
      %lt3A_185 = arith.cmpi slt, %sub3A_179, %lt3A_184 : vector<16xi32>
      %and3A_186 = arith.andi %ge3A_182, %lt3A_185 : vector<16xi1>
      %jit3A_187 = arith.constant 0 : i32
      %jit3A_188 = arith.constant 5119 : i32
      %max3A_189 = vector.broadcast %jit3A_187 : i32 to vector<16xi32>
      %max3A_190 = arith.maxsi %max3A_189, %sub3A_179 : vector<16xi32>
      %min3A_191 = vector.broadcast %jit3A_188 : i32 to vector<16xi32>
      %min3A_192 = arith.minsi %min3A_191, %max3A_190 : vector<16xi32>
      %add3A_193 = arith.addi %min3A_192, %mul3A_4 : vector<16xi32>
      tpu.vector_store_idx %arg6[%add3A_193], %broadcast_in_dim3A_5 masked %and3A_186 {add = true} : memref<81920xf32, #tpu.memory_space<vmem>>[vector<16xi32>], vector<16xf32>, vector<16xi1>
      %mul3A_194 = arith.constant 128 : i32
      %mul3A_195 = arith.muli %while3A_44, %mul3A_194 : i32
      %add3A_196 = arith.constant 112 : i32
      %add3A_197 = arith.addi %mul3A_195, %add3A_196 : i32
      %get3A_198 = arith.index_cast %add3A_197 : i32 to index
      %get3A_199 = tpu.vector_load %arg5[%get3A_198] {strides = array<i32>} : memref<20096xi32, #tpu.memory_space<vmem>>, vector<16xi32>,
      %sub3A_200 = vector.broadcast %mul3A_7 : i32 to vector<16xi32>
      %sub3A_201 = arith.subi %get3A_199, %sub3A_200 : vector<16xi32>
      %ge3A_202 = arith.constant 0 : i32
      %ge3A_203 = vector.broadcast %ge3A_202 : i32 to vector<16xi32>
      %ge3A_204 = arith.cmpi sge, %sub3A_201, %ge3A_203 : vector<16xi32>
      %lt3A_205 = arith.constant 5120 : i32
      %lt3A_206 = vector.broadcast %lt3A_205 : i32 to vector<16xi32>
      %lt3A_207 = arith.cmpi slt, %sub3A_201, %lt3A_206 : vector<16xi32>
      %and3A_208 = arith.andi %ge3A_204, %lt3A_207 : vector<16xi1>
      %jit3A_209 = arith.constant 0 : i32
      %jit3A_210 = arith.constant 5119 : i32
      %max3A_211 = vector.broadcast %jit3A_209 : i32 to vector<16xi32>
      %max3A_212 = arith.maxsi %max3A_211, %sub3A_201 : vector<16xi32>
      %min3A_213 = vector.broadcast %jit3A_210 : i32 to vector<16xi32>
      %min3A_214 = arith.minsi %min3A_213, %max3A_212 : vector<16xi32>
      %add3A_215 = arith.addi %min3A_214, %mul3A_4 : vector<16xi32>
      tpu.vector_store_idx %arg6[%add3A_215], %broadcast_in_dim3A_5 masked %and3A_208 {add = true} : memref<81920xf32, #tpu.memory_space<vmem>>[vector<16xi32>], vector<16xf32>, vector<16xi1>
      %while3A_216 = arith.constant 0 : i32
      scf.yield %while3A_216 : i32
    }
    %scan3A_32 = arith.constant 0 : i32
    %scan3A_33 = arith.constant 0 : i32
    %scan3A_34 = arith.constant 320 : i32
    %scan3A_35 = arith.addi %scan3A_33, %scan3A_34 : i32
    %scan3A_36 = arith.constant 1 : i32
    %scan3A_37 = scf.for %scan3A_44 = %scan3A_33 to %scan3A_35 step %scan3A_36 iter_args(%scan3A_45 = %scan3A_32) -> (i32)  : i32 {
      %mul3A_46 = arith.constant 16 : i32
      %mul3A_47 = arith.muli %scan3A_44, %mul3A_46 : i32
      %get3A = arith.index_cast %mul3A_47 : i32 to index
      %get3A_48 = tpu.vector_load %arg6[%get3A] {strides = array<i32>} : memref<81920xf32, #tpu.memory_space<vmem>>, vector<16xf32>,
      %mul3A_49 = arith.constant 16 : i32
      %mul3A_50 = arith.muli %scan3A_44, %mul3A_49 : i32
      %add3A_51 = arith.constant 5120 : i32
      %add3A_52 = arith.addi %add3A_51, %mul3A_50 : i32
      %get3A_53 = arith.index_cast %add3A_52 : i32 to index
      %get3A_54 = tpu.vector_load %arg6[%get3A_53] {strides = array<i32>} : memref<81920xf32, #tpu.memory_space<vmem>>, vector<16xf32>,
      %add3A_55 = arith.addf %get3A_48, %get3A_54 : vector<16xf32>
      %mul3A_56 = arith.constant 16 : i32
      %mul3A_57 = arith.muli %scan3A_44, %mul3A_56 : i32
      %add3A_58 = arith.constant 10240 : i32
      %add3A_59 = arith.addi %add3A_58, %mul3A_57 : i32
      %get3A_60 = arith.index_cast %add3A_59 : i32 to index
      %get3A_61 = tpu.vector_load %arg6[%get3A_60] {strides = array<i32>} : memref<81920xf32, #tpu.memory_space<vmem>>, vector<16xf32>,
      %add3A_62 = arith.addf %add3A_55, %get3A_61 : vector<16xf32>
      %mul3A_63 = arith.constant 16 : i32
      %mul3A_64 = arith.muli %scan3A_44, %mul3A_63 : i32
      %add3A_65 = arith.constant 15360 : i32
      %add3A_66 = arith.addi %add3A_65, %mul3A_64 : i32
      %get3A_67 = arith.index_cast %add3A_66 : i32 to index
      %get3A_68 = tpu.vector_load %arg6[%get3A_67] {strides = array<i32>} : memref<81920xf32, #tpu.memory_space<vmem>>, vector<16xf32>,
      %add3A_69 = arith.addf %add3A_62, %get3A_68 : vector<16xf32>
      %mul3A_70 = arith.constant 16 : i32
      %mul3A_71 = arith.muli %scan3A_44, %mul3A_70 : i32
      %add3A_72 = arith.constant 20480 : i32
      %add3A_73 = arith.addi %add3A_72, %mul3A_71 : i32
      %get3A_74 = arith.index_cast %add3A_73 : i32 to index
      %get3A_75 = tpu.vector_load %arg6[%get3A_74] {strides = array<i32>} : memref<81920xf32, #tpu.memory_space<vmem>>, vector<16xf32>,
      %add3A_76 = arith.addf %add3A_69, %get3A_75 : vector<16xf32>
      %mul3A_77 = arith.constant 16 : i32
      %mul3A_78 = arith.muli %scan3A_44, %mul3A_77 : i32
      %add3A_79 = arith.constant 25600 : i32
      %add3A_80 = arith.addi %add3A_79, %mul3A_78 : i32
      %get3A_81 = arith.index_cast %add3A_80 : i32 to index
      %get3A_82 = tpu.vector_load %arg6[%get3A_81] {strides = array<i32>} : memref<81920xf32, #tpu.memory_space<vmem>>, vector<16xf32>,
      %add3A_83 = arith.addf %add3A_76, %get3A_82 : vector<16xf32>
      %mul3A_84 = arith.constant 16 : i32
      %mul3A_85 = arith.muli %scan3A_44, %mul3A_84 : i32
      %add3A_86 = arith.constant 30720 : i32
      %add3A_87 = arith.addi %add3A_86, %mul3A_85 : i32
      %get3A_88 = arith.index_cast %add3A_87 : i32 to index
      %get3A_89 = tpu.vector_load %arg6[%get3A_88] {strides = array<i32>} : memref<81920xf32, #tpu.memory_space<vmem>>, vector<16xf32>,
      %add3A_90 = arith.addf %add3A_83, %get3A_89 : vector<16xf32>
      %mul3A_91 = arith.constant 16 : i32
      %mul3A_92 = arith.muli %scan3A_44, %mul3A_91 : i32
      %add3A_93 = arith.constant 35840 : i32
      %add3A_94 = arith.addi %add3A_93, %mul3A_92 : i32
      %get3A_95 = arith.index_cast %add3A_94 : i32 to index
      %get3A_96 = tpu.vector_load %arg6[%get3A_95] {strides = array<i32>} : memref<81920xf32, #tpu.memory_space<vmem>>, vector<16xf32>,
      %add3A_97 = arith.addf %add3A_90, %get3A_96 : vector<16xf32>
      %mul3A_98 = arith.constant 16 : i32
      %mul3A_99 = arith.muli %scan3A_44, %mul3A_98 : i32
      %add3A_100 = arith.constant 40960 : i32
      %add3A_101 = arith.addi %add3A_100, %mul3A_99 : i32
      %get3A_102 = arith.index_cast %add3A_101 : i32 to index
      %get3A_103 = tpu.vector_load %arg6[%get3A_102] {strides = array<i32>} : memref<81920xf32, #tpu.memory_space<vmem>>, vector<16xf32>,
      %add3A_104 = arith.addf %add3A_97, %get3A_103 : vector<16xf32>
      %mul3A_105 = arith.constant 16 : i32
      %mul3A_106 = arith.muli %scan3A_44, %mul3A_105 : i32
      %add3A_107 = arith.constant 46080 : i32
      %add3A_108 = arith.addi %add3A_107, %mul3A_106 : i32
      %get3A_109 = arith.index_cast %add3A_108 : i32 to index
      %get3A_110 = tpu.vector_load %arg6[%get3A_109] {strides = array<i32>} : memref<81920xf32, #tpu.memory_space<vmem>>, vector<16xf32>,
      %add3A_111 = arith.addf %add3A_104, %get3A_110 : vector<16xf32>
      %mul3A_112 = arith.constant 16 : i32
      %mul3A_113 = arith.muli %scan3A_44, %mul3A_112 : i32
      %add3A_114 = arith.constant 51200 : i32
      %add3A_115 = arith.addi %add3A_114, %mul3A_113 : i32
      %get3A_116 = arith.index_cast %add3A_115 : i32 to index
      %get3A_117 = tpu.vector_load %arg6[%get3A_116] {strides = array<i32>} : memref<81920xf32, #tpu.memory_space<vmem>>, vector<16xf32>,
      %add3A_118 = arith.addf %add3A_111, %get3A_117 : vector<16xf32>
      %mul3A_119 = arith.constant 16 : i32
      %mul3A_120 = arith.muli %scan3A_44, %mul3A_119 : i32
      %add3A_121 = arith.constant 56320 : i32
      %add3A_122 = arith.addi %add3A_121, %mul3A_120 : i32
      %get3A_123 = arith.index_cast %add3A_122 : i32 to index
      %get3A_124 = tpu.vector_load %arg6[%get3A_123] {strides = array<i32>} : memref<81920xf32, #tpu.memory_space<vmem>>, vector<16xf32>,
      %add3A_125 = arith.addf %add3A_118, %get3A_124 : vector<16xf32>
      %mul3A_126 = arith.constant 16 : i32
      %mul3A_127 = arith.muli %scan3A_44, %mul3A_126 : i32
      %add3A_128 = arith.constant 61440 : i32
      %add3A_129 = arith.addi %add3A_128, %mul3A_127 : i32
      %get3A_130 = arith.index_cast %add3A_129 : i32 to index
      %get3A_131 = tpu.vector_load %arg6[%get3A_130] {strides = array<i32>} : memref<81920xf32, #tpu.memory_space<vmem>>, vector<16xf32>,
      %add3A_132 = arith.addf %add3A_125, %get3A_131 : vector<16xf32>
      %mul3A_133 = arith.constant 16 : i32
      %mul3A_134 = arith.muli %scan3A_44, %mul3A_133 : i32
      %add3A_135 = arith.constant 66560 : i32
      %add3A_136 = arith.addi %add3A_135, %mul3A_134 : i32
      %get3A_137 = arith.index_cast %add3A_136 : i32 to index
      %get3A_138 = tpu.vector_load %arg6[%get3A_137] {strides = array<i32>} : memref<81920xf32, #tpu.memory_space<vmem>>, vector<16xf32>,
      %add3A_139 = arith.addf %add3A_132, %get3A_138 : vector<16xf32>
      %mul3A_140 = arith.constant 16 : i32
      %mul3A_141 = arith.muli %scan3A_44, %mul3A_140 : i32
      %add3A_142 = arith.constant 71680 : i32
      %add3A_143 = arith.addi %add3A_142, %mul3A_141 : i32
      %get3A_144 = arith.index_cast %add3A_143 : i32 to index
      %get3A_145 = tpu.vector_load %arg6[%get3A_144] {strides = array<i32>} : memref<81920xf32, #tpu.memory_space<vmem>>, vector<16xf32>,
      %add3A_146 = arith.addf %add3A_139, %get3A_145 : vector<16xf32>
      %mul3A_147 = arith.constant 16 : i32
      %mul3A_148 = arith.muli %scan3A_44, %mul3A_147 : i32
      %add3A_149 = arith.constant 76800 : i32
      %add3A_150 = arith.addi %add3A_149, %mul3A_148 : i32
      %get3A_151 = arith.index_cast %add3A_150 : i32 to index
      %get3A_152 = tpu.vector_load %arg6[%get3A_151] {strides = array<i32>} : memref<81920xf32, #tpu.memory_space<vmem>>, vector<16xf32>,
      %add3A_153 = arith.addf %add3A_146, %get3A_152 : vector<16xf32>
      %mul3A_154 = arith.constant 16 : i32
      %mul3A_155 = arith.muli %scan3A_44, %mul3A_154 : i32
      %swap3A = arith.index_cast %mul3A_155 : i32 to index
      %swap3A_156 = tpu.vector_load %arg7[%swap3A] {strides = array<i32>} : memref<5120xf32, #tpu.memory_space<vmem>>, vector<16xf32>,
      tpu.vector_store %arg7[%swap3A], %add3A_153 {strides = array<i32>} : memref<5120xf32, #tpu.memory_space<vmem>>, vector<16xf32>,
      %scan3A_157 = arith.constant 0 : i32
      scf.yield %scan3A_157 : i32
    }
    %scan3A_38 = arith.constant 320 : i32
    "tpu.region"() ({
      %run_scoped3A_44 = tpu.sem_alloc : memref<!tpu.dma_semaphore, #tpu.memory_space<semaphore_mem>>
      %dma_start3A = arith.constant 0 : i32
      %dma_start3A_45 = tpu.memref_slice %arg9[%arg1, %dma_start3A] : memref<16x5120xf32, #tpu.memory_space<vmem_shared>> -> memref<1x5120xf32, #tpu.memory_space<vmem_shared>>
      %dma_start3A_46 = tpu.memref_squeeze %dma_start3A_45 : memref<1x5120xf32, #tpu.memory_space<vmem_shared>> -> memref<5120xf32, #tpu.memory_space<vmem_shared>>
      %dma_start3A_47 = arith.constant 0 : i32
      %dma_start3A_48 = tpu.memref_slice %arg9[%arg1, %dma_start3A_47] : memref<16x5120xf32, #tpu.memory_space<vmem_shared>> -> memref<1x5120xf32, #tpu.memory_space<vmem_shared>>
      %dma_start3A_49 = tpu.memref_squeeze %dma_start3A_48 : memref<1x5120xf32, #tpu.memory_space<vmem_shared>> -> memref<5120xf32, #tpu.memory_space<vmem_shared>>
      tpu.enqueue_dma source(%arg7 : memref<5120xf32, #tpu.memory_space<vmem>>) target(%dma_start3A_49 : memref<5120xf32, #tpu.memory_space<vmem_shared>>) target_semaphore(%run_scoped3A_44 : memref<!tpu.dma_semaphore, #tpu.memory_space<semaphore_mem>>)
      %dma_wait3A = arith.constant 0 : i32
      %dma_wait3A_50 = tpu.memref_slice %arg9[%arg1, %dma_wait3A] : memref<16x5120xf32, #tpu.memory_space<vmem_shared>> -> memref<1x5120xf32, #tpu.memory_space<vmem_shared>>
      %dma_wait3A_51 = tpu.memref_squeeze %dma_wait3A_50 : memref<1x5120xf32, #tpu.memory_space<vmem_shared>> -> memref<5120xf32, #tpu.memory_space<vmem_shared>>
      %dma_wait3A_52 = arith.constant 0 : i32
      %dma_wait3A_53 = tpu.memref_slice %arg9[%arg1, %dma_wait3A_52] : memref<16x5120xf32, #tpu.memory_space<vmem_shared>> -> memref<1x5120xf32, #tpu.memory_space<vmem_shared>>
      %dma_wait3A_54 = tpu.memref_squeeze %dma_wait3A_53 : memref<1x5120xf32, #tpu.memory_space<vmem_shared>> -> memref<5120xf32, #tpu.memory_space<vmem_shared>>
      tpu.wait_dma2 semaphore(%run_scoped3A_44 : memref<!tpu.dma_semaphore, #tpu.memory_space<semaphore_mem>>) src(%arg7 : memref<5120xf32, #tpu.memory_space<vmem>>) dst(%dma_wait3A_54 : memref<5120xf32, #tpu.memory_space<vmem_shared>>)
      tpu.yield
    }) : () -> ()
    %barrier3A = arith.constant 0 : index
    tpu.barrier barrier_id(%barrier3A)
    %lt3A_39 = arith.constant 8 : i32
    %lt3A_40 = arith.cmpi slt, %arg1, %lt3A_39 : i32
    %convert_element_type3A_41 = arith.extui %lt3A_40 : i1 to i32
    %cond3A_42 = arith.constant 0 : i32
    %cond3A_43 = arith.cmpi ne, %convert_element_type3A_41, %cond3A_42 : i32
    scf.if %cond3A_43 {
      %mul3A_44 = arith.constant 640 : i32
      %mul3A_45 = arith.muli %arg1, %mul3A_44 : i32
      "tpu.region"() ({
        %run_scoped3A_62 = tpu.sem_alloc : memref<!tpu.dma_semaphore, #tpu.memory_space<semaphore_mem>>
        %dma_start3A = arith.constant 0 : i32
        %dma_start3A_63 = tpu.memref_slice %arg9[%dma_start3A, %mul3A_45] : memref<16x5120xf32, #tpu.memory_space<vmem_shared>> -> memref<16x640xf32, #tpu.memory_space<vmem_shared>>
        %dma_start3A_64 = arith.constant 0 : i32
        %dma_start3A_65 = tpu.memref_slice %arg9[%dma_start3A_64, %mul3A_45] : memref<16x5120xf32, #tpu.memory_space<vmem_shared>> -> memref<16x640xf32, #tpu.memory_space<vmem_shared>>
        tpu.enqueue_dma source(%dma_start3A_65 : memref<16x640xf32, #tpu.memory_space<vmem_shared>>) target(%arg8 : memref<16x640xf32, #tpu.memory_space<vmem>>) target_semaphore(%run_scoped3A_62 : memref<!tpu.dma_semaphore, #tpu.memory_space<semaphore_mem>>)
        %dma_wait3A = arith.constant 0 : i32
        %dma_wait3A_66 = tpu.memref_slice %arg9[%dma_wait3A, %mul3A_45] : memref<16x5120xf32, #tpu.memory_space<vmem_shared>> -> memref<16x640xf32, #tpu.memory_space<vmem_shared>>
        %dma_wait3A_67 = arith.constant 0 : i32
        %dma_wait3A_68 = tpu.memref_slice %arg9[%dma_wait3A_67, %mul3A_45] : memref<16x5120xf32, #tpu.memory_space<vmem_shared>> -> memref<16x640xf32, #tpu.memory_space<vmem_shared>>
        tpu.wait_dma2 semaphore(%run_scoped3A_62 : memref<!tpu.dma_semaphore, #tpu.memory_space<semaphore_mem>>) src(%dma_wait3A_68 : memref<16x640xf32, #tpu.memory_space<vmem_shared>>) dst(%arg8 : memref<16x640xf32, #tpu.memory_space<vmem>>)
        tpu.yield
      }) : () -> ()
      %scan3A_46 = arith.constant 0 : i32
      %scan3A_47 = arith.constant 0 : i32
      %scan3A_48 = arith.constant 40 : i32
      %scan3A_49 = arith.addi %scan3A_47, %scan3A_48 : i32
      %scan3A_50 = arith.constant 1 : i32
      %scan3A_51 = scf.for %scan3A_62 = %scan3A_47 to %scan3A_49 step %scan3A_50 iter_args(%scan3A_63 = %scan3A_46) -> (i32)  : i32 {
        %mul3A_64 = arith.constant 16 : i32
        %mul3A_65 = arith.muli %scan3A_62, %mul3A_64 : i32
        %get3A = arith.constant 0 : i32
        %get3A_66 = arith.index_cast %get3A : i32 to index
        %get3A_67 = arith.index_cast %mul3A_65 : i32 to index
        %get3A_68 = tpu.vector_load %arg8[%get3A_66, %get3A_67] {strides = array<i32>} : memref<16x640xf32, #tpu.memory_space<vmem>>, vector<16xf32>,
        %mul3A_69 = arith.constant 16 : i32
        %mul3A_70 = arith.muli %scan3A_62, %mul3A_69 : i32
        %get3A_71 = arith.constant 1 : i32
        %get3A_72 = arith.index_cast %get3A_71 : i32 to index
        %get3A_73 = arith.index_cast %mul3A_70 : i32 to index
        %get3A_74 = tpu.vector_load %arg8[%get3A_72, %get3A_73] {strides = array<i32>} : memref<16x640xf32, #tpu.memory_space<vmem>>, vector<16xf32>,
        %add3A_75 = arith.addf %get3A_68, %get3A_74 : vector<16xf32>
        %mul3A_76 = arith.constant 16 : i32
        %mul3A_77 = arith.muli %scan3A_62, %mul3A_76 : i32
        %get3A_78 = arith.constant 2 : i32
        %get3A_79 = arith.index_cast %get3A_78 : i32 to index
        %get3A_80 = arith.index_cast %mul3A_77 : i32 to index
        %get3A_81 = tpu.vector_load %arg8[%get3A_79, %get3A_80] {strides = array<i32>} : memref<16x640xf32, #tpu.memory_space<vmem>>, vector<16xf32>,
        %add3A_82 = arith.addf %add3A_75, %get3A_81 : vector<16xf32>
        %mul3A_83 = arith.constant 16 : i32
        %mul3A_84 = arith.muli %scan3A_62, %mul3A_83 : i32
        %get3A_85 = arith.constant 3 : i32
        %get3A_86 = arith.index_cast %get3A_85 : i32 to index
        %get3A_87 = arith.index_cast %mul3A_84 : i32 to index
        %get3A_88 = tpu.vector_load %arg8[%get3A_86, %get3A_87] {strides = array<i32>} : memref<16x640xf32, #tpu.memory_space<vmem>>, vector<16xf32>,
        %add3A_89 = arith.addf %add3A_82, %get3A_88 : vector<16xf32>
        %mul3A_90 = arith.constant 16 : i32
        %mul3A_91 = arith.muli %scan3A_62, %mul3A_90 : i32
        %get3A_92 = arith.constant 4 : i32
        %get3A_93 = arith.index_cast %get3A_92 : i32 to index
        %get3A_94 = arith.index_cast %mul3A_91 : i32 to index
        %get3A_95 = tpu.vector_load %arg8[%get3A_93, %get3A_94] {strides = array<i32>} : memref<16x640xf32, #tpu.memory_space<vmem>>, vector<16xf32>,
        %add3A_96 = arith.addf %add3A_89, %get3A_95 : vector<16xf32>
        %mul3A_97 = arith.constant 16 : i32
        %mul3A_98 = arith.muli %scan3A_62, %mul3A_97 : i32
        %get3A_99 = arith.constant 5 : i32
        %get3A_100 = arith.index_cast %get3A_99 : i32 to index
        %get3A_101 = arith.index_cast %mul3A_98 : i32 to index
        %get3A_102 = tpu.vector_load %arg8[%get3A_100, %get3A_101] {strides = array<i32>} : memref<16x640xf32, #tpu.memory_space<vmem>>, vector<16xf32>,
        %add3A_103 = arith.addf %add3A_96, %get3A_102 : vector<16xf32>
        %mul3A_104 = arith.constant 16 : i32
        %mul3A_105 = arith.muli %scan3A_62, %mul3A_104 : i32
        %get3A_106 = arith.constant 6 : i32
        %get3A_107 = arith.index_cast %get3A_106 : i32 to index
        %get3A_108 = arith.index_cast %mul3A_105 : i32 to index
        %get3A_109 = tpu.vector_load %arg8[%get3A_107, %get3A_108] {strides = array<i32>} : memref<16x640xf32, #tpu.memory_space<vmem>>, vector<16xf32>,
        %add3A_110 = arith.addf %add3A_103, %get3A_109 : vector<16xf32>
        %mul3A_111 = arith.constant 16 : i32
        %mul3A_112 = arith.muli %scan3A_62, %mul3A_111 : i32
        %get3A_113 = arith.constant 7 : i32
        %get3A_114 = arith.index_cast %get3A_113 : i32 to index
        %get3A_115 = arith.index_cast %mul3A_112 : i32 to index
        %get3A_116 = tpu.vector_load %arg8[%get3A_114, %get3A_115] {strides = array<i32>} : memref<16x640xf32, #tpu.memory_space<vmem>>, vector<16xf32>,
        %add3A_117 = arith.addf %add3A_110, %get3A_116 : vector<16xf32>
        %mul3A_118 = arith.constant 16 : i32
        %mul3A_119 = arith.muli %scan3A_62, %mul3A_118 : i32
        %get3A_120 = arith.constant 8 : i32
        %get3A_121 = arith.index_cast %get3A_120 : i32 to index
        %get3A_122 = arith.index_cast %mul3A_119 : i32 to index
        %get3A_123 = tpu.vector_load %arg8[%get3A_121, %get3A_122] {strides = array<i32>} : memref<16x640xf32, #tpu.memory_space<vmem>>, vector<16xf32>,
        %add3A_124 = arith.addf %add3A_117, %get3A_123 : vector<16xf32>
        %mul3A_125 = arith.constant 16 : i32
        %mul3A_126 = arith.muli %scan3A_62, %mul3A_125 : i32
        %get3A_127 = arith.constant 9 : i32
        %get3A_128 = arith.index_cast %get3A_127 : i32 to index
        %get3A_129 = arith.index_cast %mul3A_126 : i32 to index
        %get3A_130 = tpu.vector_load %arg8[%get3A_128, %get3A_129] {strides = array<i32>} : memref<16x640xf32, #tpu.memory_space<vmem>>, vector<16xf32>,
        %add3A_131 = arith.addf %add3A_124, %get3A_130 : vector<16xf32>
        %mul3A_132 = arith.constant 16 : i32
        %mul3A_133 = arith.muli %scan3A_62, %mul3A_132 : i32
        %get3A_134 = arith.constant 10 : i32
        %get3A_135 = arith.index_cast %get3A_134 : i32 to index
        %get3A_136 = arith.index_cast %mul3A_133 : i32 to index
        %get3A_137 = tpu.vector_load %arg8[%get3A_135, %get3A_136] {strides = array<i32>} : memref<16x640xf32, #tpu.memory_space<vmem>>, vector<16xf32>,
        %add3A_138 = arith.addf %add3A_131, %get3A_137 : vector<16xf32>
        %mul3A_139 = arith.constant 16 : i32
        %mul3A_140 = arith.muli %scan3A_62, %mul3A_139 : i32
        %get3A_141 = arith.constant 11 : i32
        %get3A_142 = arith.index_cast %get3A_141 : i32 to index
        %get3A_143 = arith.index_cast %mul3A_140 : i32 to index
        %get3A_144 = tpu.vector_load %arg8[%get3A_142, %get3A_143] {strides = array<i32>} : memref<16x640xf32, #tpu.memory_space<vmem>>, vector<16xf32>,
        %add3A_145 = arith.addf %add3A_138, %get3A_144 : vector<16xf32>
        %mul3A_146 = arith.constant 16 : i32
        %mul3A_147 = arith.muli %scan3A_62, %mul3A_146 : i32
        %get3A_148 = arith.constant 12 : i32
        %get3A_149 = arith.index_cast %get3A_148 : i32 to index
        %get3A_150 = arith.index_cast %mul3A_147 : i32 to index
        %get3A_151 = tpu.vector_load %arg8[%get3A_149, %get3A_150] {strides = array<i32>} : memref<16x640xf32, #tpu.memory_space<vmem>>, vector<16xf32>,
        %add3A_152 = arith.addf %add3A_145, %get3A_151 : vector<16xf32>
        %mul3A_153 = arith.constant 16 : i32
        %mul3A_154 = arith.muli %scan3A_62, %mul3A_153 : i32
        %get3A_155 = arith.constant 13 : i32
        %get3A_156 = arith.index_cast %get3A_155 : i32 to index
        %get3A_157 = arith.index_cast %mul3A_154 : i32 to index
        %get3A_158 = tpu.vector_load %arg8[%get3A_156, %get3A_157] {strides = array<i32>} : memref<16x640xf32, #tpu.memory_space<vmem>>, vector<16xf32>,
        %add3A_159 = arith.addf %add3A_152, %get3A_158 : vector<16xf32>
        %mul3A_160 = arith.constant 16 : i32
        %mul3A_161 = arith.muli %scan3A_62, %mul3A_160 : i32
        %get3A_162 = arith.constant 14 : i32
        %get3A_163 = arith.index_cast %get3A_162 : i32 to index
        %get3A_164 = arith.index_cast %mul3A_161 : i32 to index
        %get3A_165 = tpu.vector_load %arg8[%get3A_163, %get3A_164] {strides = array<i32>} : memref<16x640xf32, #tpu.memory_space<vmem>>, vector<16xf32>,
        %add3A_166 = arith.addf %add3A_159, %get3A_165 : vector<16xf32>
        %mul3A_167 = arith.constant 16 : i32
        %mul3A_168 = arith.muli %scan3A_62, %mul3A_167 : i32
        %get3A_169 = arith.constant 15 : i32
        %get3A_170 = arith.index_cast %get3A_169 : i32 to index
        %get3A_171 = arith.index_cast %mul3A_168 : i32 to index
        %get3A_172 = tpu.vector_load %arg8[%get3A_170, %get3A_171] {strides = array<i32>} : memref<16x640xf32, #tpu.memory_space<vmem>>, vector<16xf32>,
        %add3A_173 = arith.addf %add3A_166, %get3A_172 : vector<16xf32>
        %mul3A_174 = arith.constant 16 : i32
        %mul3A_175 = arith.muli %scan3A_62, %mul3A_174 : i32
        %swap3A = arith.index_cast %mul3A_175 : i32 to index
        %swap3A_176 = tpu.vector_load %arg7[%swap3A] {strides = array<i32>} : memref<5120xf32, #tpu.memory_space<vmem>>, vector<16xf32>,
        tpu.vector_store %arg7[%swap3A], %add3A_173 {strides = array<i32>} : memref<5120xf32, #tpu.memory_space<vmem>>, vector<16xf32>,
        %scan3A_177 = arith.constant 0 : i32
        scf.yield %scan3A_177 : i32
      }
      %scan3A_52 = arith.constant 40 : i32
      %eq3A = arith.constant 0 : i32
      %eq3A_53 = arith.cmpi eq, %arg0, %eq3A : i32
      %convert_element_type3A_54 = arith.extui %eq3A_53 : i1 to i32
      %cond3A_55 = arith.constant 0 : i32
      %cond3A_56 = arith.cmpi ne, %convert_element_type3A_54, %cond3A_55 : i32
      scf.if %cond3A_56 {
        %mul3A_62 = arith.constant 640 : i32
        %mul3A_63 = arith.muli %arg1, %mul3A_62 : i32
        "tpu.region"() ({
          %run_scoped3A_64 = tpu.sem_alloc : memref<!tpu.dma_semaphore, #tpu.memory_space<semaphore_mem>>
          %dma_start3A = arith.constant 0 : i32
          %dma_start3A_65 = tpu.memref_slice %arg7[%dma_start3A] : memref<5120xf32, #tpu.memory_space<vmem>> -> memref<640xf32, #tpu.memory_space<vmem>>
          %dma_start3A_66 = tpu.memref_slice %arg3[%mul3A_63] : memref<5120xf32, #tpu.memory_space<hbm>> -> memref<640xf32, #tpu.memory_space<hbm>>
          %dma_start3A_67 = tpu.memref_slice %arg3[%mul3A_63] : memref<5120xf32, #tpu.memory_space<hbm>> -> memref<640xf32, #tpu.memory_space<hbm>>
          %dma_start3A_68 = arith.constant 0 : i32
          %dma_start3A_69 = tpu.memref_slice %arg7[%dma_start3A_68] : memref<5120xf32, #tpu.memory_space<vmem>> -> memref<640xf32, #tpu.memory_space<vmem>>
          tpu.enqueue_dma source(%dma_start3A_69 : memref<640xf32, #tpu.memory_space<vmem>>) target(%dma_start3A_67 : memref<640xf32, #tpu.memory_space<hbm>>) target_semaphore(%run_scoped3A_64 : memref<!tpu.dma_semaphore, #tpu.memory_space<semaphore_mem>>)
          %dma_wait3A = arith.constant 0 : i32
          %dma_wait3A_70 = tpu.memref_slice %arg7[%dma_wait3A] : memref<5120xf32, #tpu.memory_space<vmem>> -> memref<640xf32, #tpu.memory_space<vmem>>
          %dma_wait3A_71 = tpu.memref_slice %arg3[%mul3A_63] : memref<5120xf32, #tpu.memory_space<hbm>> -> memref<640xf32, #tpu.memory_space<hbm>>
          %dma_wait3A_72 = tpu.memref_slice %arg3[%mul3A_63] : memref<5120xf32, #tpu.memory_space<hbm>> -> memref<640xf32, #tpu.memory_space<hbm>>
          %dma_wait3A_73 = arith.constant 0 : i32
          %dma_wait3A_74 = tpu.memref_slice %arg7[%dma_wait3A_73] : memref<5120xf32, #tpu.memory_space<vmem>> -> memref<640xf32, #tpu.memory_space<vmem>>
          tpu.wait_dma2 semaphore(%run_scoped3A_64 : memref<!tpu.dma_semaphore, #tpu.memory_space<semaphore_mem>>) src(%dma_wait3A_74 : memref<640xf32, #tpu.memory_space<vmem>>) dst(%dma_wait3A_72 : memref<640xf32, #tpu.memory_space<hbm>>)
          tpu.yield
        }) : () -> ()
      } else {
      }
      %eq3A_57 = arith.constant 1 : i32
      %eq3A_58 = arith.cmpi eq, %arg0, %eq3A_57 : i32
      %convert_element_type3A_59 = arith.extui %eq3A_58 : i1 to i32
      %cond3A_60 = arith.constant 0 : i32
      %cond3A_61 = arith.cmpi ne, %convert_element_type3A_59, %cond3A_60 : i32
      scf.if %cond3A_61 {
        %mul3A_62 = arith.constant 640 : i32
        %mul3A_63 = arith.muli %arg1, %mul3A_62 : i32
        "tpu.region"() ({
          %run_scoped3A_64 = tpu.sem_alloc : memref<!tpu.dma_semaphore, #tpu.memory_space<semaphore_mem>>
          %dma_start3A = arith.constant 0 : i32
          %dma_start3A_65 = tpu.memref_slice %arg7[%dma_start3A] : memref<5120xf32, #tpu.memory_space<vmem>> -> memref<640xf32, #tpu.memory_space<vmem>>
          %dma_start3A_66 = tpu.memref_slice %arg4[%mul3A_63] : memref<5120xf32, #tpu.memory_space<hbm>> -> memref<640xf32, #tpu.memory_space<hbm>>
          %dma_start3A_67 = tpu.memref_slice %arg4[%mul3A_63] : memref<5120xf32, #tpu.memory_space<hbm>> -> memref<640xf32, #tpu.memory_space<hbm>>
          %dma_start3A_68 = arith.constant 0 : i32
          %dma_start3A_69 = tpu.memref_slice %arg7[%dma_start3A_68] : memref<5120xf32, #tpu.memory_space<vmem>> -> memref<640xf32, #tpu.memory_space<vmem>>
          tpu.enqueue_dma source(%dma_start3A_69 : memref<640xf32, #tpu.memory_space<vmem>>) target(%dma_start3A_67 : memref<640xf32, #tpu.memory_space<hbm>>) target_semaphore(%run_scoped3A_64 : memref<!tpu.dma_semaphore, #tpu.memory_space<semaphore_mem>>)
          %dma_wait3A = arith.constant 0 : i32
          %dma_wait3A_70 = tpu.memref_slice %arg7[%dma_wait3A] : memref<5120xf32, #tpu.memory_space<vmem>> -> memref<640xf32, #tpu.memory_space<vmem>>
          %dma_wait3A_71 = tpu.memref_slice %arg4[%mul3A_63] : memref<5120xf32, #tpu.memory_space<hbm>> -> memref<640xf32, #tpu.memory_space<hbm>>
          %dma_wait3A_72 = tpu.memref_slice %arg4[%mul3A_63] : memref<5120xf32, #tpu.memory_space<hbm>> -> memref<640xf32, #tpu.memory_space<hbm>>
          %dma_wait3A_73 = arith.constant 0 : i32
          %dma_wait3A_74 = tpu.memref_slice %arg7[%dma_wait3A_73] : memref<5120xf32, #tpu.memory_space<vmem>> -> memref<640xf32, #tpu.memory_space<vmem>>
          tpu.wait_dma2 semaphore(%run_scoped3A_64 : memref<!tpu.dma_semaphore, #tpu.memory_space<semaphore_mem>>) src(%dma_wait3A_74 : memref<640xf32, #tpu.memory_space<vmem>>) dst(%dma_wait3A_72 : memref<640xf32, #tpu.memory_space<hbm>>)
          tpu.yield
        }) : () -> ()
      } else {
      }
    } else {
    }
    return
  }
}

#map = affine_map<(d0, d1) -> (0, 0)>
#map1 = affine_map<(d0, d1) -> (0)>
module attributes {stable_mosaic.version = 14 : i64} {
  func.func @agg2k(%arg0: i32, %arg1: i32, %arg2: memref<10240x128xf32, #tpu.memory_space<hbm>>, %arg3: memref<327680xi32, #tpu.memory_space<hbm>>, %arg4: memref<327680xi32, #tpu.memory_space<hbm>>, %arg5: memref<10240x128xf32, #tpu.memory_space<hbm>>, %arg6: memref<10240x128xf32, #tpu.memory_space<hbm>>, %arg7: memref<128x128xf32, #tpu.memory_space<vmem>>, %arg8: memref<128x128xf32, #tpu.memory_space<vmem>>, %arg9: memref<128xi32, #tpu.memory_space<vmem>>, %arg10: memref<128xi32, #tpu.memory_space<vmem>>, %arg11: memref<128xi32, #tpu.memory_space<vmem>>, %arg12: memref<128xi32, #tpu.memory_space<vmem>>, %arg13: memref<128xi32, #tpu.memory_space<vmem>>, %arg14: memref<128xi32, #tpu.memory_space<vmem>>, %arg15: memref<128xi32, #tpu.memory_space<vmem>>, %arg16: memref<128xi32, #tpu.memory_space<vmem>>, %arg17: memref<10240x128xf32, #tpu.memory_space<vmem_shared>>, %arg18: memref<!tpu.dma_semaphore, #tpu.memory_space<semaphore_mem>>, %arg19: memref<!tpu.dma_semaphore, #tpu.memory_space<semaphore_mem>>, %arg20: memref<!tpu.dma_semaphore, #tpu.memory_space<semaphore_mem>>, %arg21: memref<!tpu.dma_semaphore, #tpu.memory_space<semaphore_mem>>, %arg22: memref<!tpu.dma_semaphore, #tpu.memory_space<semaphore_mem>>, %arg23: memref<!tpu.dma_semaphore, #tpu.memory_space<semaphore_mem>>) attributes {dimension_semantics = [#tpu.dimension_semantics<core_parallel>, #tpu.dimension_semantics<subcore_parallel>], iteration_bounds = array<i64: 2, 16>, scalar_prefetch = 0 : i64, scratch_operands = 17 : i64, tpu.core_type = #tpu.core_type<sc_vector_subcore>, window_params = [{transform_indices = #map}, {transform_indices = #map1}, {transform_indices = #map1}, {transform_indices = #map}, {transform_indices = #map}]} {
    %mul3A = arith.constant 16 : i32
    %mul3A_0 = arith.muli %arg0, %mul3A : i32
    %add3A = arith.addi %mul3A_0, %arg1 : i32
    %mul3A_1 = arith.constant 80 : i32
    %mul3A_2 = arith.muli %add3A, %mul3A_1 : i32
    %scan3A = arith.constant 0 : i32
    %scan3A_3 = arith.constant 0 : i32
    %scan3A_4 = arith.constant 128 : i32
    %scan3A_5 = arith.addi %scan3A_3, %scan3A_4 : i32
    %scan3A_6 = arith.constant 1 : i32
    %scan3A_7 = scf.for %scan3A_152 = %scan3A_3 to %scan3A_5 step %scan3A_6 iter_args(%scan3A_153 = %scan3A) -> (i32)  : i32 {
      %broadcast_in_dim3A = arith.constant 0.000000e+00 : f32
      %broadcast_in_dim3A_154 = vector.broadcast %broadcast_in_dim3A : f32 to vector<16xf32>
      %swap3A = arith.index_cast %scan3A_152 : i32 to index
      %swap3A_155 = arith.constant 0 : index
      %swap3A_156 = tpu.vector_load %arg7[%swap3A, %swap3A_155] {strides = array<i32>} : memref<128x128xf32, #tpu.memory_space<vmem>>, vector<1x16xf32>,
      %swap3A_157 = vector.shape_cast %swap3A_156 : vector<1x16xf32> to vector<16xf32>
      %swap3A_158 = vector.shape_cast %broadcast_in_dim3A_154 : vector<16xf32> to vector<1x16xf32>
      tpu.vector_store %arg7[%swap3A, %swap3A_155], %swap3A_158 {strides = array<i32>} : memref<128x128xf32, #tpu.memory_space<vmem>>, vector<1x16xf32>,
      %broadcast_in_dim3A_159 = arith.constant 0.000000e+00 : f32
      %broadcast_in_dim3A_160 = vector.broadcast %broadcast_in_dim3A_159 : f32 to vector<16xf32>
      %swap3A_161 = arith.index_cast %scan3A_152 : i32 to index
      %swap3A_162 = arith.constant 16 : index
      %swap3A_163 = tpu.vector_load %arg7[%swap3A_161, %swap3A_162] {strides = array<i32>} : memref<128x128xf32, #tpu.memory_space<vmem>>, vector<1x16xf32>,
      %swap3A_164 = vector.shape_cast %swap3A_163 : vector<1x16xf32> to vector<16xf32>
      %swap3A_165 = vector.shape_cast %broadcast_in_dim3A_160 : vector<16xf32> to vector<1x16xf32>
      tpu.vector_store %arg7[%swap3A_161, %swap3A_162], %swap3A_165 {strides = array<i32>} : memref<128x128xf32, #tpu.memory_space<vmem>>, vector<1x16xf32>,
      %broadcast_in_dim3A_166 = arith.constant 0.000000e+00 : f32
      %broadcast_in_dim3A_167 = vector.broadcast %broadcast_in_dim3A_166 : f32 to vector<16xf32>
      %swap3A_168 = arith.index_cast %scan3A_152 : i32 to index
      %swap3A_169 = arith.constant 32 : index
      %swap3A_170 = tpu.vector_load %arg7[%swap3A_168, %swap3A_169] {strides = array<i32>} : memref<128x128xf32, #tpu.memory_space<vmem>>, vector<1x16xf32>,
      %swap3A_171 = vector.shape_cast %swap3A_170 : vector<1x16xf32> to vector<16xf32>
      %swap3A_172 = vector.shape_cast %broadcast_in_dim3A_167 : vector<16xf32> to vector<1x16xf32>
      tpu.vector_store %arg7[%swap3A_168, %swap3A_169], %swap3A_172 {strides = array<i32>} : memref<128x128xf32, #tpu.memory_space<vmem>>, vector<1x16xf32>,
      %broadcast_in_dim3A_173 = arith.constant 0.000000e+00 : f32
      %broadcast_in_dim3A_174 = vector.broadcast %broadcast_in_dim3A_173 : f32 to vector<16xf32>
      %swap3A_175 = arith.index_cast %scan3A_152 : i32 to index
      %swap3A_176 = arith.constant 48 : index
      %swap3A_177 = tpu.vector_load %arg7[%swap3A_175, %swap3A_176] {strides = array<i32>} : memref<128x128xf32, #tpu.memory_space<vmem>>, vector<1x16xf32>,
      %swap3A_178 = vector.shape_cast %swap3A_177 : vector<1x16xf32> to vector<16xf32>
      %swap3A_179 = vector.shape_cast %broadcast_in_dim3A_174 : vector<16xf32> to vector<1x16xf32>
      tpu.vector_store %arg7[%swap3A_175, %swap3A_176], %swap3A_179 {strides = array<i32>} : memref<128x128xf32, #tpu.memory_space<vmem>>, vector<1x16xf32>,
      %broadcast_in_dim3A_180 = arith.constant 0.000000e+00 : f32
      %broadcast_in_dim3A_181 = vector.broadcast %broadcast_in_dim3A_180 : f32 to vector<16xf32>
      %swap3A_182 = arith.index_cast %scan3A_152 : i32 to index
      %swap3A_183 = arith.constant 64 : index
      %swap3A_184 = tpu.vector_load %arg7[%swap3A_182, %swap3A_183] {strides = array<i32>} : memref<128x128xf32, #tpu.memory_space<vmem>>, vector<1x16xf32>,
      %swap3A_185 = vector.shape_cast %swap3A_184 : vector<1x16xf32> to vector<16xf32>
      %swap3A_186 = vector.shape_cast %broadcast_in_dim3A_181 : vector<16xf32> to vector<1x16xf32>
      tpu.vector_store %arg7[%swap3A_182, %swap3A_183], %swap3A_186 {strides = array<i32>} : memref<128x128xf32, #tpu.memory_space<vmem>>, vector<1x16xf32>,
      %broadcast_in_dim3A_187 = arith.constant 0.000000e+00 : f32
      %broadcast_in_dim3A_188 = vector.broadcast %broadcast_in_dim3A_187 : f32 to vector<16xf32>
      %swap3A_189 = arith.index_cast %scan3A_152 : i32 to index
      %swap3A_190 = arith.constant 80 : index
      %swap3A_191 = tpu.vector_load %arg7[%swap3A_189, %swap3A_190] {strides = array<i32>} : memref<128x128xf32, #tpu.memory_space<vmem>>, vector<1x16xf32>,
      %swap3A_192 = vector.shape_cast %swap3A_191 : vector<1x16xf32> to vector<16xf32>
      %swap3A_193 = vector.shape_cast %broadcast_in_dim3A_188 : vector<16xf32> to vector<1x16xf32>
      tpu.vector_store %arg7[%swap3A_189, %swap3A_190], %swap3A_193 {strides = array<i32>} : memref<128x128xf32, #tpu.memory_space<vmem>>, vector<1x16xf32>,
      %broadcast_in_dim3A_194 = arith.constant 0.000000e+00 : f32
      %broadcast_in_dim3A_195 = vector.broadcast %broadcast_in_dim3A_194 : f32 to vector<16xf32>
      %swap3A_196 = arith.index_cast %scan3A_152 : i32 to index
      %swap3A_197 = arith.constant 96 : index
      %swap3A_198 = tpu.vector_load %arg7[%swap3A_196, %swap3A_197] {strides = array<i32>} : memref<128x128xf32, #tpu.memory_space<vmem>>, vector<1x16xf32>,
      %swap3A_199 = vector.shape_cast %swap3A_198 : vector<1x16xf32> to vector<16xf32>
      %swap3A_200 = vector.shape_cast %broadcast_in_dim3A_195 : vector<16xf32> to vector<1x16xf32>
      tpu.vector_store %arg7[%swap3A_196, %swap3A_197], %swap3A_200 {strides = array<i32>} : memref<128x128xf32, #tpu.memory_space<vmem>>, vector<1x16xf32>,
      %broadcast_in_dim3A_201 = arith.constant 0.000000e+00 : f32
      %broadcast_in_dim3A_202 = vector.broadcast %broadcast_in_dim3A_201 : f32 to vector<16xf32>
      %swap3A_203 = arith.index_cast %scan3A_152 : i32 to index
      %swap3A_204 = arith.constant 112 : index
      %swap3A_205 = tpu.vector_load %arg7[%swap3A_203, %swap3A_204] {strides = array<i32>} : memref<128x128xf32, #tpu.memory_space<vmem>>, vector<1x16xf32>,
      %swap3A_206 = vector.shape_cast %swap3A_205 : vector<1x16xf32> to vector<16xf32>
      %swap3A_207 = vector.shape_cast %broadcast_in_dim3A_202 : vector<16xf32> to vector<1x16xf32>
      tpu.vector_store %arg7[%swap3A_203, %swap3A_204], %swap3A_207 {strides = array<i32>} : memref<128x128xf32, #tpu.memory_space<vmem>>, vector<1x16xf32>,
      %scan3A_208 = arith.constant 0 : i32
      scf.yield %scan3A_208 : i32
    }
    %scan3A_8 = arith.constant 128 : i32
    %mul3A_9 = arith.constant 640 : i32
    %mul3A_10 = arith.muli %arg1, %mul3A_9 : i32
    %add3A_11 = arith.constant 0 : i32
    %add3A_12 = arith.addi %mul3A_10, %add3A_11 : i32
    %mul3A_13 = arith.constant 640 : i32
    %mul3A_14 = arith.muli %arg1, %mul3A_13 : i32
    %add3A_15 = arith.constant 128 : i32
    %add3A_16 = arith.addi %mul3A_14, %add3A_15 : i32
    %mul3A_17 = arith.constant 640 : i32
    %mul3A_18 = arith.muli %arg1, %mul3A_17 : i32
    %add3A_19 = arith.constant 256 : i32
    %add3A_20 = arith.addi %mul3A_18, %add3A_19 : i32
    %mul3A_21 = arith.constant 640 : i32
    %mul3A_22 = arith.muli %arg1, %mul3A_21 : i32
    %add3A_23 = arith.constant 384 : i32
    %add3A_24 = arith.addi %mul3A_22, %add3A_23 : i32
    %mul3A_25 = arith.constant 640 : i32
    %mul3A_26 = arith.muli %arg1, %mul3A_25 : i32
    %add3A_27 = arith.constant 512 : i32
    %add3A_28 = arith.addi %mul3A_26, %add3A_27 : i32
    %dma_start3A = arith.constant 0 : i32
    %dma_start3A_29 = tpu.memref_slice %arg17[%add3A_12, %dma_start3A] : memref<10240x128xf32, #tpu.memory_space<vmem_shared>> -> memref<128x128xf32, #tpu.memory_space<vmem_shared>>
    %dma_start3A_30 = arith.constant 0 : i32
    %dma_start3A_31 = tpu.memref_slice %arg17[%add3A_12, %dma_start3A_30] : memref<10240x128xf32, #tpu.memory_space<vmem_shared>> -> memref<128x128xf32, #tpu.memory_space<vmem_shared>>
    tpu.enqueue_dma source(%arg7 : memref<128x128xf32, #tpu.memory_space<vmem>>) target(%dma_start3A_31 : memref<128x128xf32, #tpu.memory_space<vmem_shared>>) target_semaphore(%arg18 : memref<!tpu.dma_semaphore, #tpu.memory_space<semaphore_mem>>)
    %dma_start3A_32 = arith.constant 0 : i32
    %dma_start3A_33 = tpu.memref_slice %arg17[%add3A_16, %dma_start3A_32] : memref<10240x128xf32, #tpu.memory_space<vmem_shared>> -> memref<128x128xf32, #tpu.memory_space<vmem_shared>>
    %dma_start3A_34 = arith.constant 0 : i32
    %dma_start3A_35 = tpu.memref_slice %arg17[%add3A_16, %dma_start3A_34] : memref<10240x128xf32, #tpu.memory_space<vmem_shared>> -> memref<128x128xf32, #tpu.memory_space<vmem_shared>>
    tpu.enqueue_dma source(%arg7 : memref<128x128xf32, #tpu.memory_space<vmem>>) target(%dma_start3A_35 : memref<128x128xf32, #tpu.memory_space<vmem_shared>>) target_semaphore(%arg18 : memref<!tpu.dma_semaphore, #tpu.memory_space<semaphore_mem>>)
    %dma_start3A_36 = arith.constant 0 : i32
    %dma_start3A_37 = tpu.memref_slice %arg17[%add3A_20, %dma_start3A_36] : memref<10240x128xf32, #tpu.memory_space<vmem_shared>> -> memref<128x128xf32, #tpu.memory_space<vmem_shared>>
    %dma_start3A_38 = arith.constant 0 : i32
    %dma_start3A_39 = tpu.memref_slice %arg17[%add3A_20, %dma_start3A_38] : memref<10240x128xf32, #tpu.memory_space<vmem_shared>> -> memref<128x128xf32, #tpu.memory_space<vmem_shared>>
    tpu.enqueue_dma source(%arg7 : memref<128x128xf32, #tpu.memory_space<vmem>>) target(%dma_start3A_39 : memref<128x128xf32, #tpu.memory_space<vmem_shared>>) target_semaphore(%arg18 : memref<!tpu.dma_semaphore, #tpu.memory_space<semaphore_mem>>)
    %dma_start3A_40 = arith.constant 0 : i32
    %dma_start3A_41 = tpu.memref_slice %arg17[%add3A_24, %dma_start3A_40] : memref<10240x128xf32, #tpu.memory_space<vmem_shared>> -> memref<128x128xf32, #tpu.memory_space<vmem_shared>>
    %dma_start3A_42 = arith.constant 0 : i32
    %dma_start3A_43 = tpu.memref_slice %arg17[%add3A_24, %dma_start3A_42] : memref<10240x128xf32, #tpu.memory_space<vmem_shared>> -> memref<128x128xf32, #tpu.memory_space<vmem_shared>>
    tpu.enqueue_dma source(%arg7 : memref<128x128xf32, #tpu.memory_space<vmem>>) target(%dma_start3A_43 : memref<128x128xf32, #tpu.memory_space<vmem_shared>>) target_semaphore(%arg18 : memref<!tpu.dma_semaphore, #tpu.memory_space<semaphore_mem>>)
    %dma_start3A_44 = arith.constant 0 : i32
    %dma_start3A_45 = tpu.memref_slice %arg17[%add3A_28, %dma_start3A_44] : memref<10240x128xf32, #tpu.memory_space<vmem_shared>> -> memref<128x128xf32, #tpu.memory_space<vmem_shared>>
    %dma_start3A_46 = arith.constant 0 : i32
    %dma_start3A_47 = tpu.memref_slice %arg17[%add3A_28, %dma_start3A_46] : memref<10240x128xf32, #tpu.memory_space<vmem_shared>> -> memref<128x128xf32, #tpu.memory_space<vmem_shared>>
    tpu.enqueue_dma source(%arg7 : memref<128x128xf32, #tpu.memory_space<vmem>>) target(%dma_start3A_47 : memref<128x128xf32, #tpu.memory_space<vmem_shared>>) target_semaphore(%arg18 : memref<!tpu.dma_semaphore, #tpu.memory_space<semaphore_mem>>)
    %dma_wait3A = arith.constant 0 : i32
    %dma_wait3A_48 = tpu.memref_slice %arg17[%add3A_12, %dma_wait3A] : memref<10240x128xf32, #tpu.memory_space<vmem_shared>> -> memref<128x128xf32, #tpu.memory_space<vmem_shared>>
    %dma_wait3A_49 = arith.constant 0 : i32
    %dma_wait3A_50 = tpu.memref_slice %arg17[%add3A_12, %dma_wait3A_49] : memref<10240x128xf32, #tpu.memory_space<vmem_shared>> -> memref<128x128xf32, #tpu.memory_space<vmem_shared>>
    tpu.wait_dma2 semaphore(%arg18 : memref<!tpu.dma_semaphore, #tpu.memory_space<semaphore_mem>>) src(%arg7 : memref<128x128xf32, #tpu.memory_space<vmem>>) dst(%dma_wait3A_50 : memref<128x128xf32, #tpu.memory_space<vmem_shared>>)
    %dma_wait3A_51 = arith.constant 0 : i32
    %dma_wait3A_52 = tpu.memref_slice %arg17[%add3A_16, %dma_wait3A_51] : memref<10240x128xf32, #tpu.memory_space<vmem_shared>> -> memref<128x128xf32, #tpu.memory_space<vmem_shared>>
    %dma_wait3A_53 = arith.constant 0 : i32
    %dma_wait3A_54 = tpu.memref_slice %arg17[%add3A_16, %dma_wait3A_53] : memref<10240x128xf32, #tpu.memory_space<vmem_shared>> -> memref<128x128xf32, #tpu.memory_space<vmem_shared>>
    tpu.wait_dma2 semaphore(%arg18 : memref<!tpu.dma_semaphore, #tpu.memory_space<semaphore_mem>>) src(%arg7 : memref<128x128xf32, #tpu.memory_space<vmem>>) dst(%dma_wait3A_54 : memref<128x128xf32, #tpu.memory_space<vmem_shared>>)
    %dma_wait3A_55 = arith.constant 0 : i32
    %dma_wait3A_56 = tpu.memref_slice %arg17[%add3A_20, %dma_wait3A_55] : memref<10240x128xf32, #tpu.memory_space<vmem_shared>> -> memref<128x128xf32, #tpu.memory_space<vmem_shared>>
    %dma_wait3A_57 = arith.constant 0 : i32
    %dma_wait3A_58 = tpu.memref_slice %arg17[%add3A_20, %dma_wait3A_57] : memref<10240x128xf32, #tpu.memory_space<vmem_shared>> -> memref<128x128xf32, #tpu.memory_space<vmem_shared>>
    tpu.wait_dma2 semaphore(%arg18 : memref<!tpu.dma_semaphore, #tpu.memory_space<semaphore_mem>>) src(%arg7 : memref<128x128xf32, #tpu.memory_space<vmem>>) dst(%dma_wait3A_58 : memref<128x128xf32, #tpu.memory_space<vmem_shared>>)
    %dma_wait3A_59 = arith.constant 0 : i32
    %dma_wait3A_60 = tpu.memref_slice %arg17[%add3A_24, %dma_wait3A_59] : memref<10240x128xf32, #tpu.memory_space<vmem_shared>> -> memref<128x128xf32, #tpu.memory_space<vmem_shared>>
    %dma_wait3A_61 = arith.constant 0 : i32
    %dma_wait3A_62 = tpu.memref_slice %arg17[%add3A_24, %dma_wait3A_61] : memref<10240x128xf32, #tpu.memory_space<vmem_shared>> -> memref<128x128xf32, #tpu.memory_space<vmem_shared>>
    tpu.wait_dma2 semaphore(%arg18 : memref<!tpu.dma_semaphore, #tpu.memory_space<semaphore_mem>>) src(%arg7 : memref<128x128xf32, #tpu.memory_space<vmem>>) dst(%dma_wait3A_62 : memref<128x128xf32, #tpu.memory_space<vmem_shared>>)
    %dma_wait3A_63 = arith.constant 0 : i32
    %dma_wait3A_64 = tpu.memref_slice %arg17[%add3A_28, %dma_wait3A_63] : memref<10240x128xf32, #tpu.memory_space<vmem_shared>> -> memref<128x128xf32, #tpu.memory_space<vmem_shared>>
    %dma_wait3A_65 = arith.constant 0 : i32
    %dma_wait3A_66 = tpu.memref_slice %arg17[%add3A_28, %dma_wait3A_65] : memref<10240x128xf32, #tpu.memory_space<vmem_shared>> -> memref<128x128xf32, #tpu.memory_space<vmem_shared>>
    tpu.wait_dma2 semaphore(%arg18 : memref<!tpu.dma_semaphore, #tpu.memory_space<semaphore_mem>>) src(%arg7 : memref<128x128xf32, #tpu.memory_space<vmem>>) dst(%dma_wait3A_66 : memref<128x128xf32, #tpu.memory_space<vmem_shared>>)
    %barrier3A = arith.constant 0 : index
    tpu.barrier barrier_id(%barrier3A)
    %add3A_67 = arith.constant 0 : i32
    %add3A_68 = arith.addi %mul3A_2, %add3A_67 : i32
    %mul3A_69 = arith.constant 128 : i32
    %mul3A_70 = arith.muli %add3A_68, %mul3A_69 : i32
    %dma_start3A_71 = tpu.memref_slice %arg3[%mul3A_70] : memref<327680xi32, #tpu.memory_space<hbm>> -> memref<128xi32, #tpu.memory_space<hbm>>
    %dma_start3A_72 = tpu.memref_slice %arg3[%mul3A_70] : memref<327680xi32, #tpu.memory_space<hbm>> -> memref<128xi32, #tpu.memory_space<hbm>>
    tpu.enqueue_dma source(%dma_start3A_72 : memref<128xi32, #tpu.memory_space<hbm>>) target(%arg9 : memref<128xi32, #tpu.memory_space<vmem>>) target_semaphore(%arg20 : memref<!tpu.dma_semaphore, #tpu.memory_space<semaphore_mem>>)
    %add3A_73 = arith.constant 0 : i32
    %add3A_74 = arith.addi %mul3A_2, %add3A_73 : i32
    %mul3A_75 = arith.constant 128 : i32
    %mul3A_76 = arith.muli %add3A_74, %mul3A_75 : i32
    %dma_start3A_77 = tpu.memref_slice %arg4[%mul3A_76] : memref<327680xi32, #tpu.memory_space<hbm>> -> memref<128xi32, #tpu.memory_space<hbm>>
    %dma_start3A_78 = tpu.memref_slice %arg4[%mul3A_76] : memref<327680xi32, #tpu.memory_space<hbm>> -> memref<128xi32, #tpu.memory_space<hbm>>
    tpu.enqueue_dma source(%dma_start3A_78 : memref<128xi32, #tpu.memory_space<hbm>>) target(%arg13 : memref<128xi32, #tpu.memory_space<vmem>>) target_semaphore(%arg20 : memref<!tpu.dma_semaphore, #tpu.memory_space<semaphore_mem>>)
    %add3A_79 = arith.constant 1 : i32
    %add3A_80 = arith.addi %mul3A_2, %add3A_79 : i32
    %mul3A_81 = arith.constant 128 : i32
    %mul3A_82 = arith.muli %add3A_80, %mul3A_81 : i32
    %dma_start3A_83 = tpu.memref_slice %arg3[%mul3A_82] : memref<327680xi32, #tpu.memory_space<hbm>> -> memref<128xi32, #tpu.memory_space<hbm>>
    %dma_start3A_84 = tpu.memref_slice %arg3[%mul3A_82] : memref<327680xi32, #tpu.memory_space<hbm>> -> memref<128xi32, #tpu.memory_space<hbm>>
    tpu.enqueue_dma source(%dma_start3A_84 : memref<128xi32, #tpu.memory_space<hbm>>) target(%arg10 : memref<128xi32, #tpu.memory_space<vmem>>) target_semaphore(%arg21 : memref<!tpu.dma_semaphore, #tpu.memory_space<semaphore_mem>>)
    %add3A_85 = arith.constant 1 : i32
    %add3A_86 = arith.addi %mul3A_2, %add3A_85 : i32
    %mul3A_87 = arith.constant 128 : i32
    %mul3A_88 = arith.muli %add3A_86, %mul3A_87 : i32
    %dma_start3A_89 = tpu.memref_slice %arg4[%mul3A_88] : memref<327680xi32, #tpu.memory_space<hbm>> -> memref<128xi32, #tpu.memory_space<hbm>>
    %dma_start3A_90 = tpu.memref_slice %arg4[%mul3A_88] : memref<327680xi32, #tpu.memory_space<hbm>> -> memref<128xi32, #tpu.memory_space<hbm>>
    tpu.enqueue_dma source(%dma_start3A_90 : memref<128xi32, #tpu.memory_space<hbm>>) target(%arg14 : memref<128xi32, #tpu.memory_space<vmem>>) target_semaphore(%arg21 : memref<!tpu.dma_semaphore, #tpu.memory_space<semaphore_mem>>)
    %add3A_91 = arith.constant 2 : i32
    %add3A_92 = arith.addi %mul3A_2, %add3A_91 : i32
    %mul3A_93 = arith.constant 128 : i32
    %mul3A_94 = arith.muli %add3A_92, %mul3A_93 : i32
    %dma_start3A_95 = tpu.memref_slice %arg3[%mul3A_94] : memref<327680xi32, #tpu.memory_space<hbm>> -> memref<128xi32, #tpu.memory_space<hbm>>
    %dma_start3A_96 = tpu.memref_slice %arg3[%mul3A_94] : memref<327680xi32, #tpu.memory_space<hbm>> -> memref<128xi32, #tpu.memory_space<hbm>>
    tpu.enqueue_dma source(%dma_start3A_96 : memref<128xi32, #tpu.memory_space<hbm>>) target(%arg11 : memref<128xi32, #tpu.memory_space<vmem>>) target_semaphore(%arg22 : memref<!tpu.dma_semaphore, #tpu.memory_space<semaphore_mem>>)
    %add3A_97 = arith.constant 2 : i32
    %add3A_98 = arith.addi %mul3A_2, %add3A_97 : i32
    %mul3A_99 = arith.constant 128 : i32
    %mul3A_100 = arith.muli %add3A_98, %mul3A_99 : i32
    %dma_start3A_101 = tpu.memref_slice %arg4[%mul3A_100] : memref<327680xi32, #tpu.memory_space<hbm>> -> memref<128xi32, #tpu.memory_space<hbm>>
    %dma_start3A_102 = tpu.memref_slice %arg4[%mul3A_100] : memref<327680xi32, #tpu.memory_space<hbm>> -> memref<128xi32, #tpu.memory_space<hbm>>
    tpu.enqueue_dma source(%dma_start3A_102 : memref<128xi32, #tpu.memory_space<hbm>>) target(%arg15 : memref<128xi32, #tpu.memory_space<vmem>>) target_semaphore(%arg22 : memref<!tpu.dma_semaphore, #tpu.memory_space<semaphore_mem>>)
    %add3A_103 = arith.constant 3 : i32
    %add3A_104 = arith.addi %mul3A_2, %add3A_103 : i32
    %mul3A_105 = arith.constant 128 : i32
    %mul3A_106 = arith.muli %add3A_104, %mul3A_105 : i32
    %dma_start3A_107 = tpu.memref_slice %arg3[%mul3A_106] : memref<327680xi32, #tpu.memory_space<hbm>> -> memref<128xi32, #tpu.memory_space<hbm>>
    %dma_start3A_108 = tpu.memref_slice %arg3[%mul3A_106] : memref<327680xi32, #tpu.memory_space<hbm>> -> memref<128xi32, #tpu.memory_space<hbm>>
    tpu.enqueue_dma source(%dma_start3A_108 : memref<128xi32, #tpu.memory_space<hbm>>) target(%arg12 : memref<128xi32, #tpu.memory_space<vmem>>) target_semaphore(%arg23 : memref<!tpu.dma_semaphore, #tpu.memory_space<semaphore_mem>>)
    %add3A_109 = arith.constant 3 : i32
    %add3A_110 = arith.addi %mul3A_2, %add3A_109 : i32
    %mul3A_111 = arith.constant 128 : i32
    %mul3A_112 = arith.muli %add3A_110, %mul3A_111 : i32
    %dma_start3A_113 = tpu.memref_slice %arg4[%mul3A_112] : memref<327680xi32, #tpu.memory_space<hbm>> -> memref<128xi32, #tpu.memory_space<hbm>>
    %dma_start3A_114 = tpu.memref_slice %arg4[%mul3A_112] : memref<327680xi32, #tpu.memory_space<hbm>> -> memref<128xi32, #tpu.memory_space<hbm>>
    tpu.enqueue_dma source(%dma_start3A_114 : memref<128xi32, #tpu.memory_space<hbm>>) target(%arg16 : memref<128xi32, #tpu.memory_space<vmem>>) target_semaphore(%arg23 : memref<!tpu.dma_semaphore, #tpu.memory_space<semaphore_mem>>)
    %dma_wait3A_115 = arith.constant 0 : i32
    %dma_wait3A_116 = tpu.memref_slice %arg3[%dma_wait3A_115] : memref<327680xi32, #tpu.memory_space<hbm>> -> memref<128xi32, #tpu.memory_space<hbm>>
    %dma_wait3A_117 = arith.constant 0 : i32
    %dma_wait3A_118 = tpu.memref_slice %arg3[%dma_wait3A_117] : memref<327680xi32, #tpu.memory_space<hbm>> -> memref<128xi32, #tpu.memory_space<hbm>>
    tpu.wait_dma2 semaphore(%arg20 : memref<!tpu.dma_semaphore, #tpu.memory_space<semaphore_mem>>) src(%dma_wait3A_118 : memref<128xi32, #tpu.memory_space<hbm>>) dst(%arg9 : memref<128xi32, #tpu.memory_space<vmem>>)
    %dma_wait3A_119 = arith.constant 0 : i32
    %dma_wait3A_120 = tpu.memref_slice %arg3[%dma_wait3A_119] : memref<327680xi32, #tpu.memory_space<hbm>> -> memref<128xi32, #tpu.memory_space<hbm>>
    %dma_wait3A_121 = arith.constant 0 : i32
    %dma_wait3A_122 = tpu.memref_slice %arg3[%dma_wait3A_121] : memref<327680xi32, #tpu.memory_space<hbm>> -> memref<128xi32, #tpu.memory_space<hbm>>
    tpu.wait_dma2 semaphore(%arg20 : memref<!tpu.dma_semaphore, #tpu.memory_space<semaphore_mem>>) src(%dma_wait3A_122 : memref<128xi32, #tpu.memory_space<hbm>>) dst(%arg13 : memref<128xi32, #tpu.memory_space<vmem>>)
    %dma_start3A_123 = arith.constant 0 : i32
    %dma_start3A_124 = arith.constant 0 : i32
    %dma_start3A_125 = tpu.memref_slice %arg2[%dma_start3A_123, %dma_start3A_124] : memref<10240x128xf32, #tpu.memory_space<hbm>> -> memref<10240x128xf32, #tpu.memory_space<hbm>>
    tpu.enqueue_indirect_dma source(%dma_start3A_125 : memref<10240x128xf32, #tpu.memory_space<hbm>>) target(%arg7 : memref<128x128xf32, #tpu.memory_space<vmem>>) offsets(%arg9 : memref<128xi32, #tpu.memory_space<vmem>>) semaphore(%arg18 : memref<!tpu.dma_semaphore, #tpu.memory_space<semaphore_mem>>)
    %dma_wait3A_126 = arith.constant 0 : i32
    %dma_wait3A_127 = tpu.memref_slice %arg3[%dma_wait3A_126] : memref<327680xi32, #tpu.memory_space<hbm>> -> memref<128xi32, #tpu.memory_space<hbm>>
    %dma_wait3A_128 = arith.constant 0 : i32
    %dma_wait3A_129 = tpu.memref_slice %arg3[%dma_wait3A_128] : memref<327680xi32, #tpu.memory_space<hbm>> -> memref<128xi32, #tpu.memory_space<hbm>>
    tpu.wait_dma2 semaphore(%arg21 : memref<!tpu.dma_semaphore, #tpu.memory_space<semaphore_mem>>) src(%dma_wait3A_129 : memref<128xi32, #tpu.memory_space<hbm>>) dst(%arg10 : memref<128xi32, #tpu.memory_space<vmem>>)
    %dma_wait3A_130 = arith.constant 0 : i32
    %dma_wait3A_131 = tpu.memref_slice %arg3[%dma_wait3A_130] : memref<327680xi32, #tpu.memory_space<hbm>> -> memref<128xi32, #tpu.memory_space<hbm>>
    %dma_wait3A_132 = arith.constant 0 : i32
    %dma_wait3A_133 = tpu.memref_slice %arg3[%dma_wait3A_132] : memref<327680xi32, #tpu.memory_space<hbm>> -> memref<128xi32, #tpu.memory_space<hbm>>
    tpu.wait_dma2 semaphore(%arg21 : memref<!tpu.dma_semaphore, #tpu.memory_space<semaphore_mem>>) src(%dma_wait3A_133 : memref<128xi32, #tpu.memory_space<hbm>>) dst(%arg14 : memref<128xi32, #tpu.memory_space<vmem>>)
    %dma_start3A_134 = arith.constant 0 : i32
    %dma_start3A_135 = arith.constant 0 : i32
    %dma_start3A_136 = tpu.memref_slice %arg2[%dma_start3A_134, %dma_start3A_135] : memref<10240x128xf32, #tpu.memory_space<hbm>> -> memref<10240x128xf32, #tpu.memory_space<hbm>>
    tpu.enqueue_indirect_dma source(%dma_start3A_136 : memref<10240x128xf32, #tpu.memory_space<hbm>>) target(%arg8 : memref<128x128xf32, #tpu.memory_space<vmem>>) offsets(%arg10 : memref<128xi32, #tpu.memory_space<vmem>>) semaphore(%arg19 : memref<!tpu.dma_semaphore, #tpu.memory_space<semaphore_mem>>)
    %scan3A_137 = arith.constant 0 : i32
    %scan3A_138 = arith.constant 0 : i32
    %scan3A_139 = arith.constant 20 : i32
    %scan3A_140 = arith.addi %scan3A_138, %scan3A_139 : i32
    %scan3A_141 = arith.constant 1 : i32
    %scan3A_142 = scf.for %scan3A_152 = %scan3A_138 to %scan3A_140 step %scan3A_141 iter_args(%scan3A_153 = %scan3A_137) -> (i32)  : i32 {
      %mul3A_154 = arith.constant 4 : i32
      %mul3A_155 = arith.muli %scan3A_152, %mul3A_154 : i32
      %add3A_156 = arith.constant 0 : i32
      %add3A_157 = arith.addi %mul3A_155, %add3A_156 : i32
      %dma_wait3A_158 = arith.constant 0 : i32
      %dma_wait3A_159 = arith.constant 0 : i32
      %dma_wait3A_160 = tpu.memref_slice %arg2[%dma_wait3A_158, %dma_wait3A_159] : memref<10240x128xf32, #tpu.memory_space<hbm>> -> memref<10240x128xf32, #tpu.memory_space<hbm>>
      tpu.wait_indirect_dma semaphore(%arg18 : memref<!tpu.dma_semaphore, #tpu.memory_space<semaphore_mem>>) src(%dma_wait3A_160 : memref<10240x128xf32, #tpu.memory_space<hbm>>) dst(%arg7 : memref<128x128xf32, #tpu.memory_space<vmem>>)
      "tpu.region"() ({
        %run_scoped3A = tpu.sem_alloc : memref<!tpu.dma_semaphore, #tpu.memory_space<semaphore_mem>>
        %dma_start3A_234 = arith.constant 0 : i32
        %dma_start3A_235 = arith.constant 0 : i32
        %dma_start3A_236 = tpu.memref_slice %arg17[%dma_start3A_234, %dma_start3A_235] : memref<10240x128xf32, #tpu.memory_space<vmem_shared>> -> memref<10240x128xf32, #tpu.memory_space<vmem_shared>>
        tpu.enqueue_indirect_dma source(%arg7 : memref<128x128xf32, #tpu.memory_space<vmem>>) target(%dma_start3A_236 : memref<10240x128xf32, #tpu.memory_space<vmem_shared>>) offsets(%arg13 : memref<128xi32, #tpu.memory_space<vmem>>) semaphore(%run_scoped3A : memref<!tpu.dma_semaphore, #tpu.memory_space<semaphore_mem>>) {add = true}
        %dma_wait3A_237 = arith.constant 0 : i32
        %dma_wait3A_238 = arith.constant 0 : i32
        %dma_wait3A_239 = tpu.memref_slice %arg17[%dma_wait3A_237, %dma_wait3A_238] : memref<10240x128xf32, #tpu.memory_space<vmem_shared>> -> memref<10240x128xf32, #tpu.memory_space<vmem_shared>>
        tpu.wait_indirect_dma semaphore(%run_scoped3A : memref<!tpu.dma_semaphore, #tpu.memory_space<semaphore_mem>>) src(%arg7 : memref<128x128xf32, #tpu.memory_space<vmem>>) dst(%dma_wait3A_239 : memref<10240x128xf32, #tpu.memory_space<vmem_shared>>)
        tpu.yield
      }) : () -> ()
      %lt3A = arith.constant 19 : i32
      %lt3A_161 = arith.cmpi slt, %scan3A_152, %lt3A : i32
      %convert_element_type3A_162 = arith.extui %lt3A_161 : i1 to i32
      %cond3A_163 = arith.constant 0 : i32
      %cond3A_164 = arith.cmpi ne, %convert_element_type3A_162, %cond3A_163 : i32
      scf.if %cond3A_164 {
        %add3A_234 = arith.addi %mul3A_2, %add3A_157 : i32
        %add3A_235 = arith.constant 4 : i32
        %add3A_236 = arith.addi %add3A_234, %add3A_235 : i32
        %mul3A_237 = arith.constant 128 : i32
        %mul3A_238 = arith.muli %add3A_236, %mul3A_237 : i32
        %dma_start3A_239 = tpu.memref_slice %arg3[%mul3A_238] : memref<327680xi32, #tpu.memory_space<hbm>> -> memref<128xi32, #tpu.memory_space<hbm>>
        %dma_start3A_240 = tpu.memref_slice %arg3[%mul3A_238] : memref<327680xi32, #tpu.memory_space<hbm>> -> memref<128xi32, #tpu.memory_space<hbm>>
        tpu.enqueue_dma source(%dma_start3A_240 : memref<128xi32, #tpu.memory_space<hbm>>) target(%arg9 : memref<128xi32, #tpu.memory_space<vmem>>) target_semaphore(%arg20 : memref<!tpu.dma_semaphore, #tpu.memory_space<semaphore_mem>>)
        %add3A_241 = arith.addi %mul3A_2, %add3A_157 : i32
        %add3A_242 = arith.constant 4 : i32
        %add3A_243 = arith.addi %add3A_241, %add3A_242 : i32
        %mul3A_244 = arith.constant 128 : i32
        %mul3A_245 = arith.muli %add3A_243, %mul3A_244 : i32
        %dma_start3A_246 = tpu.memref_slice %arg4[%mul3A_245] : memref<327680xi32, #tpu.memory_space<hbm>> -> memref<128xi32, #tpu.memory_space<hbm>>
        %dma_start3A_247 = tpu.memref_slice %arg4[%mul3A_245] : memref<327680xi32, #tpu.memory_space<hbm>> -> memref<128xi32, #tpu.memory_space<hbm>>
        tpu.enqueue_dma source(%dma_start3A_247 : memref<128xi32, #tpu.memory_space<hbm>>) target(%arg13 : memref<128xi32, #tpu.memory_space<vmem>>) target_semaphore(%arg20 : memref<!tpu.dma_semaphore, #tpu.memory_space<semaphore_mem>>)
      } else {
      }
      %dma_wait3A_165 = arith.constant 0 : i32
      %dma_wait3A_166 = tpu.memref_slice %arg3[%dma_wait3A_165] : memref<327680xi32, #tpu.memory_space<hbm>> -> memref<128xi32, #tpu.memory_space<hbm>>
      %dma_wait3A_167 = arith.constant 0 : i32
      %dma_wait3A_168 = tpu.memref_slice %arg3[%dma_wait3A_167] : memref<327680xi32, #tpu.memory_space<hbm>> -> memref<128xi32, #tpu.memory_space<hbm>>
      tpu.wait_dma2 semaphore(%arg22 : memref<!tpu.dma_semaphore, #tpu.memory_space<semaphore_mem>>) src(%dma_wait3A_168 : memref<128xi32, #tpu.memory_space<hbm>>) dst(%arg11 : memref<128xi32, #tpu.memory_space<vmem>>)
      %dma_wait3A_169 = arith.constant 0 : i32
      %dma_wait3A_170 = tpu.memref_slice %arg3[%dma_wait3A_169] : memref<327680xi32, #tpu.memory_space<hbm>> -> memref<128xi32, #tpu.memory_space<hbm>>
      %dma_wait3A_171 = arith.constant 0 : i32
      %dma_wait3A_172 = tpu.memref_slice %arg3[%dma_wait3A_171] : memref<327680xi32, #tpu.memory_space<hbm>> -> memref<128xi32, #tpu.memory_space<hbm>>
      tpu.wait_dma2 semaphore(%arg22 : memref<!tpu.dma_semaphore, #tpu.memory_space<semaphore_mem>>) src(%dma_wait3A_172 : memref<128xi32, #tpu.memory_space<hbm>>) dst(%arg15 : memref<128xi32, #tpu.memory_space<vmem>>)
      %dma_start3A_173 = arith.constant 0 : i32
      %dma_start3A_174 = arith.constant 0 : i32
      %dma_start3A_175 = tpu.memref_slice %arg2[%dma_start3A_173, %dma_start3A_174] : memref<10240x128xf32, #tpu.memory_space<hbm>> -> memref<10240x128xf32, #tpu.memory_space<hbm>>
      tpu.enqueue_indirect_dma source(%dma_start3A_175 : memref<10240x128xf32, #tpu.memory_space<hbm>>) target(%arg7 : memref<128x128xf32, #tpu.memory_space<vmem>>) offsets(%arg11 : memref<128xi32, #tpu.memory_space<vmem>>) semaphore(%arg18 : memref<!tpu.dma_semaphore, #tpu.memory_space<semaphore_mem>>)
      %mul3A_176 = arith.constant 4 : i32
      %mul3A_177 = arith.muli %scan3A_152, %mul3A_176 : i32
      %add3A_178 = arith.constant 1 : i32
      %add3A_179 = arith.addi %mul3A_177, %add3A_178 : i32
      %dma_wait3A_180 = arith.constant 0 : i32
      %dma_wait3A_181 = arith.constant 0 : i32
      %dma_wait3A_182 = tpu.memref_slice %arg2[%dma_wait3A_180, %dma_wait3A_181] : memref<10240x128xf32, #tpu.memory_space<hbm>> -> memref<10240x128xf32, #tpu.memory_space<hbm>>
      tpu.wait_indirect_dma semaphore(%arg19 : memref<!tpu.dma_semaphore, #tpu.memory_space<semaphore_mem>>) src(%dma_wait3A_182 : memref<10240x128xf32, #tpu.memory_space<hbm>>) dst(%arg8 : memref<128x128xf32, #tpu.memory_space<vmem>>)
      "tpu.region"() ({
        %run_scoped3A = tpu.sem_alloc : memref<!tpu.dma_semaphore, #tpu.memory_space<semaphore_mem>>
        %dma_start3A_234 = arith.constant 0 : i32
        %dma_start3A_235 = arith.constant 0 : i32
        %dma_start3A_236 = tpu.memref_slice %arg17[%dma_start3A_234, %dma_start3A_235] : memref<10240x128xf32, #tpu.memory_space<vmem_shared>> -> memref<10240x128xf32, #tpu.memory_space<vmem_shared>>
        tpu.enqueue_indirect_dma source(%arg8 : memref<128x128xf32, #tpu.memory_space<vmem>>) target(%dma_start3A_236 : memref<10240x128xf32, #tpu.memory_space<vmem_shared>>) offsets(%arg14 : memref<128xi32, #tpu.memory_space<vmem>>) semaphore(%run_scoped3A : memref<!tpu.dma_semaphore, #tpu.memory_space<semaphore_mem>>) {add = true}
        %dma_wait3A_237 = arith.constant 0 : i32
        %dma_wait3A_238 = arith.constant 0 : i32
        %dma_wait3A_239 = tpu.memref_slice %arg17[%dma_wait3A_237, %dma_wait3A_238] : memref<10240x128xf32, #tpu.memory_space<vmem_shared>> -> memref<10240x128xf32, #tpu.memory_space<vmem_shared>>
        tpu.wait_indirect_dma semaphore(%run_scoped3A : memref<!tpu.dma_semaphore, #tpu.memory_space<semaphore_mem>>) src(%arg8 : memref<128x128xf32, #tpu.memory_space<vmem>>) dst(%dma_wait3A_239 : memref<10240x128xf32, #tpu.memory_space<vmem_shared>>)
        tpu.yield
      }) : () -> ()
      %lt3A_183 = arith.constant 19 : i32
      %lt3A_184 = arith.cmpi slt, %scan3A_152, %lt3A_183 : i32
      %convert_element_type3A_185 = arith.extui %lt3A_184 : i1 to i32
      %cond3A_186 = arith.constant 0 : i32
      %cond3A_187 = arith.cmpi ne, %convert_element_type3A_185, %cond3A_186 : i32
      scf.if %cond3A_187 {
        %add3A_234 = arith.addi %mul3A_2, %add3A_179 : i32
        %add3A_235 = arith.constant 4 : i32
        %add3A_236 = arith.addi %add3A_234, %add3A_235 : i32
        %mul3A_237 = arith.constant 128 : i32
        %mul3A_238 = arith.muli %add3A_236, %mul3A_237 : i32
        %dma_start3A_239 = tpu.memref_slice %arg3[%mul3A_238] : memref<327680xi32, #tpu.memory_space<hbm>> -> memref<128xi32, #tpu.memory_space<hbm>>
        %dma_start3A_240 = tpu.memref_slice %arg3[%mul3A_238] : memref<327680xi32, #tpu.memory_space<hbm>> -> memref<128xi32, #tpu.memory_space<hbm>>
        tpu.enqueue_dma source(%dma_start3A_240 : memref<128xi32, #tpu.memory_space<hbm>>) target(%arg10 : memref<128xi32, #tpu.memory_space<vmem>>) target_semaphore(%arg21 : memref<!tpu.dma_semaphore, #tpu.memory_space<semaphore_mem>>)
        %add3A_241 = arith.addi %mul3A_2, %add3A_179 : i32
        %add3A_242 = arith.constant 4 : i32
        %add3A_243 = arith.addi %add3A_241, %add3A_242 : i32
        %mul3A_244 = arith.constant 128 : i32
        %mul3A_245 = arith.muli %add3A_243, %mul3A_244 : i32
        %dma_start3A_246 = tpu.memref_slice %arg4[%mul3A_245] : memref<327680xi32, #tpu.memory_space<hbm>> -> memref<128xi32, #tpu.memory_space<hbm>>
        %dma_start3A_247 = tpu.memref_slice %arg4[%mul3A_245] : memref<327680xi32, #tpu.memory_space<hbm>> -> memref<128xi32, #tpu.memory_space<hbm>>
        tpu.enqueue_dma source(%dma_start3A_247 : memref<128xi32, #tpu.memory_space<hbm>>) target(%arg14 : memref<128xi32, #tpu.memory_space<vmem>>) target_semaphore(%arg21 : memref<!tpu.dma_semaphore, #tpu.memory_space<semaphore_mem>>)
      } else {
      }
      %dma_wait3A_188 = arith.constant 0 : i32
      %dma_wait3A_189 = tpu.memref_slice %arg3[%dma_wait3A_188] : memref<327680xi32, #tpu.memory_space<hbm>> -> memref<128xi32, #tpu.memory_space<hbm>>
      %dma_wait3A_190 = arith.constant 0 : i32
      %dma_wait3A_191 = tpu.memref_slice %arg3[%dma_wait3A_190] : memref<327680xi32, #tpu.memory_space<hbm>> -> memref<128xi32, #tpu.memory_space<hbm>>
      tpu.wait_dma2 semaphore(%arg23 : memref<!tpu.dma_semaphore, #tpu.memory_space<semaphore_mem>>) src(%dma_wait3A_191 : memref<128xi32, #tpu.memory_space<hbm>>) dst(%arg12 : memref<128xi32, #tpu.memory_space<vmem>>)
      %dma_wait3A_192 = arith.constant 0 : i32
      %dma_wait3A_193 = tpu.memref_slice %arg3[%dma_wait3A_192] : memref<327680xi32, #tpu.memory_space<hbm>> -> memref<128xi32, #tpu.memory_space<hbm>>
      %dma_wait3A_194 = arith.constant 0 : i32
      %dma_wait3A_195 = tpu.memref_slice %arg3[%dma_wait3A_194] : memref<327680xi32, #tpu.memory_space<hbm>> -> memref<128xi32, #tpu.memory_space<hbm>>
      tpu.wait_dma2 semaphore(%arg23 : memref<!tpu.dma_semaphore, #tpu.memory_space<semaphore_mem>>) src(%dma_wait3A_195 : memref<128xi32, #tpu.memory_space<hbm>>) dst(%arg16 : memref<128xi32, #tpu.memory_space<vmem>>)
      %dma_start3A_196 = arith.constant 0 : i32
      %dma_start3A_197 = arith.constant 0 : i32
      %dma_start3A_198 = tpu.memref_slice %arg2[%dma_start3A_196, %dma_start3A_197] : memref<10240x128xf32, #tpu.memory_space<hbm>> -> memref<10240x128xf32, #tpu.memory_space<hbm>>
      tpu.enqueue_indirect_dma source(%dma_start3A_198 : memref<10240x128xf32, #tpu.memory_space<hbm>>) target(%arg8 : memref<128x128xf32, #tpu.memory_space<vmem>>) offsets(%arg12 : memref<128xi32, #tpu.memory_space<vmem>>) semaphore(%arg19 : memref<!tpu.dma_semaphore, #tpu.memory_space<semaphore_mem>>)
      %mul3A_199 = arith.constant 4 : i32
      %mul3A_200 = arith.muli %scan3A_152, %mul3A_199 : i32
      %add3A_201 = arith.constant 2 : i32
      %add3A_202 = arith.addi %mul3A_200, %add3A_201 : i32
      %dma_wait3A_203 = arith.constant 0 : i32
      %dma_wait3A_204 = arith.constant 0 : i32
      %dma_wait3A_205 = tpu.memref_slice %arg2[%dma_wait3A_203, %dma_wait3A_204] : memref<10240x128xf32, #tpu.memory_space<hbm>> -> memref<10240x128xf32, #tpu.memory_space<hbm>>
      tpu.wait_indirect_dma semaphore(%arg18 : memref<!tpu.dma_semaphore, #tpu.memory_space<semaphore_mem>>) src(%dma_wait3A_205 : memref<10240x128xf32, #tpu.memory_space<hbm>>) dst(%arg7 : memref<128x128xf32, #tpu.memory_space<vmem>>)
      "tpu.region"() ({
        %run_scoped3A = tpu.sem_alloc : memref<!tpu.dma_semaphore, #tpu.memory_space<semaphore_mem>>
        %dma_start3A_234 = arith.constant 0 : i32
        %dma_start3A_235 = arith.constant 0 : i32
        %dma_start3A_236 = tpu.memref_slice %arg17[%dma_start3A_234, %dma_start3A_235] : memref<10240x128xf32, #tpu.memory_space<vmem_shared>> -> memref<10240x128xf32, #tpu.memory_space<vmem_shared>>
        tpu.enqueue_indirect_dma source(%arg7 : memref<128x128xf32, #tpu.memory_space<vmem>>) target(%dma_start3A_236 : memref<10240x128xf32, #tpu.memory_space<vmem_shared>>) offsets(%arg15 : memref<128xi32, #tpu.memory_space<vmem>>) semaphore(%run_scoped3A : memref<!tpu.dma_semaphore, #tpu.memory_space<semaphore_mem>>) {add = true}
        %dma_wait3A_237 = arith.constant 0 : i32
        %dma_wait3A_238 = arith.constant 0 : i32
        %dma_wait3A_239 = tpu.memref_slice %arg17[%dma_wait3A_237, %dma_wait3A_238] : memref<10240x128xf32, #tpu.memory_space<vmem_shared>> -> memref<10240x128xf32, #tpu.memory_space<vmem_shared>>
        tpu.wait_indirect_dma semaphore(%run_scoped3A : memref<!tpu.dma_semaphore, #tpu.memory_space<semaphore_mem>>) src(%arg7 : memref<128x128xf32, #tpu.memory_space<vmem>>) dst(%dma_wait3A_239 : memref<10240x128xf32, #tpu.memory_space<vmem_shared>>)
        tpu.yield
      }) : () -> ()
      %lt3A_206 = arith.constant 19 : i32
      %lt3A_207 = arith.cmpi slt, %scan3A_152, %lt3A_206 : i32
      %convert_element_type3A_208 = arith.extui %lt3A_207 : i1 to i32
      %cond3A_209 = arith.constant 0 : i32
      %cond3A_210 = arith.cmpi ne, %convert_element_type3A_208, %cond3A_209 : i32
      scf.if %cond3A_210 {
        %add3A_234 = arith.addi %mul3A_2, %add3A_202 : i32
        %add3A_235 = arith.constant 4 : i32
        %add3A_236 = arith.addi %add3A_234, %add3A_235 : i32
        %mul3A_237 = arith.constant 128 : i32
        %mul3A_238 = arith.muli %add3A_236, %mul3A_237 : i32
        %dma_start3A_239 = tpu.memref_slice %arg3[%mul3A_238] : memref<327680xi32, #tpu.memory_space<hbm>> -> memref<128xi32, #tpu.memory_space<hbm>>
        %dma_start3A_240 = tpu.memref_slice %arg3[%mul3A_238] : memref<327680xi32, #tpu.memory_space<hbm>> -> memref<128xi32, #tpu.memory_space<hbm>>
        tpu.enqueue_dma source(%dma_start3A_240 : memref<128xi32, #tpu.memory_space<hbm>>) target(%arg11 : memref<128xi32, #tpu.memory_space<vmem>>) target_semaphore(%arg22 : memref<!tpu.dma_semaphore, #tpu.memory_space<semaphore_mem>>)
        %add3A_241 = arith.addi %mul3A_2, %add3A_202 : i32
        %add3A_242 = arith.constant 4 : i32
        %add3A_243 = arith.addi %add3A_241, %add3A_242 : i32
        %mul3A_244 = arith.constant 128 : i32
        %mul3A_245 = arith.muli %add3A_243, %mul3A_244 : i32
        %dma_start3A_246 = tpu.memref_slice %arg4[%mul3A_245] : memref<327680xi32, #tpu.memory_space<hbm>> -> memref<128xi32, #tpu.memory_space<hbm>>
        %dma_start3A_247 = tpu.memref_slice %arg4[%mul3A_245] : memref<327680xi32, #tpu.memory_space<hbm>> -> memref<128xi32, #tpu.memory_space<hbm>>
        tpu.enqueue_dma source(%dma_start3A_247 : memref<128xi32, #tpu.memory_space<hbm>>) target(%arg15 : memref<128xi32, #tpu.memory_space<vmem>>) target_semaphore(%arg22 : memref<!tpu.dma_semaphore, #tpu.memory_space<semaphore_mem>>)
      } else {
      }
      %lt3A_211 = arith.constant 19 : i32
      %lt3A_212 = arith.cmpi slt, %scan3A_152, %lt3A_211 : i32
      %convert_element_type3A_213 = arith.extui %lt3A_212 : i1 to i32
      %cond3A_214 = arith.constant 0 : i32
      %cond3A_215 = arith.cmpi ne, %convert_element_type3A_213, %cond3A_214 : i32
      scf.if %cond3A_215 {
        %dma_wait3A_234 = arith.constant 0 : i32
        %dma_wait3A_235 = tpu.memref_slice %arg3[%dma_wait3A_234] : memref<327680xi32, #tpu.memory_space<hbm>> -> memref<128xi32, #tpu.memory_space<hbm>>
        %dma_wait3A_236 = arith.constant 0 : i32
        %dma_wait3A_237 = tpu.memref_slice %arg3[%dma_wait3A_236] : memref<327680xi32, #tpu.memory_space<hbm>> -> memref<128xi32, #tpu.memory_space<hbm>>
        tpu.wait_dma2 semaphore(%arg20 : memref<!tpu.dma_semaphore, #tpu.memory_space<semaphore_mem>>) src(%dma_wait3A_237 : memref<128xi32, #tpu.memory_space<hbm>>) dst(%arg9 : memref<128xi32, #tpu.memory_space<vmem>>)
        %dma_wait3A_238 = arith.constant 0 : i32
        %dma_wait3A_239 = tpu.memref_slice %arg3[%dma_wait3A_238] : memref<327680xi32, #tpu.memory_space<hbm>> -> memref<128xi32, #tpu.memory_space<hbm>>
        %dma_wait3A_240 = arith.constant 0 : i32
        %dma_wait3A_241 = tpu.memref_slice %arg3[%dma_wait3A_240] : memref<327680xi32, #tpu.memory_space<hbm>> -> memref<128xi32, #tpu.memory_space<hbm>>
        tpu.wait_dma2 semaphore(%arg20 : memref<!tpu.dma_semaphore, #tpu.memory_space<semaphore_mem>>) src(%dma_wait3A_241 : memref<128xi32, #tpu.memory_space<hbm>>) dst(%arg13 : memref<128xi32, #tpu.memory_space<vmem>>)
        %dma_start3A_242 = arith.constant 0 : i32
        %dma_start3A_243 = arith.constant 0 : i32
        %dma_start3A_244 = tpu.memref_slice %arg2[%dma_start3A_242, %dma_start3A_243] : memref<10240x128xf32, #tpu.memory_space<hbm>> -> memref<10240x128xf32, #tpu.memory_space<hbm>>
        tpu.enqueue_indirect_dma source(%dma_start3A_244 : memref<10240x128xf32, #tpu.memory_space<hbm>>) target(%arg7 : memref<128x128xf32, #tpu.memory_space<vmem>>) offsets(%arg9 : memref<128xi32, #tpu.memory_space<vmem>>) semaphore(%arg18 : memref<!tpu.dma_semaphore, #tpu.memory_space<semaphore_mem>>)
      } else {
      }
      %mul3A_216 = arith.constant 4 : i32
      %mul3A_217 = arith.muli %scan3A_152, %mul3A_216 : i32
      %add3A_218 = arith.constant 3 : i32
      %add3A_219 = arith.addi %mul3A_217, %add3A_218 : i32
      %dma_wait3A_220 = arith.constant 0 : i32
      %dma_wait3A_221 = arith.constant 0 : i32
      %dma_wait3A_222 = tpu.memref_slice %arg2[%dma_wait3A_220, %dma_wait3A_221] : memref<10240x128xf32, #tpu.memory_space<hbm>> -> memref<10240x128xf32, #tpu.memory_space<hbm>>
      tpu.wait_indirect_dma semaphore(%arg19 : memref<!tpu.dma_semaphore, #tpu.memory_space<semaphore_mem>>) src(%dma_wait3A_222 : memref<10240x128xf32, #tpu.memory_space<hbm>>) dst(%arg8 : memref<128x128xf32, #tpu.memory_space<vmem>>)
      "tpu.region"() ({
        %run_scoped3A = tpu.sem_alloc : memref<!tpu.dma_semaphore, #tpu.memory_space<semaphore_mem>>
        %dma_start3A_234 = arith.constant 0 : i32
        %dma_start3A_235 = arith.constant 0 : i32
        %dma_start3A_236 = tpu.memref_slice %arg17[%dma_start3A_234, %dma_start3A_235] : memref<10240x128xf32, #tpu.memory_space<vmem_shared>> -> memref<10240x128xf32, #tpu.memory_space<vmem_shared>>
        tpu.enqueue_indirect_dma source(%arg8 : memref<128x128xf32, #tpu.memory_space<vmem>>) target(%dma_start3A_236 : memref<10240x128xf32, #tpu.memory_space<vmem_shared>>) offsets(%arg16 : memref<128xi32, #tpu.memory_space<vmem>>) semaphore(%run_scoped3A : memref<!tpu.dma_semaphore, #tpu.memory_space<semaphore_mem>>) {add = true}
        %dma_wait3A_237 = arith.constant 0 : i32
        %dma_wait3A_238 = arith.constant 0 : i32
        %dma_wait3A_239 = tpu.memref_slice %arg17[%dma_wait3A_237, %dma_wait3A_238] : memref<10240x128xf32, #tpu.memory_space<vmem_shared>> -> memref<10240x128xf32, #tpu.memory_space<vmem_shared>>
        tpu.wait_indirect_dma semaphore(%run_scoped3A : memref<!tpu.dma_semaphore, #tpu.memory_space<semaphore_mem>>) src(%arg8 : memref<128x128xf32, #tpu.memory_space<vmem>>) dst(%dma_wait3A_239 : memref<10240x128xf32, #tpu.memory_space<vmem_shared>>)
        tpu.yield
      }) : () -> ()
      %lt3A_223 = arith.constant 19 : i32
      %lt3A_224 = arith.cmpi slt, %scan3A_152, %lt3A_223 : i32
      %convert_element_type3A_225 = arith.extui %lt3A_224 : i1 to i32
      %cond3A_226 = arith.constant 0 : i32
      %cond3A_227 = arith.cmpi ne, %convert_element_type3A_225, %cond3A_226 : i32
      scf.if %cond3A_227 {
        %add3A_234 = arith.addi %mul3A_2, %add3A_219 : i32
        %add3A_235 = arith.constant 4 : i32
        %add3A_236 = arith.addi %add3A_234, %add3A_235 : i32
        %mul3A_237 = arith.constant 128 : i32
        %mul3A_238 = arith.muli %add3A_236, %mul3A_237 : i32
        %dma_start3A_239 = tpu.memref_slice %arg3[%mul3A_238] : memref<327680xi32, #tpu.memory_space<hbm>> -> memref<128xi32, #tpu.memory_space<hbm>>
        %dma_start3A_240 = tpu.memref_slice %arg3[%mul3A_238] : memref<327680xi32, #tpu.memory_space<hbm>> -> memref<128xi32, #tpu.memory_space<hbm>>
        tpu.enqueue_dma source(%dma_start3A_240 : memref<128xi32, #tpu.memory_space<hbm>>) target(%arg12 : memref<128xi32, #tpu.memory_space<vmem>>) target_semaphore(%arg23 : memref<!tpu.dma_semaphore, #tpu.memory_space<semaphore_mem>>)
        %add3A_241 = arith.addi %mul3A_2, %add3A_219 : i32
        %add3A_242 = arith.constant 4 : i32
        %add3A_243 = arith.addi %add3A_241, %add3A_242 : i32
        %mul3A_244 = arith.constant 128 : i32
        %mul3A_245 = arith.muli %add3A_243, %mul3A_244 : i32
        %dma_start3A_246 = tpu.memref_slice %arg4[%mul3A_245] : memref<327680xi32, #tpu.memory_space<hbm>> -> memref<128xi32, #tpu.memory_space<hbm>>
        %dma_start3A_247 = tpu.memref_slice %arg4[%mul3A_245] : memref<327680xi32, #tpu.memory_space<hbm>> -> memref<128xi32, #tpu.memory_space<hbm>>
        tpu.enqueue_dma source(%dma_start3A_247 : memref<128xi32, #tpu.memory_space<hbm>>) target(%arg16 : memref<128xi32, #tpu.memory_space<vmem>>) target_semaphore(%arg23 : memref<!tpu.dma_semaphore, #tpu.memory_space<semaphore_mem>>)
      } else {
      }
      %lt3A_228 = arith.constant 19 : i32
      %lt3A_229 = arith.cmpi slt, %scan3A_152, %lt3A_228 : i32
      %convert_element_type3A_230 = arith.extui %lt3A_229 : i1 to i32
      %cond3A_231 = arith.constant 0 : i32
      %cond3A_232 = arith.cmpi ne, %convert_element_type3A_230, %cond3A_231 : i32
      scf.if %cond3A_232 {
        %dma_wait3A_234 = arith.constant 0 : i32
        %dma_wait3A_235 = tpu.memref_slice %arg3[%dma_wait3A_234] : memref<327680xi32, #tpu.memory_space<hbm>> -> memref<128xi32, #tpu.memory_space<hbm>>
        %dma_wait3A_236 = arith.constant 0 : i32
        %dma_wait3A_237 = tpu.memref_slice %arg3[%dma_wait3A_236] : memref<327680xi32, #tpu.memory_space<hbm>> -> memref<128xi32, #tpu.memory_space<hbm>>
        tpu.wait_dma2 semaphore(%arg21 : memref<!tpu.dma_semaphore, #tpu.memory_space<semaphore_mem>>) src(%dma_wait3A_237 : memref<128xi32, #tpu.memory_space<hbm>>) dst(%arg10 : memref<128xi32, #tpu.memory_space<vmem>>)
        %dma_wait3A_238 = arith.constant 0 : i32
        %dma_wait3A_239 = tpu.memref_slice %arg3[%dma_wait3A_238] : memref<327680xi32, #tpu.memory_space<hbm>> -> memref<128xi32, #tpu.memory_space<hbm>>
        %dma_wait3A_240 = arith.constant 0 : i32
        %dma_wait3A_241 = tpu.memref_slice %arg3[%dma_wait3A_240] : memref<327680xi32, #tpu.memory_space<hbm>> -> memref<128xi32, #tpu.memory_space<hbm>>
        tpu.wait_dma2 semaphore(%arg21 : memref<!tpu.dma_semaphore, #tpu.memory_space<semaphore_mem>>) src(%dma_wait3A_241 : memref<128xi32, #tpu.memory_space<hbm>>) dst(%arg14 : memref<128xi32, #tpu.memory_space<vmem>>)
        %dma_start3A_242 = arith.constant 0 : i32
        %dma_start3A_243 = arith.constant 0 : i32
        %dma_start3A_244 = tpu.memref_slice %arg2[%dma_start3A_242, %dma_start3A_243] : memref<10240x128xf32, #tpu.memory_space<hbm>> -> memref<10240x128xf32, #tpu.memory_space<hbm>>
        tpu.enqueue_indirect_dma source(%dma_start3A_244 : memref<10240x128xf32, #tpu.memory_space<hbm>>) target(%arg8 : memref<128x128xf32, #tpu.memory_space<vmem>>) offsets(%arg10 : memref<128xi32, #tpu.memory_space<vmem>>) semaphore(%arg19 : memref<!tpu.dma_semaphore, #tpu.memory_space<semaphore_mem>>)
      } else {
      }
      %scan3A_233 = arith.constant 0 : i32
      scf.yield %scan3A_233 : i32
    }
    %scan3A_143 = arith.constant 20 : i32
    %barrier3A_144 = arith.constant 0 : index
    tpu.barrier barrier_id(%barrier3A_144)
    %eq3A = arith.constant 0 : i32
    %eq3A_145 = arith.cmpi eq, %arg0, %eq3A : i32
    %convert_element_type3A = arith.extui %eq3A_145 : i1 to i32
    %cond3A = arith.constant 0 : i32
    %cond3A_146 = arith.cmpi ne, %convert_element_type3A, %cond3A : i32
    scf.if %cond3A_146 {
      %mul3A_152 = arith.constant 640 : i32
      %mul3A_153 = arith.muli %arg1, %mul3A_152 : i32
      %mul3A_154 = arith.constant 640 : i32
      %mul3A_155 = arith.muli %arg1, %mul3A_154 : i32
      "tpu.region"() ({
        %run_scoped3A = tpu.sem_alloc : memref<!tpu.dma_semaphore, #tpu.memory_space<semaphore_mem>>
        %dma_start3A_156 = arith.constant 0 : i32
        %dma_start3A_157 = tpu.memref_slice %arg5[%mul3A_155, %dma_start3A_156] : memref<10240x128xf32, #tpu.memory_space<hbm>> -> memref<640x128xf32, #tpu.memory_space<hbm>>
        %dma_start3A_158 = arith.constant 0 : i32
        %dma_start3A_159 = tpu.memref_slice %arg17[%mul3A_153, %dma_start3A_158] : memref<10240x128xf32, #tpu.memory_space<vmem_shared>> -> memref<640x128xf32, #tpu.memory_space<vmem_shared>>
        tpu.enqueue_dma source(%dma_start3A_159 : memref<640x128xf32, #tpu.memory_space<vmem_shared>>) target(%dma_start3A_157 : memref<640x128xf32, #tpu.memory_space<hbm>>) target_semaphore(%run_scoped3A : memref<!tpu.dma_semaphore, #tpu.memory_space<semaphore_mem>>)
        %dma_wait3A_160 = arith.constant 0 : i32
        %dma_wait3A_161 = tpu.memref_slice %arg5[%mul3A_155, %dma_wait3A_160] : memref<10240x128xf32, #tpu.memory_space<hbm>> -> memref<640x128xf32, #tpu.memory_space<hbm>>
        %dma_wait3A_162 = arith.constant 0 : i32
        %dma_wait3A_163 = tpu.memref_slice %arg17[%mul3A_153, %dma_wait3A_162] : memref<10240x128xf32, #tpu.memory_space<vmem_shared>> -> memref<640x128xf32, #tpu.memory_space<vmem_shared>>
        tpu.wait_dma2 semaphore(%run_scoped3A : memref<!tpu.dma_semaphore, #tpu.memory_space<semaphore_mem>>) src(%dma_wait3A_163 : memref<640x128xf32, #tpu.memory_space<vmem_shared>>) dst(%dma_wait3A_161 : memref<640x128xf32, #tpu.memory_space<hbm>>)
        tpu.yield
      }) : () -> ()
    } else {
    }
    %eq3A_147 = arith.constant 1 : i32
    %eq3A_148 = arith.cmpi eq, %arg0, %eq3A_147 : i32
    %convert_element_type3A_149 = arith.extui %eq3A_148 : i1 to i32
    %cond3A_150 = arith.constant 0 : i32
    %cond3A_151 = arith.cmpi ne, %convert_element_type3A_149, %cond3A_150 : i32
    scf.if %cond3A_151 {
      %mul3A_152 = arith.constant 640 : i32
      %mul3A_153 = arith.muli %arg1, %mul3A_152 : i32
      %mul3A_154 = arith.constant 640 : i32
      %mul3A_155 = arith.muli %arg1, %mul3A_154 : i32
      "tpu.region"() ({
        %run_scoped3A = tpu.sem_alloc : memref<!tpu.dma_semaphore, #tpu.memory_space<semaphore_mem>>
        %dma_start3A_156 = arith.constant 0 : i32
        %dma_start3A_157 = tpu.memref_slice %arg6[%mul3A_155, %dma_start3A_156] : memref<10240x128xf32, #tpu.memory_space<hbm>> -> memref<640x128xf32, #tpu.memory_space<hbm>>
        %dma_start3A_158 = arith.constant 0 : i32
        %dma_start3A_159 = tpu.memref_slice %arg17[%mul3A_153, %dma_start3A_158] : memref<10240x128xf32, #tpu.memory_space<vmem_shared>> -> memref<640x128xf32, #tpu.memory_space<vmem_shared>>
        tpu.enqueue_dma source(%dma_start3A_159 : memref<640x128xf32, #tpu.memory_space<vmem_shared>>) target(%dma_start3A_157 : memref<640x128xf32, #tpu.memory_space<hbm>>) target_semaphore(%run_scoped3A : memref<!tpu.dma_semaphore, #tpu.memory_space<semaphore_mem>>)
        %dma_wait3A_160 = arith.constant 0 : i32
        %dma_wait3A_161 = tpu.memref_slice %arg6[%mul3A_155, %dma_wait3A_160] : memref<10240x128xf32, #tpu.memory_space<hbm>> -> memref<640x128xf32, #tpu.memory_space<hbm>>
        %dma_wait3A_162 = arith.constant 0 : i32
        %dma_wait3A_163 = tpu.memref_slice %arg17[%mul3A_153, %dma_wait3A_162] : memref<10240x128xf32, #tpu.memory_space<vmem_shared>> -> memref<640x128xf32, #tpu.memory_space<vmem_shared>>
        tpu.wait_dma2 semaphore(%run_scoped3A : memref<!tpu.dma_semaphore, #tpu.memory_space<semaphore_mem>>) src(%dma_wait3A_163 : memref<640x128xf32, #tpu.memory_space<vmem_shared>>) dst(%dma_wait3A_161 : memref<640x128xf32, #tpu.memory_space<hbm>>)
        tpu.yield
      }) : () -> ()
    } else {
    }
    return
  }
}

#map = affine_map<(d0, d1) -> (0, 0)>
#map1 = affine_map<(d0, d1) -> (0)>
module attributes {stable_mosaic.version = 14 : i64} {
  func.func @agg2k(%arg0: i32, %arg1: i32, %arg2: memref<10240x128xf32, #tpu.memory_space<hbm>>, %arg3: memref<327680xi32, #tpu.memory_space<hbm>>, %arg4: memref<327680xi32, #tpu.memory_space<hbm>>, %arg5: memref<10240x128xf32, #tpu.memory_space<hbm>>, %arg6: memref<10240x128xf32, #tpu.memory_space<hbm>>, %arg7: memref<128x128xf32, #tpu.memory_space<vmem>>, %arg8: memref<128x128xf32, #tpu.memory_space<vmem>>, %arg9: memref<128xi32, #tpu.memory_space<vmem>>, %arg10: memref<128xi32, #tpu.memory_space<vmem>>, %arg11: memref<128xi32, #tpu.memory_space<vmem>>, %arg12: memref<128xi32, #tpu.memory_space<vmem>>, %arg13: memref<128xi32, #tpu.memory_space<vmem>>, %arg14: memref<128xi32, #tpu.memory_space<vmem>>, %arg15: memref<128xi32, #tpu.memory_space<vmem>>, %arg16: memref<128xi32, #tpu.memory_space<vmem>>, %arg17: memref<10240x128xf32, #tpu.memory_space<vmem_shared>>, %arg18: memref<!tpu.dma_semaphore, #tpu.memory_space<semaphore_mem>>, %arg19: memref<!tpu.dma_semaphore, #tpu.memory_space<semaphore_mem>>, %arg20: memref<!tpu.dma_semaphore, #tpu.memory_space<semaphore_mem>>, %arg21: memref<!tpu.dma_semaphore, #tpu.memory_space<semaphore_mem>>, %arg22: memref<!tpu.dma_semaphore, #tpu.memory_space<semaphore_mem>>, %arg23: memref<!tpu.dma_semaphore, #tpu.memory_space<semaphore_mem>>) attributes {dimension_semantics = [#tpu.dimension_semantics<core_parallel>, #tpu.dimension_semantics<subcore_parallel>], iteration_bounds = array<i64: 2, 16>, scalar_prefetch = 0 : i64, scratch_operands = 17 : i64, tpu.core_type = #tpu.core_type<sc_vector_subcore>, window_params = [{transform_indices = #map}, {transform_indices = #map1}, {transform_indices = #map1}, {transform_indices = #map}, {transform_indices = #map}]} {
    %mul3A = arith.constant 16 : i32
    %mul3A_0 = arith.muli %arg0, %mul3A : i32
    %add3A = arith.addi %mul3A_0, %arg1 : i32
    %mul3A_1 = arith.constant 80 : i32
    %mul3A_2 = arith.muli %add3A, %mul3A_1 : i32
    %scan3A = arith.constant 0 : i32
    %scan3A_3 = arith.constant 0 : i32
    %scan3A_4 = arith.constant 128 : i32
    %scan3A_5 = arith.addi %scan3A_3, %scan3A_4 : i32
    %scan3A_6 = arith.constant 1 : i32
    %scan3A_7 = scf.for %scan3A_152 = %scan3A_3 to %scan3A_5 step %scan3A_6 iter_args(%scan3A_153 = %scan3A) -> (i32)  : i32 {
      %broadcast_in_dim3A = arith.constant 0.000000e+00 : f32
      %broadcast_in_dim3A_154 = vector.broadcast %broadcast_in_dim3A : f32 to vector<16xf32>
      %swap3A = arith.index_cast %scan3A_152 : i32 to index
      %swap3A_155 = arith.constant 0 : index
      %swap3A_156 = tpu.vector_load %arg7[%swap3A, %swap3A_155] {strides = array<i32>} : memref<128x128xf32, #tpu.memory_space<vmem>>, vector<1x16xf32>,
      %swap3A_157 = vector.shape_cast %swap3A_156 : vector<1x16xf32> to vector<16xf32>
      %swap3A_158 = vector.shape_cast %broadcast_in_dim3A_154 : vector<16xf32> to vector<1x16xf32>
      tpu.vector_store %arg7[%swap3A, %swap3A_155], %swap3A_158 {strides = array<i32>} : memref<128x128xf32, #tpu.memory_space<vmem>>, vector<1x16xf32>,
      %broadcast_in_dim3A_159 = arith.constant 0.000000e+00 : f32
      %broadcast_in_dim3A_160 = vector.broadcast %broadcast_in_dim3A_159 : f32 to vector<16xf32>
      %swap3A_161 = arith.index_cast %scan3A_152 : i32 to index
      %swap3A_162 = arith.constant 16 : index
      %swap3A_163 = tpu.vector_load %arg7[%swap3A_161, %swap3A_162] {strides = array<i32>} : memref<128x128xf32, #tpu.memory_space<vmem>>, vector<1x16xf32>,
      %swap3A_164 = vector.shape_cast %swap3A_163 : vector<1x16xf32> to vector<16xf32>
      %swap3A_165 = vector.shape_cast %broadcast_in_dim3A_160 : vector<16xf32> to vector<1x16xf32>
      tpu.vector_store %arg7[%swap3A_161, %swap3A_162], %swap3A_165 {strides = array<i32>} : memref<128x128xf32, #tpu.memory_space<vmem>>, vector<1x16xf32>,
      %broadcast_in_dim3A_166 = arith.constant 0.000000e+00 : f32
      %broadcast_in_dim3A_167 = vector.broadcast %broadcast_in_dim3A_166 : f32 to vector<16xf32>
      %swap3A_168 = arith.index_cast %scan3A_152 : i32 to index
      %swap3A_169 = arith.constant 32 : index
      %swap3A_170 = tpu.vector_load %arg7[%swap3A_168, %swap3A_169] {strides = array<i32>} : memref<128x128xf32, #tpu.memory_space<vmem>>, vector<1x16xf32>,
      %swap3A_171 = vector.shape_cast %swap3A_170 : vector<1x16xf32> to vector<16xf32>
      %swap3A_172 = vector.shape_cast %broadcast_in_dim3A_167 : vector<16xf32> to vector<1x16xf32>
      tpu.vector_store %arg7[%swap3A_168, %swap3A_169], %swap3A_172 {strides = array<i32>} : memref<128x128xf32, #tpu.memory_space<vmem>>, vector<1x16xf32>,
      %broadcast_in_dim3A_173 = arith.constant 0.000000e+00 : f32
      %broadcast_in_dim3A_174 = vector.broadcast %broadcast_in_dim3A_173 : f32 to vector<16xf32>
      %swap3A_175 = arith.index_cast %scan3A_152 : i32 to index
      %swap3A_176 = arith.constant 48 : index
      %swap3A_177 = tpu.vector_load %arg7[%swap3A_175, %swap3A_176] {strides = array<i32>} : memref<128x128xf32, #tpu.memory_space<vmem>>, vector<1x16xf32>,
      %swap3A_178 = vector.shape_cast %swap3A_177 : vector<1x16xf32> to vector<16xf32>
      %swap3A_179 = vector.shape_cast %broadcast_in_dim3A_174 : vector<16xf32> to vector<1x16xf32>
      tpu.vector_store %arg7[%swap3A_175, %swap3A_176], %swap3A_179 {strides = array<i32>} : memref<128x128xf32, #tpu.memory_space<vmem>>, vector<1x16xf32>,
      %broadcast_in_dim3A_180 = arith.constant 0.000000e+00 : f32
      %broadcast_in_dim3A_181 = vector.broadcast %broadcast_in_dim3A_180 : f32 to vector<16xf32>
      %swap3A_182 = arith.index_cast %scan3A_152 : i32 to index
      %swap3A_183 = arith.constant 64 : index
      %swap3A_184 = tpu.vector_load %arg7[%swap3A_182, %swap3A_183] {strides = array<i32>} : memref<128x128xf32, #tpu.memory_space<vmem>>, vector<1x16xf32>,
      %swap3A_185 = vector.shape_cast %swap3A_184 : vector<1x16xf32> to vector<16xf32>
      %swap3A_186 = vector.shape_cast %broadcast_in_dim3A_181 : vector<16xf32> to vector<1x16xf32>
      tpu.vector_store %arg7[%swap3A_182, %swap3A_183], %swap3A_186 {strides = array<i32>} : memref<128x128xf32, #tpu.memory_space<vmem>>, vector<1x16xf32>,
      %broadcast_in_dim3A_187 = arith.constant 0.000000e+00 : f32
      %broadcast_in_dim3A_188 = vector.broadcast %broadcast_in_dim3A_187 : f32 to vector<16xf32>
      %swap3A_189 = arith.index_cast %scan3A_152 : i32 to index
      %swap3A_190 = arith.constant 80 : index
      %swap3A_191 = tpu.vector_load %arg7[%swap3A_189, %swap3A_190] {strides = array<i32>} : memref<128x128xf32, #tpu.memory_space<vmem>>, vector<1x16xf32>,
      %swap3A_192 = vector.shape_cast %swap3A_191 : vector<1x16xf32> to vector<16xf32>
      %swap3A_193 = vector.shape_cast %broadcast_in_dim3A_188 : vector<16xf32> to vector<1x16xf32>
      tpu.vector_store %arg7[%swap3A_189, %swap3A_190], %swap3A_193 {strides = array<i32>} : memref<128x128xf32, #tpu.memory_space<vmem>>, vector<1x16xf32>,
      %broadcast_in_dim3A_194 = arith.constant 0.000000e+00 : f32
      %broadcast_in_dim3A_195 = vector.broadcast %broadcast_in_dim3A_194 : f32 to vector<16xf32>
      %swap3A_196 = arith.index_cast %scan3A_152 : i32 to index
      %swap3A_197 = arith.constant 96 : index
      %swap3A_198 = tpu.vector_load %arg7[%swap3A_196, %swap3A_197] {strides = array<i32>} : memref<128x128xf32, #tpu.memory_space<vmem>>, vector<1x16xf32>,
      %swap3A_199 = vector.shape_cast %swap3A_198 : vector<1x16xf32> to vector<16xf32>
      %swap3A_200 = vector.shape_cast %broadcast_in_dim3A_195 : vector<16xf32> to vector<1x16xf32>
      tpu.vector_store %arg7[%swap3A_196, %swap3A_197], %swap3A_200 {strides = array<i32>} : memref<128x128xf32, #tpu.memory_space<vmem>>, vector<1x16xf32>,
      %broadcast_in_dim3A_201 = arith.constant 0.000000e+00 : f32
      %broadcast_in_dim3A_202 = vector.broadcast %broadcast_in_dim3A_201 : f32 to vector<16xf32>
      %swap3A_203 = arith.index_cast %scan3A_152 : i32 to index
      %swap3A_204 = arith.constant 112 : index
      %swap3A_205 = tpu.vector_load %arg7[%swap3A_203, %swap3A_204] {strides = array<i32>} : memref<128x128xf32, #tpu.memory_space<vmem>>, vector<1x16xf32>,
      %swap3A_206 = vector.shape_cast %swap3A_205 : vector<1x16xf32> to vector<16xf32>
      %swap3A_207 = vector.shape_cast %broadcast_in_dim3A_202 : vector<16xf32> to vector<1x16xf32>
      tpu.vector_store %arg7[%swap3A_203, %swap3A_204], %swap3A_207 {strides = array<i32>} : memref<128x128xf32, #tpu.memory_space<vmem>>, vector<1x16xf32>,
      %scan3A_208 = arith.constant 0 : i32
      scf.yield %scan3A_208 : i32
    }
    %scan3A_8 = arith.constant 128 : i32
    %mul3A_9 = arith.constant 640 : i32
    %mul3A_10 = arith.muli %arg1, %mul3A_9 : i32
    %add3A_11 = arith.constant 0 : i32
    %add3A_12 = arith.addi %mul3A_10, %add3A_11 : i32
    %mul3A_13 = arith.constant 640 : i32
    %mul3A_14 = arith.muli %arg1, %mul3A_13 : i32
    %add3A_15 = arith.constant 128 : i32
    %add3A_16 = arith.addi %mul3A_14, %add3A_15 : i32
    %mul3A_17 = arith.constant 640 : i32
    %mul3A_18 = arith.muli %arg1, %mul3A_17 : i32
    %add3A_19 = arith.constant 256 : i32
    %add3A_20 = arith.addi %mul3A_18, %add3A_19 : i32
    %mul3A_21 = arith.constant 640 : i32
    %mul3A_22 = arith.muli %arg1, %mul3A_21 : i32
    %add3A_23 = arith.constant 384 : i32
    %add3A_24 = arith.addi %mul3A_22, %add3A_23 : i32
    %mul3A_25 = arith.constant 640 : i32
    %mul3A_26 = arith.muli %arg1, %mul3A_25 : i32
    %add3A_27 = arith.constant 512 : i32
    %add3A_28 = arith.addi %mul3A_26, %add3A_27 : i32
    %dma_start3A = arith.constant 0 : i32
    %dma_start3A_29 = tpu.memref_slice %arg17[%add3A_12, %dma_start3A] : memref<10240x128xf32, #tpu.memory_space<vmem_shared>> -> memref<128x128xf32, #tpu.memory_space<vmem_shared>>
    %dma_start3A_30 = arith.constant 0 : i32
    %dma_start3A_31 = tpu.memref_slice %arg17[%add3A_12, %dma_start3A_30] : memref<10240x128xf32, #tpu.memory_space<vmem_shared>> -> memref<128x128xf32, #tpu.memory_space<vmem_shared>>
    tpu.enqueue_dma source(%arg7 : memref<128x128xf32, #tpu.memory_space<vmem>>) target(%dma_start3A_31 : memref<128x128xf32, #tpu.memory_space<vmem_shared>>) target_semaphore(%arg18 : memref<!tpu.dma_semaphore, #tpu.memory_space<semaphore_mem>>)
    %dma_start3A_32 = arith.constant 0 : i32
    %dma_start3A_33 = tpu.memref_slice %arg17[%add3A_16, %dma_start3A_32] : memref<10240x128xf32, #tpu.memory_space<vmem_shared>> -> memref<128x128xf32, #tpu.memory_space<vmem_shared>>
    %dma_start3A_34 = arith.constant 0 : i32
    %dma_start3A_35 = tpu.memref_slice %arg17[%add3A_16, %dma_start3A_34] : memref<10240x128xf32, #tpu.memory_space<vmem_shared>> -> memref<128x128xf32, #tpu.memory_space<vmem_shared>>
    tpu.enqueue_dma source(%arg7 : memref<128x128xf32, #tpu.memory_space<vmem>>) target(%dma_start3A_35 : memref<128x128xf32, #tpu.memory_space<vmem_shared>>) target_semaphore(%arg18 : memref<!tpu.dma_semaphore, #tpu.memory_space<semaphore_mem>>)
    %dma_start3A_36 = arith.constant 0 : i32
    %dma_start3A_37 = tpu.memref_slice %arg17[%add3A_20, %dma_start3A_36] : memref<10240x128xf32, #tpu.memory_space<vmem_shared>> -> memref<128x128xf32, #tpu.memory_space<vmem_shared>>
    %dma_start3A_38 = arith.constant 0 : i32
    %dma_start3A_39 = tpu.memref_slice %arg17[%add3A_20, %dma_start3A_38] : memref<10240x128xf32, #tpu.memory_space<vmem_shared>> -> memref<128x128xf32, #tpu.memory_space<vmem_shared>>
    tpu.enqueue_dma source(%arg7 : memref<128x128xf32, #tpu.memory_space<vmem>>) target(%dma_start3A_39 : memref<128x128xf32, #tpu.memory_space<vmem_shared>>) target_semaphore(%arg18 : memref<!tpu.dma_semaphore, #tpu.memory_space<semaphore_mem>>)
    %dma_start3A_40 = arith.constant 0 : i32
    %dma_start3A_41 = tpu.memref_slice %arg17[%add3A_24, %dma_start3A_40] : memref<10240x128xf32, #tpu.memory_space<vmem_shared>> -> memref<128x128xf32, #tpu.memory_space<vmem_shared>>
    %dma_start3A_42 = arith.constant 0 : i32
    %dma_start3A_43 = tpu.memref_slice %arg17[%add3A_24, %dma_start3A_42] : memref<10240x128xf32, #tpu.memory_space<vmem_shared>> -> memref<128x128xf32, #tpu.memory_space<vmem_shared>>
    tpu.enqueue_dma source(%arg7 : memref<128x128xf32, #tpu.memory_space<vmem>>) target(%dma_start3A_43 : memref<128x128xf32, #tpu.memory_space<vmem_shared>>) target_semaphore(%arg18 : memref<!tpu.dma_semaphore, #tpu.memory_space<semaphore_mem>>)
    %dma_start3A_44 = arith.constant 0 : i32
    %dma_start3A_45 = tpu.memref_slice %arg17[%add3A_28, %dma_start3A_44] : memref<10240x128xf32, #tpu.memory_space<vmem_shared>> -> memref<128x128xf32, #tpu.memory_space<vmem_shared>>
    %dma_start3A_46 = arith.constant 0 : i32
    %dma_start3A_47 = tpu.memref_slice %arg17[%add3A_28, %dma_start3A_46] : memref<10240x128xf32, #tpu.memory_space<vmem_shared>> -> memref<128x128xf32, #tpu.memory_space<vmem_shared>>
    tpu.enqueue_dma source(%arg7 : memref<128x128xf32, #tpu.memory_space<vmem>>) target(%dma_start3A_47 : memref<128x128xf32, #tpu.memory_space<vmem_shared>>) target_semaphore(%arg18 : memref<!tpu.dma_semaphore, #tpu.memory_space<semaphore_mem>>)
    %dma_wait3A = arith.constant 0 : i32
    %dma_wait3A_48 = tpu.memref_slice %arg17[%add3A_12, %dma_wait3A] : memref<10240x128xf32, #tpu.memory_space<vmem_shared>> -> memref<128x128xf32, #tpu.memory_space<vmem_shared>>
    %dma_wait3A_49 = arith.constant 0 : i32
    %dma_wait3A_50 = tpu.memref_slice %arg17[%add3A_12, %dma_wait3A_49] : memref<10240x128xf32, #tpu.memory_space<vmem_shared>> -> memref<128x128xf32, #tpu.memory_space<vmem_shared>>
    tpu.wait_dma2 semaphore(%arg18 : memref<!tpu.dma_semaphore, #tpu.memory_space<semaphore_mem>>) src(%arg7 : memref<128x128xf32, #tpu.memory_space<vmem>>) dst(%dma_wait3A_50 : memref<128x128xf32, #tpu.memory_space<vmem_shared>>)
    %dma_wait3A_51 = arith.constant 0 : i32
    %dma_wait3A_52 = tpu.memref_slice %arg17[%add3A_16, %dma_wait3A_51] : memref<10240x128xf32, #tpu.memory_space<vmem_shared>> -> memref<128x128xf32, #tpu.memory_space<vmem_shared>>
    %dma_wait3A_53 = arith.constant 0 : i32
    %dma_wait3A_54 = tpu.memref_slice %arg17[%add3A_16, %dma_wait3A_53] : memref<10240x128xf32, #tpu.memory_space<vmem_shared>> -> memref<128x128xf32, #tpu.memory_space<vmem_shared>>
    tpu.wait_dma2 semaphore(%arg18 : memref<!tpu.dma_semaphore, #tpu.memory_space<semaphore_mem>>) src(%arg7 : memref<128x128xf32, #tpu.memory_space<vmem>>) dst(%dma_wait3A_54 : memref<128x128xf32, #tpu.memory_space<vmem_shared>>)
    %dma_wait3A_55 = arith.constant 0 : i32
    %dma_wait3A_56 = tpu.memref_slice %arg17[%add3A_20, %dma_wait3A_55] : memref<10240x128xf32, #tpu.memory_space<vmem_shared>> -> memref<128x128xf32, #tpu.memory_space<vmem_shared>>
    %dma_wait3A_57 = arith.constant 0 : i32
    %dma_wait3A_58 = tpu.memref_slice %arg17[%add3A_20, %dma_wait3A_57] : memref<10240x128xf32, #tpu.memory_space<vmem_shared>> -> memref<128x128xf32, #tpu.memory_space<vmem_shared>>
    tpu.wait_dma2 semaphore(%arg18 : memref<!tpu.dma_semaphore, #tpu.memory_space<semaphore_mem>>) src(%arg7 : memref<128x128xf32, #tpu.memory_space<vmem>>) dst(%dma_wait3A_58 : memref<128x128xf32, #tpu.memory_space<vmem_shared>>)
    %dma_wait3A_59 = arith.constant 0 : i32
    %dma_wait3A_60 = tpu.memref_slice %arg17[%add3A_24, %dma_wait3A_59] : memref<10240x128xf32, #tpu.memory_space<vmem_shared>> -> memref<128x128xf32, #tpu.memory_space<vmem_shared>>
    %dma_wait3A_61 = arith.constant 0 : i32
    %dma_wait3A_62 = tpu.memref_slice %arg17[%add3A_24, %dma_wait3A_61] : memref<10240x128xf32, #tpu.memory_space<vmem_shared>> -> memref<128x128xf32, #tpu.memory_space<vmem_shared>>
    tpu.wait_dma2 semaphore(%arg18 : memref<!tpu.dma_semaphore, #tpu.memory_space<semaphore_mem>>) src(%arg7 : memref<128x128xf32, #tpu.memory_space<vmem>>) dst(%dma_wait3A_62 : memref<128x128xf32, #tpu.memory_space<vmem_shared>>)
    %dma_wait3A_63 = arith.constant 0 : i32
    %dma_wait3A_64 = tpu.memref_slice %arg17[%add3A_28, %dma_wait3A_63] : memref<10240x128xf32, #tpu.memory_space<vmem_shared>> -> memref<128x128xf32, #tpu.memory_space<vmem_shared>>
    %dma_wait3A_65 = arith.constant 0 : i32
    %dma_wait3A_66 = tpu.memref_slice %arg17[%add3A_28, %dma_wait3A_65] : memref<10240x128xf32, #tpu.memory_space<vmem_shared>> -> memref<128x128xf32, #tpu.memory_space<vmem_shared>>
    tpu.wait_dma2 semaphore(%arg18 : memref<!tpu.dma_semaphore, #tpu.memory_space<semaphore_mem>>) src(%arg7 : memref<128x128xf32, #tpu.memory_space<vmem>>) dst(%dma_wait3A_66 : memref<128x128xf32, #tpu.memory_space<vmem_shared>>)
    %barrier3A = arith.constant 0 : index
    tpu.barrier barrier_id(%barrier3A)
    %add3A_67 = arith.constant 0 : i32
    %add3A_68 = arith.addi %mul3A_2, %add3A_67 : i32
    %mul3A_69 = arith.constant 128 : i32
    %mul3A_70 = arith.muli %add3A_68, %mul3A_69 : i32
    %dma_start3A_71 = tpu.memref_slice %arg3[%mul3A_70] : memref<327680xi32, #tpu.memory_space<hbm>> -> memref<128xi32, #tpu.memory_space<hbm>>
    %dma_start3A_72 = tpu.memref_slice %arg3[%mul3A_70] : memref<327680xi32, #tpu.memory_space<hbm>> -> memref<128xi32, #tpu.memory_space<hbm>>
    tpu.enqueue_dma source(%dma_start3A_72 : memref<128xi32, #tpu.memory_space<hbm>>) target(%arg9 : memref<128xi32, #tpu.memory_space<vmem>>) target_semaphore(%arg20 : memref<!tpu.dma_semaphore, #tpu.memory_space<semaphore_mem>>)
    %add3A_73 = arith.constant 0 : i32
    %add3A_74 = arith.addi %mul3A_2, %add3A_73 : i32
    %mul3A_75 = arith.constant 128 : i32
    %mul3A_76 = arith.muli %add3A_74, %mul3A_75 : i32
    %dma_start3A_77 = tpu.memref_slice %arg4[%mul3A_76] : memref<327680xi32, #tpu.memory_space<hbm>> -> memref<128xi32, #tpu.memory_space<hbm>>
    %dma_start3A_78 = tpu.memref_slice %arg4[%mul3A_76] : memref<327680xi32, #tpu.memory_space<hbm>> -> memref<128xi32, #tpu.memory_space<hbm>>
    tpu.enqueue_dma source(%dma_start3A_78 : memref<128xi32, #tpu.memory_space<hbm>>) target(%arg13 : memref<128xi32, #tpu.memory_space<vmem>>) target_semaphore(%arg20 : memref<!tpu.dma_semaphore, #tpu.memory_space<semaphore_mem>>)
    %add3A_79 = arith.constant 1 : i32
    %add3A_80 = arith.addi %mul3A_2, %add3A_79 : i32
    %mul3A_81 = arith.constant 128 : i32
    %mul3A_82 = arith.muli %add3A_80, %mul3A_81 : i32
    %dma_start3A_83 = tpu.memref_slice %arg3[%mul3A_82] : memref<327680xi32, #tpu.memory_space<hbm>> -> memref<128xi32, #tpu.memory_space<hbm>>
    %dma_start3A_84 = tpu.memref_slice %arg3[%mul3A_82] : memref<327680xi32, #tpu.memory_space<hbm>> -> memref<128xi32, #tpu.memory_space<hbm>>
    tpu.enqueue_dma source(%dma_start3A_84 : memref<128xi32, #tpu.memory_space<hbm>>) target(%arg10 : memref<128xi32, #tpu.memory_space<vmem>>) target_semaphore(%arg21 : memref<!tpu.dma_semaphore, #tpu.memory_space<semaphore_mem>>)
    %add3A_85 = arith.constant 1 : i32
    %add3A_86 = arith.addi %mul3A_2, %add3A_85 : i32
    %mul3A_87 = arith.constant 128 : i32
    %mul3A_88 = arith.muli %add3A_86, %mul3A_87 : i32
    %dma_start3A_89 = tpu.memref_slice %arg4[%mul3A_88] : memref<327680xi32, #tpu.memory_space<hbm>> -> memref<128xi32, #tpu.memory_space<hbm>>
    %dma_start3A_90 = tpu.memref_slice %arg4[%mul3A_88] : memref<327680xi32, #tpu.memory_space<hbm>> -> memref<128xi32, #tpu.memory_space<hbm>>
    tpu.enqueue_dma source(%dma_start3A_90 : memref<128xi32, #tpu.memory_space<hbm>>) target(%arg14 : memref<128xi32, #tpu.memory_space<vmem>>) target_semaphore(%arg21 : memref<!tpu.dma_semaphore, #tpu.memory_space<semaphore_mem>>)
    %add3A_91 = arith.constant 2 : i32
    %add3A_92 = arith.addi %mul3A_2, %add3A_91 : i32
    %mul3A_93 = arith.constant 128 : i32
    %mul3A_94 = arith.muli %add3A_92, %mul3A_93 : i32
    %dma_start3A_95 = tpu.memref_slice %arg3[%mul3A_94] : memref<327680xi32, #tpu.memory_space<hbm>> -> memref<128xi32, #tpu.memory_space<hbm>>
    %dma_start3A_96 = tpu.memref_slice %arg3[%mul3A_94] : memref<327680xi32, #tpu.memory_space<hbm>> -> memref<128xi32, #tpu.memory_space<hbm>>
    tpu.enqueue_dma source(%dma_start3A_96 : memref<128xi32, #tpu.memory_space<hbm>>) target(%arg11 : memref<128xi32, #tpu.memory_space<vmem>>) target_semaphore(%arg22 : memref<!tpu.dma_semaphore, #tpu.memory_space<semaphore_mem>>)
    %add3A_97 = arith.constant 2 : i32
    %add3A_98 = arith.addi %mul3A_2, %add3A_97 : i32
    %mul3A_99 = arith.constant 128 : i32
    %mul3A_100 = arith.muli %add3A_98, %mul3A_99 : i32
    %dma_start3A_101 = tpu.memref_slice %arg4[%mul3A_100] : memref<327680xi32, #tpu.memory_space<hbm>> -> memref<128xi32, #tpu.memory_space<hbm>>
    %dma_start3A_102 = tpu.memref_slice %arg4[%mul3A_100] : memref<327680xi32, #tpu.memory_space<hbm>> -> memref<128xi32, #tpu.memory_space<hbm>>
    tpu.enqueue_dma source(%dma_start3A_102 : memref<128xi32, #tpu.memory_space<hbm>>) target(%arg15 : memref<128xi32, #tpu.memory_space<vmem>>) target_semaphore(%arg22 : memref<!tpu.dma_semaphore, #tpu.memory_space<semaphore_mem>>)
    %add3A_103 = arith.constant 3 : i32
    %add3A_104 = arith.addi %mul3A_2, %add3A_103 : i32
    %mul3A_105 = arith.constant 128 : i32
    %mul3A_106 = arith.muli %add3A_104, %mul3A_105 : i32
    %dma_start3A_107 = tpu.memref_slice %arg3[%mul3A_106] : memref<327680xi32, #tpu.memory_space<hbm>> -> memref<128xi32, #tpu.memory_space<hbm>>
    %dma_start3A_108 = tpu.memref_slice %arg3[%mul3A_106] : memref<327680xi32, #tpu.memory_space<hbm>> -> memref<128xi32, #tpu.memory_space<hbm>>
    tpu.enqueue_dma source(%dma_start3A_108 : memref<128xi32, #tpu.memory_space<hbm>>) target(%arg12 : memref<128xi32, #tpu.memory_space<vmem>>) target_semaphore(%arg23 : memref<!tpu.dma_semaphore, #tpu.memory_space<semaphore_mem>>)
    %add3A_109 = arith.constant 3 : i32
    %add3A_110 = arith.addi %mul3A_2, %add3A_109 : i32
    %mul3A_111 = arith.constant 128 : i32
    %mul3A_112 = arith.muli %add3A_110, %mul3A_111 : i32
    %dma_start3A_113 = tpu.memref_slice %arg4[%mul3A_112] : memref<327680xi32, #tpu.memory_space<hbm>> -> memref<128xi32, #tpu.memory_space<hbm>>
    %dma_start3A_114 = tpu.memref_slice %arg4[%mul3A_112] : memref<327680xi32, #tpu.memory_space<hbm>> -> memref<128xi32, #tpu.memory_space<hbm>>
    tpu.enqueue_dma source(%dma_start3A_114 : memref<128xi32, #tpu.memory_space<hbm>>) target(%arg16 : memref<128xi32, #tpu.memory_space<vmem>>) target_semaphore(%arg23 : memref<!tpu.dma_semaphore, #tpu.memory_space<semaphore_mem>>)
    %dma_wait3A_115 = arith.constant 0 : i32
    %dma_wait3A_116 = tpu.memref_slice %arg3[%dma_wait3A_115] : memref<327680xi32, #tpu.memory_space<hbm>> -> memref<128xi32, #tpu.memory_space<hbm>>
    %dma_wait3A_117 = arith.constant 0 : i32
    %dma_wait3A_118 = tpu.memref_slice %arg3[%dma_wait3A_117] : memref<327680xi32, #tpu.memory_space<hbm>> -> memref<128xi32, #tpu.memory_space<hbm>>
    tpu.wait_dma2 semaphore(%arg20 : memref<!tpu.dma_semaphore, #tpu.memory_space<semaphore_mem>>) src(%dma_wait3A_118 : memref<128xi32, #tpu.memory_space<hbm>>) dst(%arg9 : memref<128xi32, #tpu.memory_space<vmem>>)
    %dma_wait3A_119 = arith.constant 0 : i32
    %dma_wait3A_120 = tpu.memref_slice %arg3[%dma_wait3A_119] : memref<327680xi32, #tpu.memory_space<hbm>> -> memref<128xi32, #tpu.memory_space<hbm>>
    %dma_wait3A_121 = arith.constant 0 : i32
    %dma_wait3A_122 = tpu.memref_slice %arg3[%dma_wait3A_121] : memref<327680xi32, #tpu.memory_space<hbm>> -> memref<128xi32, #tpu.memory_space<hbm>>
    tpu.wait_dma2 semaphore(%arg20 : memref<!tpu.dma_semaphore, #tpu.memory_space<semaphore_mem>>) src(%dma_wait3A_122 : memref<128xi32, #tpu.memory_space<hbm>>) dst(%arg13 : memref<128xi32, #tpu.memory_space<vmem>>)
    %dma_start3A_123 = arith.constant 0 : i32
    %dma_start3A_124 = arith.constant 0 : i32
    %dma_start3A_125 = tpu.memref_slice %arg2[%dma_start3A_123, %dma_start3A_124] : memref<10240x128xf32, #tpu.memory_space<hbm>> -> memref<10240x128xf32, #tpu.memory_space<hbm>>
    tpu.enqueue_indirect_dma source(%dma_start3A_125 : memref<10240x128xf32, #tpu.memory_space<hbm>>) target(%arg7 : memref<128x128xf32, #tpu.memory_space<vmem>>) offsets(%arg9 : memref<128xi32, #tpu.memory_space<vmem>>) semaphore(%arg18 : memref<!tpu.dma_semaphore, #tpu.memory_space<semaphore_mem>>)
    %dma_wait3A_126 = arith.constant 0 : i32
    %dma_wait3A_127 = tpu.memref_slice %arg3[%dma_wait3A_126] : memref<327680xi32, #tpu.memory_space<hbm>> -> memref<128xi32, #tpu.memory_space<hbm>>
    %dma_wait3A_128 = arith.constant 0 : i32
    %dma_wait3A_129 = tpu.memref_slice %arg3[%dma_wait3A_128] : memref<327680xi32, #tpu.memory_space<hbm>> -> memref<128xi32, #tpu.memory_space<hbm>>
    tpu.wait_dma2 semaphore(%arg21 : memref<!tpu.dma_semaphore, #tpu.memory_space<semaphore_mem>>) src(%dma_wait3A_129 : memref<128xi32, #tpu.memory_space<hbm>>) dst(%arg10 : memref<128xi32, #tpu.memory_space<vmem>>)
    %dma_wait3A_130 = arith.constant 0 : i32
    %dma_wait3A_131 = tpu.memref_slice %arg3[%dma_wait3A_130] : memref<327680xi32, #tpu.memory_space<hbm>> -> memref<128xi32, #tpu.memory_space<hbm>>
    %dma_wait3A_132 = arith.constant 0 : i32
    %dma_wait3A_133 = tpu.memref_slice %arg3[%dma_wait3A_132] : memref<327680xi32, #tpu.memory_space<hbm>> -> memref<128xi32, #tpu.memory_space<hbm>>
    tpu.wait_dma2 semaphore(%arg21 : memref<!tpu.dma_semaphore, #tpu.memory_space<semaphore_mem>>) src(%dma_wait3A_133 : memref<128xi32, #tpu.memory_space<hbm>>) dst(%arg14 : memref<128xi32, #tpu.memory_space<vmem>>)
    %dma_start3A_134 = arith.constant 0 : i32
    %dma_start3A_135 = arith.constant 0 : i32
    %dma_start3A_136 = tpu.memref_slice %arg2[%dma_start3A_134, %dma_start3A_135] : memref<10240x128xf32, #tpu.memory_space<hbm>> -> memref<10240x128xf32, #tpu.memory_space<hbm>>
    tpu.enqueue_indirect_dma source(%dma_start3A_136 : memref<10240x128xf32, #tpu.memory_space<hbm>>) target(%arg8 : memref<128x128xf32, #tpu.memory_space<vmem>>) offsets(%arg10 : memref<128xi32, #tpu.memory_space<vmem>>) semaphore(%arg19 : memref<!tpu.dma_semaphore, #tpu.memory_space<semaphore_mem>>)
    %scan3A_137 = arith.constant 0 : i32
    %scan3A_138 = arith.constant 0 : i32
    %scan3A_139 = arith.constant 20 : i32
    %scan3A_140 = arith.addi %scan3A_138, %scan3A_139 : i32
    %scan3A_141 = arith.constant 1 : i32
    %scan3A_142 = scf.for %scan3A_152 = %scan3A_138 to %scan3A_140 step %scan3A_141 iter_args(%scan3A_153 = %scan3A_137) -> (i32)  : i32 {
      %mul3A_154 = arith.constant 4 : i32
      %mul3A_155 = arith.muli %scan3A_152, %mul3A_154 : i32
      %add3A_156 = arith.constant 0 : i32
      %add3A_157 = arith.addi %mul3A_155, %add3A_156 : i32
      %dma_wait3A_158 = arith.constant 0 : i32
      %dma_wait3A_159 = arith.constant 0 : i32
      %dma_wait3A_160 = tpu.memref_slice %arg2[%dma_wait3A_158, %dma_wait3A_159] : memref<10240x128xf32, #tpu.memory_space<hbm>> -> memref<10240x128xf32, #tpu.memory_space<hbm>>
      tpu.wait_indirect_dma semaphore(%arg18 : memref<!tpu.dma_semaphore, #tpu.memory_space<semaphore_mem>>) src(%dma_wait3A_160 : memref<10240x128xf32, #tpu.memory_space<hbm>>) dst(%arg7 : memref<128x128xf32, #tpu.memory_space<vmem>>)
      "tpu.region"() ({
        %run_scoped3A = tpu.sem_alloc : memref<!tpu.dma_semaphore, #tpu.memory_space<semaphore_mem>>
        %dma_start3A_234 = arith.constant 0 : i32
        %dma_start3A_235 = arith.constant 0 : i32
        %dma_start3A_236 = tpu.memref_slice %arg17[%dma_start3A_234, %dma_start3A_235] : memref<10240x128xf32, #tpu.memory_space<vmem_shared>> -> memref<10240x128xf32, #tpu.memory_space<vmem_shared>>
        tpu.enqueue_indirect_dma source(%arg7 : memref<128x128xf32, #tpu.memory_space<vmem>>) target(%dma_start3A_236 : memref<10240x128xf32, #tpu.memory_space<vmem_shared>>) offsets(%arg13 : memref<128xi32, #tpu.memory_space<vmem>>) semaphore(%run_scoped3A : memref<!tpu.dma_semaphore, #tpu.memory_space<semaphore_mem>>) {add = true}
        %dma_wait3A_237 = arith.constant 0 : i32
        %dma_wait3A_238 = arith.constant 0 : i32
        %dma_wait3A_239 = tpu.memref_slice %arg17[%dma_wait3A_237, %dma_wait3A_238] : memref<10240x128xf32, #tpu.memory_space<vmem_shared>> -> memref<10240x128xf32, #tpu.memory_space<vmem_shared>>
        tpu.wait_indirect_dma semaphore(%run_scoped3A : memref<!tpu.dma_semaphore, #tpu.memory_space<semaphore_mem>>) src(%arg7 : memref<128x128xf32, #tpu.memory_space<vmem>>) dst(%dma_wait3A_239 : memref<10240x128xf32, #tpu.memory_space<vmem_shared>>)
        tpu.yield
      }) : () -> ()
      %lt3A = arith.constant 19 : i32
      %lt3A_161 = arith.cmpi slt, %scan3A_152, %lt3A : i32
      %convert_element_type3A_162 = arith.extui %lt3A_161 : i1 to i32
      %cond3A_163 = arith.constant 0 : i32
      %cond3A_164 = arith.cmpi ne, %convert_element_type3A_162, %cond3A_163 : i32
      scf.if %cond3A_164 {
        %add3A_234 = arith.addi %mul3A_2, %add3A_157 : i32
        %add3A_235 = arith.constant 4 : i32
        %add3A_236 = arith.addi %add3A_234, %add3A_235 : i32
        %mul3A_237 = arith.constant 128 : i32
        %mul3A_238 = arith.muli %add3A_236, %mul3A_237 : i32
        %dma_start3A_239 = tpu.memref_slice %arg3[%mul3A_238] : memref<327680xi32, #tpu.memory_space<hbm>> -> memref<128xi32, #tpu.memory_space<hbm>>
        %dma_start3A_240 = tpu.memref_slice %arg3[%mul3A_238] : memref<327680xi32, #tpu.memory_space<hbm>> -> memref<128xi32, #tpu.memory_space<hbm>>
        tpu.enqueue_dma source(%dma_start3A_240 : memref<128xi32, #tpu.memory_space<hbm>>) target(%arg9 : memref<128xi32, #tpu.memory_space<vmem>>) target_semaphore(%arg20 : memref<!tpu.dma_semaphore, #tpu.memory_space<semaphore_mem>>)
        %add3A_241 = arith.addi %mul3A_2, %add3A_157 : i32
        %add3A_242 = arith.constant 4 : i32
        %add3A_243 = arith.addi %add3A_241, %add3A_242 : i32
        %mul3A_244 = arith.constant 128 : i32
        %mul3A_245 = arith.muli %add3A_243, %mul3A_244 : i32
        %dma_start3A_246 = tpu.memref_slice %arg4[%mul3A_245] : memref<327680xi32, #tpu.memory_space<hbm>> -> memref<128xi32, #tpu.memory_space<hbm>>
        %dma_start3A_247 = tpu.memref_slice %arg4[%mul3A_245] : memref<327680xi32, #tpu.memory_space<hbm>> -> memref<128xi32, #tpu.memory_space<hbm>>
        tpu.enqueue_dma source(%dma_start3A_247 : memref<128xi32, #tpu.memory_space<hbm>>) target(%arg13 : memref<128xi32, #tpu.memory_space<vmem>>) target_semaphore(%arg20 : memref<!tpu.dma_semaphore, #tpu.memory_space<semaphore_mem>>)
      } else {
      }
      %dma_wait3A_165 = arith.constant 0 : i32
      %dma_wait3A_166 = tpu.memref_slice %arg3[%dma_wait3A_165] : memref<327680xi32, #tpu.memory_space<hbm>> -> memref<128xi32, #tpu.memory_space<hbm>>
      %dma_wait3A_167 = arith.constant 0 : i32
      %dma_wait3A_168 = tpu.memref_slice %arg3[%dma_wait3A_167] : memref<327680xi32, #tpu.memory_space<hbm>> -> memref<128xi32, #tpu.memory_space<hbm>>
      tpu.wait_dma2 semaphore(%arg22 : memref<!tpu.dma_semaphore, #tpu.memory_space<semaphore_mem>>) src(%dma_wait3A_168 : memref<128xi32, #tpu.memory_space<hbm>>) dst(%arg11 : memref<128xi32, #tpu.memory_space<vmem>>)
      %dma_wait3A_169 = arith.constant 0 : i32
      %dma_wait3A_170 = tpu.memref_slice %arg3[%dma_wait3A_169] : memref<327680xi32, #tpu.memory_space<hbm>> -> memref<128xi32, #tpu.memory_space<hbm>>
      %dma_wait3A_171 = arith.constant 0 : i32
      %dma_wait3A_172 = tpu.memref_slice %arg3[%dma_wait3A_171] : memref<327680xi32, #tpu.memory_space<hbm>> -> memref<128xi32, #tpu.memory_space<hbm>>
      tpu.wait_dma2 semaphore(%arg22 : memref<!tpu.dma_semaphore, #tpu.memory_space<semaphore_mem>>) src(%dma_wait3A_172 : memref<128xi32, #tpu.memory_space<hbm>>) dst(%arg15 : memref<128xi32, #tpu.memory_space<vmem>>)
      %dma_start3A_173 = arith.constant 0 : i32
      %dma_start3A_174 = arith.constant 0 : i32
      %dma_start3A_175 = tpu.memref_slice %arg2[%dma_start3A_173, %dma_start3A_174] : memref<10240x128xf32, #tpu.memory_space<hbm>> -> memref<10240x128xf32, #tpu.memory_space<hbm>>
      tpu.enqueue_indirect_dma source(%dma_start3A_175 : memref<10240x128xf32, #tpu.memory_space<hbm>>) target(%arg7 : memref<128x128xf32, #tpu.memory_space<vmem>>) offsets(%arg11 : memref<128xi32, #tpu.memory_space<vmem>>) semaphore(%arg18 : memref<!tpu.dma_semaphore, #tpu.memory_space<semaphore_mem>>)
      %mul3A_176 = arith.constant 4 : i32
      %mul3A_177 = arith.muli %scan3A_152, %mul3A_176 : i32
      %add3A_178 = arith.constant 1 : i32
      %add3A_179 = arith.addi %mul3A_177, %add3A_178 : i32
      %dma_wait3A_180 = arith.constant 0 : i32
      %dma_wait3A_181 = arith.constant 0 : i32
      %dma_wait3A_182 = tpu.memref_slice %arg2[%dma_wait3A_180, %dma_wait3A_181] : memref<10240x128xf32, #tpu.memory_space<hbm>> -> memref<10240x128xf32, #tpu.memory_space<hbm>>
      tpu.wait_indirect_dma semaphore(%arg19 : memref<!tpu.dma_semaphore, #tpu.memory_space<semaphore_mem>>) src(%dma_wait3A_182 : memref<10240x128xf32, #tpu.memory_space<hbm>>) dst(%arg8 : memref<128x128xf32, #tpu.memory_space<vmem>>)
      "tpu.region"() ({
        %run_scoped3A = tpu.sem_alloc : memref<!tpu.dma_semaphore, #tpu.memory_space<semaphore_mem>>
        %dma_start3A_234 = arith.constant 0 : i32
        %dma_start3A_235 = arith.constant 0 : i32
        %dma_start3A_236 = tpu.memref_slice %arg17[%dma_start3A_234, %dma_start3A_235] : memref<10240x128xf32, #tpu.memory_space<vmem_shared>> -> memref<10240x128xf32, #tpu.memory_space<vmem_shared>>
        tpu.enqueue_indirect_dma source(%arg8 : memref<128x128xf32, #tpu.memory_space<vmem>>) target(%dma_start3A_236 : memref<10240x128xf32, #tpu.memory_space<vmem_shared>>) offsets(%arg14 : memref<128xi32, #tpu.memory_space<vmem>>) semaphore(%run_scoped3A : memref<!tpu.dma_semaphore, #tpu.memory_space<semaphore_mem>>) {add = true}
        %dma_wait3A_237 = arith.constant 0 : i32
        %dma_wait3A_238 = arith.constant 0 : i32
        %dma_wait3A_239 = tpu.memref_slice %arg17[%dma_wait3A_237, %dma_wait3A_238] : memref<10240x128xf32, #tpu.memory_space<vmem_shared>> -> memref<10240x128xf32, #tpu.memory_space<vmem_shared>>
        tpu.wait_indirect_dma semaphore(%run_scoped3A : memref<!tpu.dma_semaphore, #tpu.memory_space<semaphore_mem>>) src(%arg8 : memref<128x128xf32, #tpu.memory_space<vmem>>) dst(%dma_wait3A_239 : memref<10240x128xf32, #tpu.memory_space<vmem_shared>>)
        tpu.yield
      }) : () -> ()
      %lt3A_183 = arith.constant 19 : i32
      %lt3A_184 = arith.cmpi slt, %scan3A_152, %lt3A_183 : i32
      %convert_element_type3A_185 = arith.extui %lt3A_184 : i1 to i32
      %cond3A_186 = arith.constant 0 : i32
      %cond3A_187 = arith.cmpi ne, %convert_element_type3A_185, %cond3A_186 : i32
      scf.if %cond3A_187 {
        %add3A_234 = arith.addi %mul3A_2, %add3A_179 : i32
        %add3A_235 = arith.constant 4 : i32
        %add3A_236 = arith.addi %add3A_234, %add3A_235 : i32
        %mul3A_237 = arith.constant 128 : i32
        %mul3A_238 = arith.muli %add3A_236, %mul3A_237 : i32
        %dma_start3A_239 = tpu.memref_slice %arg3[%mul3A_238] : memref<327680xi32, #tpu.memory_space<hbm>> -> memref<128xi32, #tpu.memory_space<hbm>>
        %dma_start3A_240 = tpu.memref_slice %arg3[%mul3A_238] : memref<327680xi32, #tpu.memory_space<hbm>> -> memref<128xi32, #tpu.memory_space<hbm>>
        tpu.enqueue_dma source(%dma_start3A_240 : memref<128xi32, #tpu.memory_space<hbm>>) target(%arg10 : memref<128xi32, #tpu.memory_space<vmem>>) target_semaphore(%arg21 : memref<!tpu.dma_semaphore, #tpu.memory_space<semaphore_mem>>)
        %add3A_241 = arith.addi %mul3A_2, %add3A_179 : i32
        %add3A_242 = arith.constant 4 : i32
        %add3A_243 = arith.addi %add3A_241, %add3A_242 : i32
        %mul3A_244 = arith.constant 128 : i32
        %mul3A_245 = arith.muli %add3A_243, %mul3A_244 : i32
        %dma_start3A_246 = tpu.memref_slice %arg4[%mul3A_245] : memref<327680xi32, #tpu.memory_space<hbm>> -> memref<128xi32, #tpu.memory_space<hbm>>
        %dma_start3A_247 = tpu.memref_slice %arg4[%mul3A_245] : memref<327680xi32, #tpu.memory_space<hbm>> -> memref<128xi32, #tpu.memory_space<hbm>>
        tpu.enqueue_dma source(%dma_start3A_247 : memref<128xi32, #tpu.memory_space<hbm>>) target(%arg14 : memref<128xi32, #tpu.memory_space<vmem>>) target_semaphore(%arg21 : memref<!tpu.dma_semaphore, #tpu.memory_space<semaphore_mem>>)
      } else {
      }
      %dma_wait3A_188 = arith.constant 0 : i32
      %dma_wait3A_189 = tpu.memref_slice %arg3[%dma_wait3A_188] : memref<327680xi32, #tpu.memory_space<hbm>> -> memref<128xi32, #tpu.memory_space<hbm>>
      %dma_wait3A_190 = arith.constant 0 : i32
      %dma_wait3A_191 = tpu.memref_slice %arg3[%dma_wait3A_190] : memref<327680xi32, #tpu.memory_space<hbm>> -> memref<128xi32, #tpu.memory_space<hbm>>
      tpu.wait_dma2 semaphore(%arg23 : memref<!tpu.dma_semaphore, #tpu.memory_space<semaphore_mem>>) src(%dma_wait3A_191 : memref<128xi32, #tpu.memory_space<hbm>>) dst(%arg12 : memref<128xi32, #tpu.memory_space<vmem>>)
      %dma_wait3A_192 = arith.constant 0 : i32
      %dma_wait3A_193 = tpu.memref_slice %arg3[%dma_wait3A_192] : memref<327680xi32, #tpu.memory_space<hbm>> -> memref<128xi32, #tpu.memory_space<hbm>>
      %dma_wait3A_194 = arith.constant 0 : i32
      %dma_wait3A_195 = tpu.memref_slice %arg3[%dma_wait3A_194] : memref<327680xi32, #tpu.memory_space<hbm>> -> memref<128xi32, #tpu.memory_space<hbm>>
      tpu.wait_dma2 semaphore(%arg23 : memref<!tpu.dma_semaphore, #tpu.memory_space<semaphore_mem>>) src(%dma_wait3A_195 : memref<128xi32, #tpu.memory_space<hbm>>) dst(%arg16 : memref<128xi32, #tpu.memory_space<vmem>>)
      %dma_start3A_196 = arith.constant 0 : i32
      %dma_start3A_197 = arith.constant 0 : i32
      %dma_start3A_198 = tpu.memref_slice %arg2[%dma_start3A_196, %dma_start3A_197] : memref<10240x128xf32, #tpu.memory_space<hbm>> -> memref<10240x128xf32, #tpu.memory_space<hbm>>
      tpu.enqueue_indirect_dma source(%dma_start3A_198 : memref<10240x128xf32, #tpu.memory_space<hbm>>) target(%arg8 : memref<128x128xf32, #tpu.memory_space<vmem>>) offsets(%arg12 : memref<128xi32, #tpu.memory_space<vmem>>) semaphore(%arg19 : memref<!tpu.dma_semaphore, #tpu.memory_space<semaphore_mem>>)
      %mul3A_199 = arith.constant 4 : i32
      %mul3A_200 = arith.muli %scan3A_152, %mul3A_199 : i32
      %add3A_201 = arith.constant 2 : i32
      %add3A_202 = arith.addi %mul3A_200, %add3A_201 : i32
      %dma_wait3A_203 = arith.constant 0 : i32
      %dma_wait3A_204 = arith.constant 0 : i32
      %dma_wait3A_205 = tpu.memref_slice %arg2[%dma_wait3A_203, %dma_wait3A_204] : memref<10240x128xf32, #tpu.memory_space<hbm>> -> memref<10240x128xf32, #tpu.memory_space<hbm>>
      tpu.wait_indirect_dma semaphore(%arg18 : memref<!tpu.dma_semaphore, #tpu.memory_space<semaphore_mem>>) src(%dma_wait3A_205 : memref<10240x128xf32, #tpu.memory_space<hbm>>) dst(%arg7 : memref<128x128xf32, #tpu.memory_space<vmem>>)
      "tpu.region"() ({
        %run_scoped3A = tpu.sem_alloc : memref<!tpu.dma_semaphore, #tpu.memory_space<semaphore_mem>>
        %dma_start3A_234 = arith.constant 0 : i32
        %dma_start3A_235 = arith.constant 0 : i32
        %dma_start3A_236 = tpu.memref_slice %arg17[%dma_start3A_234, %dma_start3A_235] : memref<10240x128xf32, #tpu.memory_space<vmem_shared>> -> memref<10240x128xf32, #tpu.memory_space<vmem_shared>>
        tpu.enqueue_indirect_dma source(%arg7 : memref<128x128xf32, #tpu.memory_space<vmem>>) target(%dma_start3A_236 : memref<10240x128xf32, #tpu.memory_space<vmem_shared>>) offsets(%arg15 : memref<128xi32, #tpu.memory_space<vmem>>) semaphore(%run_scoped3A : memref<!tpu.dma_semaphore, #tpu.memory_space<semaphore_mem>>) {add = true}
        %dma_wait3A_237 = arith.constant 0 : i32
        %dma_wait3A_238 = arith.constant 0 : i32
        %dma_wait3A_239 = tpu.memref_slice %arg17[%dma_wait3A_237, %dma_wait3A_238] : memref<10240x128xf32, #tpu.memory_space<vmem_shared>> -> memref<10240x128xf32, #tpu.memory_space<vmem_shared>>
        tpu.wait_indirect_dma semaphore(%run_scoped3A : memref<!tpu.dma_semaphore, #tpu.memory_space<semaphore_mem>>) src(%arg7 : memref<128x128xf32, #tpu.memory_space<vmem>>) dst(%dma_wait3A_239 : memref<10240x128xf32, #tpu.memory_space<vmem_shared>>)
        tpu.yield
      }) : () -> ()
      %lt3A_206 = arith.constant 19 : i32
      %lt3A_207 = arith.cmpi slt, %scan3A_152, %lt3A_206 : i32
      %convert_element_type3A_208 = arith.extui %lt3A_207 : i1 to i32
      %cond3A_209 = arith.constant 0 : i32
      %cond3A_210 = arith.cmpi ne, %convert_element_type3A_208, %cond3A_209 : i32
      scf.if %cond3A_210 {
        %add3A_234 = arith.addi %mul3A_2, %add3A_202 : i32
        %add3A_235 = arith.constant 4 : i32
        %add3A_236 = arith.addi %add3A_234, %add3A_235 : i32
        %mul3A_237 = arith.constant 128 : i32
        %mul3A_238 = arith.muli %add3A_236, %mul3A_237 : i32
        %dma_start3A_239 = tpu.memref_slice %arg3[%mul3A_238] : memref<327680xi32, #tpu.memory_space<hbm>> -> memref<128xi32, #tpu.memory_space<hbm>>
        %dma_start3A_240 = tpu.memref_slice %arg3[%mul3A_238] : memref<327680xi32, #tpu.memory_space<hbm>> -> memref<128xi32, #tpu.memory_space<hbm>>
        tpu.enqueue_dma source(%dma_start3A_240 : memref<128xi32, #tpu.memory_space<hbm>>) target(%arg11 : memref<128xi32, #tpu.memory_space<vmem>>) target_semaphore(%arg22 : memref<!tpu.dma_semaphore, #tpu.memory_space<semaphore_mem>>)
        %add3A_241 = arith.addi %mul3A_2, %add3A_202 : i32
        %add3A_242 = arith.constant 4 : i32
        %add3A_243 = arith.addi %add3A_241, %add3A_242 : i32
        %mul3A_244 = arith.constant 128 : i32
        %mul3A_245 = arith.muli %add3A_243, %mul3A_244 : i32
        %dma_start3A_246 = tpu.memref_slice %arg4[%mul3A_245] : memref<327680xi32, #tpu.memory_space<hbm>> -> memref<128xi32, #tpu.memory_space<hbm>>
        %dma_start3A_247 = tpu.memref_slice %arg4[%mul3A_245] : memref<327680xi32, #tpu.memory_space<hbm>> -> memref<128xi32, #tpu.memory_space<hbm>>
        tpu.enqueue_dma source(%dma_start3A_247 : memref<128xi32, #tpu.memory_space<hbm>>) target(%arg15 : memref<128xi32, #tpu.memory_space<vmem>>) target_semaphore(%arg22 : memref<!tpu.dma_semaphore, #tpu.memory_space<semaphore_mem>>)
      } else {
      }
      %lt3A_211 = arith.constant 19 : i32
      %lt3A_212 = arith.cmpi slt, %scan3A_152, %lt3A_211 : i32
      %convert_element_type3A_213 = arith.extui %lt3A_212 : i1 to i32
      %cond3A_214 = arith.constant 0 : i32
      %cond3A_215 = arith.cmpi ne, %convert_element_type3A_213, %cond3A_214 : i32
      scf.if %cond3A_215 {
        %dma_wait3A_234 = arith.constant 0 : i32
        %dma_wait3A_235 = tpu.memref_slice %arg3[%dma_wait3A_234] : memref<327680xi32, #tpu.memory_space<hbm>> -> memref<128xi32, #tpu.memory_space<hbm>>
        %dma_wait3A_236 = arith.constant 0 : i32
        %dma_wait3A_237 = tpu.memref_slice %arg3[%dma_wait3A_236] : memref<327680xi32, #tpu.memory_space<hbm>> -> memref<128xi32, #tpu.memory_space<hbm>>
        tpu.wait_dma2 semaphore(%arg20 : memref<!tpu.dma_semaphore, #tpu.memory_space<semaphore_mem>>) src(%dma_wait3A_237 : memref<128xi32, #tpu.memory_space<hbm>>) dst(%arg9 : memref<128xi32, #tpu.memory_space<vmem>>)
        %dma_wait3A_238 = arith.constant 0 : i32
        %dma_wait3A_239 = tpu.memref_slice %arg3[%dma_wait3A_238] : memref<327680xi32, #tpu.memory_space<hbm>> -> memref<128xi32, #tpu.memory_space<hbm>>
        %dma_wait3A_240 = arith.constant 0 : i32
        %dma_wait3A_241 = tpu.memref_slice %arg3[%dma_wait3A_240] : memref<327680xi32, #tpu.memory_space<hbm>> -> memref<128xi32, #tpu.memory_space<hbm>>
        tpu.wait_dma2 semaphore(%arg20 : memref<!tpu.dma_semaphore, #tpu.memory_space<semaphore_mem>>) src(%dma_wait3A_241 : memref<128xi32, #tpu.memory_space<hbm>>) dst(%arg13 : memref<128xi32, #tpu.memory_space<vmem>>)
        %dma_start3A_242 = arith.constant 0 : i32
        %dma_start3A_243 = arith.constant 0 : i32
        %dma_start3A_244 = tpu.memref_slice %arg2[%dma_start3A_242, %dma_start3A_243] : memref<10240x128xf32, #tpu.memory_space<hbm>> -> memref<10240x128xf32, #tpu.memory_space<hbm>>
        tpu.enqueue_indirect_dma source(%dma_start3A_244 : memref<10240x128xf32, #tpu.memory_space<hbm>>) target(%arg7 : memref<128x128xf32, #tpu.memory_space<vmem>>) offsets(%arg9 : memref<128xi32, #tpu.memory_space<vmem>>) semaphore(%arg18 : memref<!tpu.dma_semaphore, #tpu.memory_space<semaphore_mem>>)
      } else {
      }
      %mul3A_216 = arith.constant 4 : i32
      %mul3A_217 = arith.muli %scan3A_152, %mul3A_216 : i32
      %add3A_218 = arith.constant 3 : i32
      %add3A_219 = arith.addi %mul3A_217, %add3A_218 : i32
      %dma_wait3A_220 = arith.constant 0 : i32
      %dma_wait3A_221 = arith.constant 0 : i32
      %dma_wait3A_222 = tpu.memref_slice %arg2[%dma_wait3A_220, %dma_wait3A_221] : memref<10240x128xf32, #tpu.memory_space<hbm>> -> memref<10240x128xf32, #tpu.memory_space<hbm>>
      tpu.wait_indirect_dma semaphore(%arg19 : memref<!tpu.dma_semaphore, #tpu.memory_space<semaphore_mem>>) src(%dma_wait3A_222 : memref<10240x128xf32, #tpu.memory_space<hbm>>) dst(%arg8 : memref<128x128xf32, #tpu.memory_space<vmem>>)
      "tpu.region"() ({
        %run_scoped3A = tpu.sem_alloc : memref<!tpu.dma_semaphore, #tpu.memory_space<semaphore_mem>>
        %dma_start3A_234 = arith.constant 0 : i32
        %dma_start3A_235 = arith.constant 0 : i32
        %dma_start3A_236 = tpu.memref_slice %arg17[%dma_start3A_234, %dma_start3A_235] : memref<10240x128xf32, #tpu.memory_space<vmem_shared>> -> memref<10240x128xf32, #tpu.memory_space<vmem_shared>>
        tpu.enqueue_indirect_dma source(%arg8 : memref<128x128xf32, #tpu.memory_space<vmem>>) target(%dma_start3A_236 : memref<10240x128xf32, #tpu.memory_space<vmem_shared>>) offsets(%arg16 : memref<128xi32, #tpu.memory_space<vmem>>) semaphore(%run_scoped3A : memref<!tpu.dma_semaphore, #tpu.memory_space<semaphore_mem>>) {add = true}
        %dma_wait3A_237 = arith.constant 0 : i32
        %dma_wait3A_238 = arith.constant 0 : i32
        %dma_wait3A_239 = tpu.memref_slice %arg17[%dma_wait3A_237, %dma_wait3A_238] : memref<10240x128xf32, #tpu.memory_space<vmem_shared>> -> memref<10240x128xf32, #tpu.memory_space<vmem_shared>>
        tpu.wait_indirect_dma semaphore(%run_scoped3A : memref<!tpu.dma_semaphore, #tpu.memory_space<semaphore_mem>>) src(%arg8 : memref<128x128xf32, #tpu.memory_space<vmem>>) dst(%dma_wait3A_239 : memref<10240x128xf32, #tpu.memory_space<vmem_shared>>)
        tpu.yield
      }) : () -> ()
      %lt3A_223 = arith.constant 19 : i32
      %lt3A_224 = arith.cmpi slt, %scan3A_152, %lt3A_223 : i32
      %convert_element_type3A_225 = arith.extui %lt3A_224 : i1 to i32
      %cond3A_226 = arith.constant 0 : i32
      %cond3A_227 = arith.cmpi ne, %convert_element_type3A_225, %cond3A_226 : i32
      scf.if %cond3A_227 {
        %add3A_234 = arith.addi %mul3A_2, %add3A_219 : i32
        %add3A_235 = arith.constant 4 : i32
        %add3A_236 = arith.addi %add3A_234, %add3A_235 : i32
        %mul3A_237 = arith.constant 128 : i32
        %mul3A_238 = arith.muli %add3A_236, %mul3A_237 : i32
        %dma_start3A_239 = tpu.memref_slice %arg3[%mul3A_238] : memref<327680xi32, #tpu.memory_space<hbm>> -> memref<128xi32, #tpu.memory_space<hbm>>
        %dma_start3A_240 = tpu.memref_slice %arg3[%mul3A_238] : memref<327680xi32, #tpu.memory_space<hbm>> -> memref<128xi32, #tpu.memory_space<hbm>>
        tpu.enqueue_dma source(%dma_start3A_240 : memref<128xi32, #tpu.memory_space<hbm>>) target(%arg12 : memref<128xi32, #tpu.memory_space<vmem>>) target_semaphore(%arg23 : memref<!tpu.dma_semaphore, #tpu.memory_space<semaphore_mem>>)
        %add3A_241 = arith.addi %mul3A_2, %add3A_219 : i32
        %add3A_242 = arith.constant 4 : i32
        %add3A_243 = arith.addi %add3A_241, %add3A_242 : i32
        %mul3A_244 = arith.constant 128 : i32
        %mul3A_245 = arith.muli %add3A_243, %mul3A_244 : i32
        %dma_start3A_246 = tpu.memref_slice %arg4[%mul3A_245] : memref<327680xi32, #tpu.memory_space<hbm>> -> memref<128xi32, #tpu.memory_space<hbm>>
        %dma_start3A_247 = tpu.memref_slice %arg4[%mul3A_245] : memref<327680xi32, #tpu.memory_space<hbm>> -> memref<128xi32, #tpu.memory_space<hbm>>
        tpu.enqueue_dma source(%dma_start3A_247 : memref<128xi32, #tpu.memory_space<hbm>>) target(%arg16 : memref<128xi32, #tpu.memory_space<vmem>>) target_semaphore(%arg23 : memref<!tpu.dma_semaphore, #tpu.memory_space<semaphore_mem>>)
      } else {
      }
      %lt3A_228 = arith.constant 19 : i32
      %lt3A_229 = arith.cmpi slt, %scan3A_152, %lt3A_228 : i32
      %convert_element_type3A_230 = arith.extui %lt3A_229 : i1 to i32
      %cond3A_231 = arith.constant 0 : i32
      %cond3A_232 = arith.cmpi ne, %convert_element_type3A_230, %cond3A_231 : i32
      scf.if %cond3A_232 {
        %dma_wait3A_234 = arith.constant 0 : i32
        %dma_wait3A_235 = tpu.memref_slice %arg3[%dma_wait3A_234] : memref<327680xi32, #tpu.memory_space<hbm>> -> memref<128xi32, #tpu.memory_space<hbm>>
        %dma_wait3A_236 = arith.constant 0 : i32
        %dma_wait3A_237 = tpu.memref_slice %arg3[%dma_wait3A_236] : memref<327680xi32, #tpu.memory_space<hbm>> -> memref<128xi32, #tpu.memory_space<hbm>>
        tpu.wait_dma2 semaphore(%arg21 : memref<!tpu.dma_semaphore, #tpu.memory_space<semaphore_mem>>) src(%dma_wait3A_237 : memref<128xi32, #tpu.memory_space<hbm>>) dst(%arg10 : memref<128xi32, #tpu.memory_space<vmem>>)
        %dma_wait3A_238 = arith.constant 0 : i32
        %dma_wait3A_239 = tpu.memref_slice %arg3[%dma_wait3A_238] : memref<327680xi32, #tpu.memory_space<hbm>> -> memref<128xi32, #tpu.memory_space<hbm>>
        %dma_wait3A_240 = arith.constant 0 : i32
        %dma_wait3A_241 = tpu.memref_slice %arg3[%dma_wait3A_240] : memref<327680xi32, #tpu.memory_space<hbm>> -> memref<128xi32, #tpu.memory_space<hbm>>
        tpu.wait_dma2 semaphore(%arg21 : memref<!tpu.dma_semaphore, #tpu.memory_space<semaphore_mem>>) src(%dma_wait3A_241 : memref<128xi32, #tpu.memory_space<hbm>>) dst(%arg14 : memref<128xi32, #tpu.memory_space<vmem>>)
        %dma_start3A_242 = arith.constant 0 : i32
        %dma_start3A_243 = arith.constant 0 : i32
        %dma_start3A_244 = tpu.memref_slice %arg2[%dma_start3A_242, %dma_start3A_243] : memref<10240x128xf32, #tpu.memory_space<hbm>> -> memref<10240x128xf32, #tpu.memory_space<hbm>>
        tpu.enqueue_indirect_dma source(%dma_start3A_244 : memref<10240x128xf32, #tpu.memory_space<hbm>>) target(%arg8 : memref<128x128xf32, #tpu.memory_space<vmem>>) offsets(%arg10 : memref<128xi32, #tpu.memory_space<vmem>>) semaphore(%arg19 : memref<!tpu.dma_semaphore, #tpu.memory_space<semaphore_mem>>)
      } else {
      }
      %scan3A_233 = arith.constant 0 : i32
      scf.yield %scan3A_233 : i32
    }
    %scan3A_143 = arith.constant 20 : i32
    %barrier3A_144 = arith.constant 0 : index
    tpu.barrier barrier_id(%barrier3A_144)
    %eq3A = arith.constant 0 : i32
    %eq3A_145 = arith.cmpi eq, %arg0, %eq3A : i32
    %convert_element_type3A = arith.extui %eq3A_145 : i1 to i32
    %cond3A = arith.constant 0 : i32
    %cond3A_146 = arith.cmpi ne, %convert_element_type3A, %cond3A : i32
    scf.if %cond3A_146 {
      %mul3A_152 = arith.constant 640 : i32
      %mul3A_153 = arith.muli %arg1, %mul3A_152 : i32
      %mul3A_154 = arith.constant 640 : i32
      %mul3A_155 = arith.muli %arg1, %mul3A_154 : i32
      "tpu.region"() ({
        %run_scoped3A = tpu.sem_alloc : memref<!tpu.dma_semaphore, #tpu.memory_space<semaphore_mem>>
        %dma_start3A_156 = arith.constant 0 : i32
        %dma_start3A_157 = tpu.memref_slice %arg5[%mul3A_155, %dma_start3A_156] : memref<10240x128xf32, #tpu.memory_space<hbm>> -> memref<640x128xf32, #tpu.memory_space<hbm>>
        %dma_start3A_158 = arith.constant 0 : i32
        %dma_start3A_159 = tpu.memref_slice %arg17[%mul3A_153, %dma_start3A_158] : memref<10240x128xf32, #tpu.memory_space<vmem_shared>> -> memref<640x128xf32, #tpu.memory_space<vmem_shared>>
        tpu.enqueue_dma source(%dma_start3A_159 : memref<640x128xf32, #tpu.memory_space<vmem_shared>>) target(%dma_start3A_157 : memref<640x128xf32, #tpu.memory_space<hbm>>) target_semaphore(%run_scoped3A : memref<!tpu.dma_semaphore, #tpu.memory_space<semaphore_mem>>)
        %dma_wait3A_160 = arith.constant 0 : i32
        %dma_wait3A_161 = tpu.memref_slice %arg5[%mul3A_155, %dma_wait3A_160] : memref<10240x128xf32, #tpu.memory_space<hbm>> -> memref<640x128xf32, #tpu.memory_space<hbm>>
        %dma_wait3A_162 = arith.constant 0 : i32
        %dma_wait3A_163 = tpu.memref_slice %arg17[%mul3A_153, %dma_wait3A_162] : memref<10240x128xf32, #tpu.memory_space<vmem_shared>> -> memref<640x128xf32, #tpu.memory_space<vmem_shared>>
        tpu.wait_dma2 semaphore(%run_scoped3A : memref<!tpu.dma_semaphore, #tpu.memory_space<semaphore_mem>>) src(%dma_wait3A_163 : memref<640x128xf32, #tpu.memory_space<vmem_shared>>) dst(%dma_wait3A_161 : memref<640x128xf32, #tpu.memory_space<hbm>>)
        tpu.yield
      }) : () -> ()
    } else {
    }
    %eq3A_147 = arith.constant 1 : i32
    %eq3A_148 = arith.cmpi eq, %arg0, %eq3A_147 : i32
    %convert_element_type3A_149 = arith.extui %eq3A_148 : i1 to i32
    %cond3A_150 = arith.constant 0 : i32
    %cond3A_151 = arith.cmpi ne, %convert_element_type3A_149, %cond3A_150 : i32
    scf.if %cond3A_151 {
      %mul3A_152 = arith.constant 640 : i32
      %mul3A_153 = arith.muli %arg1, %mul3A_152 : i32
      %mul3A_154 = arith.constant 640 : i32
      %mul3A_155 = arith.muli %arg1, %mul3A_154 : i32
      "tpu.region"() ({
        %run_scoped3A = tpu.sem_alloc : memref<!tpu.dma_semaphore, #tpu.memory_space<semaphore_mem>>
        %dma_start3A_156 = arith.constant 0 : i32
        %dma_start3A_157 = tpu.memref_slice %arg6[%mul3A_155, %dma_start3A_156] : memref<10240x128xf32, #tpu.memory_space<hbm>> -> memref<640x128xf32, #tpu.memory_space<hbm>>
        %dma_start3A_158 = arith.constant 0 : i32
        %dma_start3A_159 = tpu.memref_slice %arg17[%mul3A_153, %dma_start3A_158] : memref<10240x128xf32, #tpu.memory_space<vmem_shared>> -> memref<640x128xf32, #tpu.memory_space<vmem_shared>>
        tpu.enqueue_dma source(%dma_start3A_159 : memref<640x128xf32, #tpu.memory_space<vmem_shared>>) target(%dma_start3A_157 : memref<640x128xf32, #tpu.memory_space<hbm>>) target_semaphore(%run_scoped3A : memref<!tpu.dma_semaphore, #tpu.memory_space<semaphore_mem>>)
        %dma_wait3A_160 = arith.constant 0 : i32
        %dma_wait3A_161 = tpu.memref_slice %arg6[%mul3A_155, %dma_wait3A_160] : memref<10240x128xf32, #tpu.memory_space<hbm>> -> memref<640x128xf32, #tpu.memory_space<hbm>>
        %dma_wait3A_162 = arith.constant 0 : i32
        %dma_wait3A_163 = tpu.memref_slice %arg17[%mul3A_153, %dma_wait3A_162] : memref<10240x128xf32, #tpu.memory_space<vmem_shared>> -> memref<640x128xf32, #tpu.memory_space<vmem_shared>>
        tpu.wait_dma2 semaphore(%run_scoped3A : memref<!tpu.dma_semaphore, #tpu.memory_space<semaphore_mem>>) src(%dma_wait3A_163 : memref<640x128xf32, #tpu.memory_space<vmem_shared>>) dst(%dma_wait3A_161 : memref<640x128xf32, #tpu.memory_space<hbm>>)
        tpu.yield
      }) : () -> ()
    } else {
    }
    return
  }
}

module attributes {stable_mosaic.version = 14 : i64} {
  func.func @_s1_body(%arg0: i32, %arg1: memref<2048x128xf32, #tpu.memory_space<vmem>>, %arg2: memref<2048x1xf32, #tpu.memory_space<vmem>>, %arg3: memref<2048x128xf32, #tpu.memory_space<vmem>>, %arg4: memref<2048x1xf32, #tpu.memory_space<vmem>>) attributes {dimension_semantics = [#tpu.dimension_semantics<arbitrary>], iteration_bounds = array<i64: 5>, scalar_prefetch = 0 : i64, scratch_operands = 0 : i64, tpu.core_type = #tpu.core_type<tc>, window_params = [{transform_indices = @transform_0, window_bounds = array<i64: 2048, 128>}, {transform_indices = @transform_1, window_bounds = array<i64: 2048, 1>}, {transform_indices = @transform_2, window_bounds = array<i64: 2048, 128>}, {transform_indices = @transform_3, window_bounds = array<i64: 2048, 1>}]} {
    %get3A = arith.constant 0 : index
    %get3A_0 = arith.constant 0 : index
    %get3A_1 = vector.load %arg2[%get3A, %get3A_0] : memref<2048x1xf32, #tpu.memory_space<vmem>>, vector<2048x1xf32>
    %add3A = arith.constant 1.000000e+00 : f32
    %add3A_2 = vector.broadcast %add3A : f32 to vector<2048x1xf32>
    %add3A_3 = arith.addf %get3A_1, %add3A_2 : vector<2048x1xf32>
    %rsqrt3A = math.rsqrt %add3A_3 : vector<2048x1xf32>
    %swap3A = arith.constant 0 : index
    %swap3A_4 = arith.constant 0 : index
    %swap3A_5 = vector.load %arg4[%swap3A, %swap3A_4] : memref<2048x1xf32, #tpu.memory_space<vmem>>, vector<2048x1xf32>
    tpu.vector_store %arg4[%swap3A, %swap3A_4], %rsqrt3A {strides = array<i32>} : memref<2048x1xf32, #tpu.memory_space<vmem>>, vector<2048x1xf32>,
    %mul3A = arith.constant 2048 : i32
    %mul3A_6 = arith.muli %arg0, %mul3A : i32
    %iota3A = tpu.iota {dimensions = array<i32: 0>} : vector<2048x1xi32>
    %add3A_7 = vector.broadcast %mul3A_6 : i32 to vector<2048x1xi32>
    %add3A_8 = arith.addi %add3A_7, %iota3A : vector<2048x1xi32>
    %lt3A = arith.constant 10000 : i32
    %lt3A_9 = vector.broadcast %lt3A : i32 to vector<2048x1xi32>
    %lt3A_10 = arith.cmpi slt, %add3A_8, %lt3A_9 : vector<2048x1xi32>
    %get3A_11 = arith.constant 0 : index
    %get3A_12 = arith.constant 0 : index
    %get3A_13 = vector.load %arg1[%get3A_11, %get3A_12] : memref<2048x128xf32, #tpu.memory_space<vmem>>, vector<2048x128xf32>
    %mul3A_14 = vector.broadcast %rsqrt3A : vector<2048x1xf32> to vector<2048x128xf32>
    %mul3A_15 = arith.mulf %get3A_13, %mul3A_14 : vector<2048x128xf32>
    %jit3A = arith.constant 0.000000e+00 : f32
    %broadcast_in_dim3A = vector.shape_cast %lt3A_10 : vector<2048x1xi1> to vector<2048x1xi1>
    %broadcast_in_dim3A_16 = vector.broadcast %broadcast_in_dim3A : vector<2048x1xi1> to vector<2048x128xi1>
    %broadcast_in_dim3A_17 = vector.broadcast %jit3A : f32 to vector<2048x128xf32>
    %select_n3A = arith.select %broadcast_in_dim3A_16, %mul3A_15, %broadcast_in_dim3A_17 : vector<2048x128xi1>, vector<2048x128xf32>
    %swap3A_18 = arith.constant 0 : index
    %swap3A_19 = arith.constant 0 : index
    %swap3A_20 = vector.load %arg3[%swap3A_18, %swap3A_19] : memref<2048x128xf32, #tpu.memory_space<vmem>>, vector<2048x128xf32>
    tpu.vector_store %arg3[%swap3A_18, %swap3A_19], %select_n3A {strides = array<i32>} : memref<2048x128xf32, #tpu.memory_space<vmem>>, vector<2048x128xf32>,
    return
  }
  func.func @transform_0(%arg0: i32) -> (i32, i32) {
    %c0_i32 = arith.constant 0 : i32
    %c0_i32_0 = arith.constant 0 : i32
    return %arg0, %c0_i32 : i32, i32
  }
  func.func @transform_1(%arg0: i32) -> (i32, i32) {
    %c0_i32 = arith.constant 0 : i32
    %c0_i32_0 = arith.constant 0 : i32
    return %arg0, %c0_i32 : i32, i32
  }
  func.func @transform_2(%arg0: i32) -> (i32, i32) {
    %c0_i32 = arith.constant 0 : i32
    %c0_i32_0 = arith.constant 0 : i32
    return %arg0, %c0_i32 : i32, i32
  }
  func.func @transform_3(%arg0: i32) -> (i32, i32) {
    %c0_i32 = arith.constant 0 : i32
    %c0_i32_0 = arith.constant 0 : i32
    return %arg0, %c0_i32 : i32, i32
  }
}

module attributes {stable_mosaic.version = 14 : i64} {
  func.func @_t2_body(%arg0: i32, %arg1: memref<2048x128xf32, #tpu.memory_space<vmem>>, %arg2: memref<2048x128xf32, #tpu.memory_space<vmem>>, %arg3: memref<2048x128xf32, #tpu.memory_space<vmem>>, %arg4: memref<2048x1xf32, #tpu.memory_space<vmem>>, %arg5: memref<1x256xf32, #tpu.memory_space<vmem>>, %arg6: memref<128x256xf32, #tpu.memory_space<vmem>>, %arg7: memref<256x128xf32, #tpu.memory_space<vmem>>, %arg8: memref<2048x256xf32, #tpu.memory_space<vmem>>, %arg9: memref<2048x128xf32, #tpu.memory_space<vmem>>) attributes {dimension_semantics = [#tpu.dimension_semantics<arbitrary>], iteration_bounds = array<i64: 5>, scalar_prefetch = 0 : i64, scratch_operands = 0 : i64, tpu.core_type = #tpu.core_type<tc>, window_params = [{transform_indices = @transform_0, window_bounds = array<i64: 2048, 128>}, {transform_indices = @transform_1, window_bounds = array<i64: 2048, 128>}, {transform_indices = @transform_2, window_bounds = array<i64: 2048, 128>}, {transform_indices = @transform_3, window_bounds = array<i64: 2048, 1>}, {pipeline_mode = #tpu.pipeline_mode<synchronous>, transform_indices = @transform_4, window_bounds = array<i64: 1, 256>}, {pipeline_mode = #tpu.pipeline_mode<synchronous>, transform_indices = @transform_5, window_bounds = array<i64: 128, 256>}, {pipeline_mode = #tpu.pipeline_mode<synchronous>, transform_indices = @transform_6, window_bounds = array<i64: 256, 128>}, {transform_indices = @transform_7, window_bounds = array<i64: 2048, 256>}, {transform_indices = @transform_8, window_bounds = array<i64: 2048, 128>}]} {
    %get3A = arith.constant 0 : index
    %get3A_0 = arith.constant 0 : index
    %get3A_1 = vector.load %arg4[%get3A, %get3A_0] : memref<2048x1xf32, #tpu.memory_space<vmem>>, vector<2048x1xf32>
    %get3A_2 = arith.constant 0 : index
    %get3A_3 = arith.constant 0 : index
    %get3A_4 = vector.load %arg1[%get3A_2, %get3A_3] : memref<2048x128xf32, #tpu.memory_space<vmem>>, vector<2048x128xf32>
    %get3A_5 = arith.constant 0 : index
    %get3A_6 = arith.constant 0 : index
    %get3A_7 = vector.load %arg2[%get3A_5, %get3A_6] : memref<2048x128xf32, #tpu.memory_space<vmem>>, vector<2048x128xf32>
    %add3A = arith.addf %get3A_4, %get3A_7 : vector<2048x128xf32>
    %get3A_8 = arith.constant 0 : index
    %get3A_9 = arith.constant 0 : index
    %get3A_10 = vector.load %arg3[%get3A_8, %get3A_9] : memref<2048x128xf32, #tpu.memory_space<vmem>>, vector<2048x128xf32>
    %add3A_11 = arith.addf %add3A, %get3A_10 : vector<2048x128xf32>
    %get3A_12 = arith.constant 0 : index
    %get3A_13 = arith.constant 0 : index
    %get3A_14 = vector.load %arg6[%get3A_12, %get3A_13] : memref<128x256xf32, #tpu.memory_space<vmem>>, vector<128x256xf32>
    %dot_general3A = arith.constant dense<0.000000e+00> : vector<2048x256xf32>
    %dot_general3A_15 = tpu.matmul %add3A_11, %get3A_14, %dot_general3A {dimension_numbers = #tpu.dot_dimension_numbers<[1], [0], [0], [1], [0, 0, 1, 1], [], []>, transpose_lhs_hint = false} : vector<2048x128xf32>, vector<128x256xf32>, vector<2048x256xf32> -> vector<2048x256xf32>
    %mul3A = vector.broadcast %get3A_1 : vector<2048x1xf32> to vector<2048x256xf32>
    %mul3A_16 = arith.mulf %dot_general3A_15, %mul3A : vector<2048x256xf32>
    %get3A_17 = arith.constant 0 : index
    %get3A_18 = arith.constant 0 : index
    %get3A_19 = vector.load %arg5[%get3A_17, %get3A_18] : memref<1x256xf32, #tpu.memory_space<vmem>>, vector<1x256xf32>
    %add3A_20 = vector.broadcast %get3A_19 : vector<1x256xf32> to vector<2048x256xf32>
    %add3A_21 = arith.addf %mul3A_16, %add3A_20 : vector<2048x256xf32>
    %max3A = arith.constant 0.000000e+00 : f32
    %max3A_22 = vector.broadcast %max3A : f32 to vector<2048x256xf32>
    %max3A_23 = arith.maximumf %add3A_21, %max3A_22 : vector<2048x256xf32>
    %swap3A = arith.constant 0 : index
    %swap3A_24 = arith.constant 0 : index
    %swap3A_25 = vector.load %arg8[%swap3A, %swap3A_24] : memref<2048x256xf32, #tpu.memory_space<vmem>>, vector<2048x256xf32>
    tpu.vector_store %arg8[%swap3A, %swap3A_24], %max3A_23 {strides = array<i32>} : memref<2048x256xf32, #tpu.memory_space<vmem>>, vector<2048x256xf32>,
    %get3A_26 = arith.constant 0 : index
    %get3A_27 = arith.constant 0 : index
    %get3A_28 = vector.load %arg7[%get3A_26, %get3A_27] : memref<256x128xf32, #tpu.memory_space<vmem>>, vector<256x128xf32>
    %dot_general3A_29 = arith.constant dense<0.000000e+00> : vector<2048x128xf32>
    %dot_general3A_30 = tpu.matmul %max3A_23, %get3A_28, %dot_general3A_29 {dimension_numbers = #tpu.dot_dimension_numbers<[1], [0], [0], [1], [0, 0, 1, 1], [], []>, transpose_lhs_hint = false} : vector<2048x256xf32>, vector<256x128xf32>, vector<2048x128xf32> -> vector<2048x128xf32>
    %mul3A_31 = vector.broadcast %get3A_1 : vector<2048x1xf32> to vector<2048x128xf32>
    %mul3A_32 = arith.mulf %dot_general3A_30, %mul3A_31 : vector<2048x128xf32>
    %swap3A_33 = arith.constant 0 : index
    %swap3A_34 = arith.constant 0 : index
    %swap3A_35 = vector.load %arg9[%swap3A_33, %swap3A_34] : memref<2048x128xf32, #tpu.memory_space<vmem>>, vector<2048x128xf32>
    tpu.vector_store %arg9[%swap3A_33, %swap3A_34], %mul3A_32 {strides = array<i32>} : memref<2048x128xf32, #tpu.memory_space<vmem>>, vector<2048x128xf32>,
    return
  }
  func.func @transform_0(%arg0: i32) -> (i32, i32) {
    %c0_i32 = arith.constant 0 : i32
    %c0_i32_0 = arith.constant 0 : i32
    return %arg0, %c0_i32 : i32, i32
  }
  func.func @transform_1(%arg0: i32) -> (i32, i32) {
    %c0_i32 = arith.constant 0 : i32
    %c0_i32_0 = arith.constant 0 : i32
    return %arg0, %c0_i32 : i32, i32
  }
  func.func @transform_2(%arg0: i32) -> (i32, i32) {
    %c0_i32 = arith.constant 0 : i32
    %c0_i32_0 = arith.constant 0 : i32
    return %arg0, %c0_i32 : i32, i32
  }
  func.func @transform_3(%arg0: i32) -> (i32, i32) {
    %c0_i32 = arith.constant 0 : i32
    %c0_i32_0 = arith.constant 0 : i32
    return %arg0, %c0_i32 : i32, i32
  }
  func.func @transform_4(%arg0: i32) -> (i32, i32) {
    %c0_i32 = arith.constant 0 : i32
    %c0_i32_0 = arith.constant 0 : i32
    %c0_i32_1 = arith.constant 0 : i32
    return %c0_i32, %c0_i32_0 : i32, i32
  }
  func.func @transform_5(%arg0: i32) -> (i32, i32) {
    %c0_i32 = arith.constant 0 : i32
    %c0_i32_0 = arith.constant 0 : i32
    %c0_i32_1 = arith.constant 0 : i32
    return %c0_i32, %c0_i32_0 : i32, i32
  }
  func.func @transform_6(%arg0: i32) -> (i32, i32) {
    %c0_i32 = arith.constant 0 : i32
    %c0_i32_0 = arith.constant 0 : i32
    %c0_i32_1 = arith.constant 0 : i32
    return %c0_i32, %c0_i32_0 : i32, i32
  }
  func.func @transform_7(%arg0: i32) -> (i32, i32) {
    %c0_i32 = arith.constant 0 : i32
    %c0_i32_0 = arith.constant 0 : i32
    return %arg0, %c0_i32 : i32, i32
  }
  func.func @transform_8(%arg0: i32) -> (i32, i32) {
    %c0_i32 = arith.constant 0 : i32
    %c0_i32_0 = arith.constant 0 : i32
    return %arg0, %c0_i32 : i32, i32
  }
}

module attributes {stable_mosaic.version = 14 : i64} {
  func.func @_k3_body(%arg0: i32, %arg1: memref<2048x128xf32, #tpu.memory_space<vmem>>, %arg2: memref<2048x128xf32, #tpu.memory_space<vmem>>, %arg3: memref<2048x128xf32, #tpu.memory_space<vmem>>, %arg4: memref<2048x1xf32, #tpu.memory_space<vmem>>, %arg5: memref<1x128xf32, #tpu.memory_space<vmem>>, %arg6: memref<2048x128xf32, #tpu.memory_space<vmem>>) attributes {dimension_semantics = [#tpu.dimension_semantics<arbitrary>], iteration_bounds = array<i64: 5>, scalar_prefetch = 0 : i64, scratch_operands = 0 : i64, tpu.core_type = #tpu.core_type<tc>, window_params = [{transform_indices = @transform_0, window_bounds = array<i64: 2048, 128>}, {transform_indices = @transform_1, window_bounds = array<i64: 2048, 128>}, {transform_indices = @transform_2, window_bounds = array<i64: 2048, 128>}, {transform_indices = @transform_3, window_bounds = array<i64: 2048, 1>}, {pipeline_mode = #tpu.pipeline_mode<synchronous>, transform_indices = @transform_4, window_bounds = array<i64: 1, 128>}, {transform_indices = @transform_5, window_bounds = array<i64: 2048, 128>}]} {
    %get3A = arith.constant 0 : index
    %get3A_0 = arith.constant 0 : index
    %get3A_1 = vector.load %arg1[%get3A, %get3A_0] : memref<2048x128xf32, #tpu.memory_space<vmem>>, vector<2048x128xf32>
    %get3A_2 = arith.constant 0 : index
    %get3A_3 = arith.constant 0 : index
    %get3A_4 = vector.load %arg2[%get3A_2, %get3A_3] : memref<2048x128xf32, #tpu.memory_space<vmem>>, vector<2048x128xf32>
    %add3A = arith.addf %get3A_1, %get3A_4 : vector<2048x128xf32>
    %get3A_5 = arith.constant 0 : index
    %get3A_6 = arith.constant 0 : index
    %get3A_7 = vector.load %arg3[%get3A_5, %get3A_6] : memref<2048x128xf32, #tpu.memory_space<vmem>>, vector<2048x128xf32>
    %add3A_8 = arith.addf %add3A, %get3A_7 : vector<2048x128xf32>
    %get3A_9 = arith.constant 0 : index
    %get3A_10 = arith.constant 0 : index
    %get3A_11 = vector.load %arg4[%get3A_9, %get3A_10] : memref<2048x1xf32, #tpu.memory_space<vmem>>, vector<2048x1xf32>
    %mul3A = vector.broadcast %get3A_11 : vector<2048x1xf32> to vector<2048x128xf32>
    %mul3A_12 = arith.mulf %add3A_8, %mul3A : vector<2048x128xf32>
    %get3A_13 = arith.constant 0 : index
    %get3A_14 = arith.constant 0 : index
    %get3A_15 = vector.load %arg5[%get3A_13, %get3A_14] : memref<1x128xf32, #tpu.memory_space<vmem>>, vector<1x128xf32>
    %add3A_16 = vector.broadcast %get3A_15 : vector<1x128xf32> to vector<2048x128xf32>
    %add3A_17 = arith.addf %mul3A_12, %add3A_16 : vector<2048x128xf32>
    %swap3A = arith.constant 0 : index
    %swap3A_18 = arith.constant 0 : index
    %swap3A_19 = vector.load %arg6[%swap3A, %swap3A_18] : memref<2048x128xf32, #tpu.memory_space<vmem>>, vector<2048x128xf32>
    tpu.vector_store %arg6[%swap3A, %swap3A_18], %add3A_17 {strides = array<i32>} : memref<2048x128xf32, #tpu.memory_space<vmem>>, vector<2048x128xf32>,
    return
  }
  func.func @transform_0(%arg0: i32) -> (i32, i32) {
    %c0_i32 = arith.constant 0 : i32
    %c0_i32_0 = arith.constant 0 : i32
    return %arg0, %c0_i32 : i32, i32
  }
  func.func @transform_1(%arg0: i32) -> (i32, i32) {
    %c0_i32 = arith.constant 0 : i32
    %c0_i32_0 = arith.constant 0 : i32
    return %arg0, %c0_i32 : i32, i32
  }
  func.func @transform_2(%arg0: i32) -> (i32, i32) {
    %c0_i32 = arith.constant 0 : i32
    %c0_i32_0 = arith.constant 0 : i32
    return %arg0, %c0_i32 : i32, i32
  }
  func.func @transform_3(%arg0: i32) -> (i32, i32) {
    %c0_i32 = arith.constant 0 : i32
    %c0_i32_0 = arith.constant 0 : i32
    return %arg0, %c0_i32 : i32, i32
  }
  func.func @transform_4(%arg0: i32) -> (i32, i32) {
    %c0_i32 = arith.constant 0 : i32
    %c0_i32_0 = arith.constant 0 : i32
    %c0_i32_1 = arith.constant 0 : i32
    return %c0_i32, %c0_i32_0 : i32, i32
  }
  func.func @transform_5(%arg0: i32) -> (i32, i32) {
    %c0_i32 = arith.constant 0 : i32
    %c0_i32_0 = arith.constant 0 : i32
    return %arg0, %c0_i32 : i32, i32
  }
}

</mosaic_0001>

<sc_bundles>
// kernel: agg2k.4.cloned.1.call-start
scs
__scs_entry_jumppad:
0x0: {  	(pc) =	sbr.rel $0x88, $3  }
0x1: {  	(tag) =	ssettag $0x0;
	lr =	simm.s32 $0x1  }
0x2: {  	[smem:$0x3F9B] =	sst lr;
	_ =	strace $0xD0000000  }
0x3: {  	_ = 	snop  }
0x4: {  	_ = 	snop  }
0x5: {  	_ = 	snop  }
0x6: {  	_ = 	snop  }
0x7: {  	_ = 	snop  }
__scs_overlays_trampoline_lowered:
0x8: {  	[smem:$0x3FAA] =	sst s0  }
0x9: {  	[smem:$0x3FAB] =	sst s1  }
0xa: {  	[smem:$0x3FAC] =	sst s2  }
0xb: {  	[smem:$0x3FAD] =	sst s3  }
0xc: {  	[smem:$0x3FAE] =	sst s4  }
0xd: {  	[smem:$0x3FAF] =	sst s5  }
0xe: {  	[smem:$0x3FB0] =	sst s6  }
0xf: {  	[smem:$0x3FB1] =	sst s7  }
0x10: {  	[smem:$0x3FB2] =	sst s8  }
0x11: {  	[smem:$0x3FB3] =	sst s9;
	s0 =	simm.s32 @!p0 $0x0  }
0x12: {  	s1 =	sld [smem:$0x3F99];
	s0 =	simm.s32 @p0 $0x1  }
0x13: {  	[smem:$0x3FB4] =	sst s0;
	s0 =	simm.s32 @!p1 $0x0  }
0x14: {  	s2 =	sld [smem:$0x3F98];
	s0 =	simm.s32 @p1 $0x1  }
0x15: {  	[smem:$0x3FB5] =	sst s0;
	s0 =	simm.s32 @!p2 $0x0  }
0x16: {  	s3 =	sld [smem:$0x3FDB];
	s0 =	simm.s32 @p2 $0x1  }
0x17: {  	s4 =	simm.s32 $0x1BF5;
	[smem:$0x3FB7] =	sst s0  }
0x18: {  	s0 =	sld [smem:$0x3F9A];
	_ =	swait.ge [sflag:s4], $0x0  }
0x19: {  	s7 =	sld [smem:$0x3F9B]  }
0x1a: {  	s8 =	sadd.s32 $0xFFFFE003, lr  }
0x1b: {  	s9 =	sadd.s32 $0xFFFFFEF7, lr;
	s5 =	simm.s32 $0xFFFFFFFF;
	p2 =	slt.u32 s8, $0xFFFFF086  }
0x1c: {  	p1 =	slt.u32 s9, $0xF7A;
	s5 =	simm.s32 @!p2 $0x0  }
0x1d: {  	s5 =	simm.s32 @p1 $0x1;
	p0 =	seq.s32 s7, s2  }
0x1e: {  	s7 =	smul.u32 @!p0 $0xF7A, s2;
	p2 =	seq.s32 @!p0 s5, $0x0  }
0x1f: {  	s9 =	smul.u32 $0xF7A, s1;
	s8 =	simm.s32 @!p0 $0x1BF5;
	p2 =	por !p2, p0  }
0x20: {  	[sflag:s8] =	ssyncset.s32 @!p0 $0xFFFFF086;
	s6 =	sadd.s32 @!p0 s3, s7;
	s7 =	simm.s32 @!p0 $0x108  }
0x21: {  	s3 =	sadd.s32 s3, s9;
	s6 =	sadd.s32 @!p0 $0x88, s6;
	s7 =	simm.s32 @p2 $0x1082  }
0x22: {  	[simem:s7], [sflag:s8] =	dma.local @!p0 [hbm:s6], $0xF7A  }
0x23: {  	s9 =	sor.u32 $0xD0000000, s2;
	s6 =	simm.s32 $0x108;
	_ =	swait.ge @!p0 [sflag:s8], $0x0  }
0x24: {  	s3 =	sadd.s32 $0x88, s3;
	s6 =	simm.s32 @!p1 $0x1082;
	[sflag:s4] =	ssyncset.s32 $0xFFFFF086  }
0x25: {  	[simem:s6], [sflag:s4] =	dma.local [hbm:s3], $0xF7A  }
0x26: {  	[smem:$0x3F9B] =	sst s1;
	(tag) =	ssettag s2;
	_ =	strace s9  }
0x27: {  	s1 =	sld [smem:$0x3FAB]  }
0x28: {  	s2 =	sld [smem:$0x3FAC]  }
0x29: {  	s4 =	sld [smem:$0x3FAE]  }
0x2a: {  	p0 =	seq.s32 s5, $0x0;
	s5 =	sld [smem:$0x3FAF]  }
0x2b: {  	s6 =	sld [smem:$0x3FB0]  }
0x2c: {  	s7 =	sld [smem:$0x3FB1]  }
0x2d: {  	s3 =	simm.s32 $0x108;
	s8 =	sld [smem:$0x3FB2]  }
0x2e: {  	s3 =	simm.s32 @!p0 $0x1082;
	s9 =	sld [smem:$0x3FB3]  }
0x2f: {  	lr =	sadd.s32 s0, s3;
	s0 =	sld [smem:$0x3FAA]  }
0x30: {  	s3 =	sld [smem:$0x3FAD]  }
0x31: {  	[smem:$0x3FB6] =	sst s10  }
0x32: {  	s10 =	sld [smem:$0x3FB4];
	_ =	sdelay $0x3  }
0x33: {  	p0 =	seq.s32 s10, $0x1;
	s10 =	sld [smem:$0x3FB6];
	_ =	sdelay $0x3  }
0x34: {  	[smem:$0x3FB6] =	sst s10  }
0x35: {  	s10 =	sld [smem:$0x3FB5];
	_ =	sdelay $0x3  }
0x36: {  	p1 =	seq.s32 s10, $0x1;
	s10 =	sld [smem:$0x3FB6];
	_ =	sdelay $0x3  }
0x37: {  	[smem:$0x3FB6] =	sst s10  }
0x38: {  	s10 =	sld [smem:$0x3FB7]  }
0x39: {  	_ = 	snop;
	(pc) =	sbr.ind lr, $3  }
0x3a: {  	_ = 	snop  }
0x3b: {  	_ = 	snop  }
0x3c: {  	p2 =	seq.s32 s10, $0x1;
	s10 =	sld [smem:$0x3FB6]  }
0x3d: {  	_ =	shalt  }
0x3e: {  	_ =	shalt  }
0x3f: {  	_ =	shalt  }
0x40: {  	_ =	shalt  }
0x41: {  	_ =	shalt  }
0x42: {  	_ =	shalt  }
0x43: {  	_ =	shalt  }
0x44: {  	_ =	shalt  }
0x45: {  	_ =	shalt  }
0x46: {  	_ =	shalt  }
0x47: {  	_ =	shalt  }
0x48: {  	_ =	shalt  }
0x49: {  	_ =	shalt  }
0x4a: {  	_ =	shalt  }
0x4b: {  	_ =	shalt  }
0x4c: {  	_ =	shalt  }
0x4d: {  	_ =	shalt  }
0x4e: {  	_ =	shalt  }
0x4f: {  	_ =	shalt  }
0x50: {  	_ =	shalt  }
0x51: {  	_ =	shalt  }
0x52: {  	_ =	shalt  }
0x53: {  	_ =	shalt  }
0x54: {  	_ =	shalt  }
0x55: {  	_ =	shalt  }
0x56: {  	_ =	shalt  }
0x57: {  	_ =	shalt  }
0x58: {  	_ =	shalt  }
0x59: {  	_ =	shalt  }
0x5a: {  	_ =	shalt  }
0x5b: {  	_ =	shalt  }
0x5c: {  	_ =	shalt  }
0x5d: {  	_ =	shalt  }
0x5e: {  	_ =	shalt  }
0x5f: {  	_ =	shalt  }
0x60: {  	_ =	shalt  }
0x61: {  	_ =	shalt  }
0x62: {  	_ =	shalt  }
0x63: {  	_ =	shalt  }
0x64: {  	_ =	shalt  }
0x65: {  	_ =	shalt  }
0x66: {  	_ =	shalt  }
0x67: {  	_ =	shalt  }
0x68: {  	_ =	shalt  }
0x69: {  	_ =	shalt  }
0x6a: {  	_ =	shalt  }
0x6b: {  	_ =	shalt  }
0x6c: {  	_ =	shalt  }
0x6d: {  	_ =	shalt  }
0x6e: {  	_ =	shalt  }
0x6f: {  	_ =	shalt  }
0x70: {  	_ =	shalt  }
0x71: {  	_ =	shalt  }
0x72: {  	_ =	shalt  }
0x73: {  	_ =	shalt  }
0x74: {  	_ =	shalt  }
0x75: {  	_ =	shalt  }
0x76: {  	_ =	shalt  }
0x77: {  	_ =	shalt  }
0x78: {  	_ =	shalt  }
0x79: {  	_ =	shalt  }
0x7a: {  	_ =	shalt  }
0x7b: {  	_ =	shalt  }
0x7c: {  	_ =	shalt  }
0x7d: {  	_ =	shalt  }
0x7e: {  	_ =	shalt  }
0x7f: {  	_ =	shalt  }
0x80: {  	_ =	shalt  }
0x81: {  	_ =	shalt  }
0x82: {  	_ =	shalt  }
0x83: {  	_ =	shalt  }
0x84: {  	_ =	shalt  }
0x85: {  	_ =	shalt  }
0x86: {  	_ =	shalt  }
0x87: {  	_ =	shalt  }
.Lfunc_end0:
.L_simem_size_0:
called_computation.1_lowered:
.L_overlay_start_0:
0x88: {  	s2 =	sld [smem:$0x3FD9]  }
0x89: {  	s3 =	sld [smem:$0x3FFE];
	_ =	sdelay $0x1  }
0x8a: {  	s1 =	srdreg.scid  }
0x8b: {  	s0 =	sand.u32 $0x1, s1  }
0x8c: {  	s14 =	sshll.u32 s0, $0xA;
	s2 =	sadd.s32 s3, s2  }
0x8d: {  	s2 =	sadd.s32 s2, s14  }
0x8e: {  	[smem:$0x3FC2] =	sst s2  }
0x8f: {  	_ = 	snop  }
0x90: {  	s2 =	sld [smem:$0x3FD0];
	_ =	sdelay $0x2  }
0x91: {  	s15 =	simm.s32 $0xA;
	s4 =	simm.s32 $0x10  }
0x92: {  	[smem:s4], [sflag:s15] =	dma.local [hbm:s2], $0x1  }
0x93: {  	_ =	swait.eq [sflag:s15], $0x1  }
0x94: {  	[sflag:s15] =	ssyncset.done $0x0  }
0x95: {  	s16 =	sld [smem:$0x10];
	[sflag:s15] =	ssyncadd.s32 $0xFFFFFFFF  }
0x96: {  	s17 =	sld [smem:$0x11];
	(tm) =	ssettm $0x1  }
0x97: {  	s18 =	sld [smem:$0x3FFB];
	_ =	sdelay $0x3  }
0x98: {  	_ =	strace s18  }
0x99: {  	s4 =	sld [smem:$0x3FFC];
	_ =	sdelay $0x3  }
0x9a: {  	_ =	strace s4  }
0x9b: {  	s4 =	sld [smem:$0x3FFD];
	_ =	sdelay $0x3  }
0x9c: {  	_ =	strace s4  }
0x9d: {  	_ =	strace $0x8FFFFFFF  }
0x9e: {  	s19 =	sld [smem:$0x3FDB];
	_ =	sdelay $0x1  }
0x9f: {  	s5 =	simm.s32 $_scs_section_size  }
0xa0: {  	s6 =	simm.s32 $_size__tile_overlayer_lowered;
	s7 =	simm.s32 $_tile_overlayer_lowered  }
0xa1: {  	s22 =	simm.s32 $0x1BFF;
	s21 =	sshll.u32 s7, $0x1;
	s4 =	sadd.s32 s5, s19  }
0xa2: {  	s8 =	simm.s32 $0x0;
	s20 =	sshll.u32 s6, $0x1;
	s6 =	sadd.s32 s21, s4  }
0xa3: {  	[timem:s8], [sflag:s22] =	dma.local [hbm:s6], s20  }
0xa4: {  	_ =	swait.ge [sflag:s22], s20  }
0xa5: {  	s5 =	ssub.s32 $0x0, s20;
	[sflag:s22] =	ssyncset.done $0x0  }
0xa6: {  	[sflag:s22] =	ssyncadd.s32 s5;
	_ =	sdelay $0x1  }
0xa7: {  	s23 =	simm.s32 $0x1B8B  }
0xa8: {  	_ =	swait.ge [sflag:s23], $0x1  }
0xa9: {  	[sflag:s23] =	ssyncset.done $0x0  }
0xaa: {  	s25 =	simm.s32 $0x1B8E;
	s24 =	sld [smem:$0x3FFE];
	[sflag:s23] =	ssyncadd.s32 $0xFFFFFFFF  }
0xab: {  	s26 =	simm.s32 $execute0_lowered;
	[smem:$0x3FD2] =	sst s25  }
0xac: {  	s6 =	sshll.u32 s26, $0x1;
	_ =	strace $0x80000049;
	[dreg:$0x1] =	wrdreg $0xFFFFFFFF  }
0xad: {  	s28 =	simm.s32 $_size_execute0_lowered;
	s4 =	sadd.s32 s4, s6;
	[dreg:$0x0] =	wrdreg $0x0  }
0xae: {  	s6 =	sshll.u32 s28, $0x1;
	[dreg:$0x2] =	wrdreg s4  }
0xaf: {  	[dreg:$0x3] =	wrdreg s6  }
0xb0: {  	[dreg:$0x4] =	wrdreg $0xC0  }
0xb1: {  	_ =	task [dreg:s8], $0x5FFFF  }
0xb2: {  	[dreg:$0x1] =	wrdreg $0xFFFFFFFF  }
0xb3: {  	[dreg:$0x0] =	wrdreg $0x60  }
0xb4: {  	[dreg:$0x2] =	wrdreg s17  }
0xb5: {  	[dreg:$0x3] =	wrdreg s24  }
0xb6: {  	[dreg:$0x4] =	wrdreg s16  }
0xb7: {  	[dreg:$0x5] =	wrdreg $0x84000  }
0xb8: {  	[dreg:$0x6] =	wrdreg $0x9  }
0xb9: {  	_ =	task.clear_ibuf [dreg:s8], $0x7FFFF;
	_ =	strace $0x90000049  }
0xba: {  	s29 =	simm.s32 $0x9;
	_ =	strace $0x8000004B  }
0xbb: {  	_ =	swait.ge [sflag:s29], $0x1  }
0xbc: {  	[sflag:s29] =	ssyncadd.s32 $0xFFFFFFFF  }
0xbd: {  	_ =	strace $0x9000004B  }
0xbe: {  	_ =	sfence  }
0xbf: {  	s30 =	sld [smem:$0x0];
	_ =	sdelay $0x2  }
0xc0: {  	s31 =	sshll.u32 s1, $0xD;
	s1 =	sshrl.u32 s1, $0x2  }
0xc1: {  	s3 =	sand.u32 $0x4000, s31;
	s1 =	sadd.s32 s1, s30  }
0xc2: {  	s0 =	sor.u32 s3, s0;
	s1 =	sshll.u32 s1, $0x11  }
0xc3: {  	s0 =	sor.u32 s1, s0  }
0xc4: {  	s0 =	sadd.s32 $0x8F2B, s0  }
0xc5: {  	[sflag:s0] =	ssyncadd.remote.s32 $0x1  }
0xc6: {  	_ =	sfence.sel $0xFFFF  }
0xc7: {  	[dreg:$0x0] =	wrdreg $0xFFFFFFFF;
	(pc) =	sbr.abs _section_cstart, $3  }
0xc8: {  	[dreg:$0x1] =	wrdreg $0xFFFFFFFF  }
0xc9: {  	_ =	task.clear_ibuf [dreg:s8], $0x2FFFF;
	_ =	strace $0x9FFFFFFF  }
0xca: {  	(tm) =	ssettm $0x7FFFFFFF  }
0xcb: {  	_ =	shalt  }
tec
execute0_lowered:
.L_overlay_start_1:
0x0: {  	(tag) =	ssettag $0x1  }
0x1: {  	s1 =	rddreg [dreg:$0x0]  }
0x2: {  	s0 =	rddreg [dreg:$0x1]  }
0x3: {  	s2 =	rddreg [dreg:$0x2]  }
0x4: {  	s3 =	rddreg [dreg:$0x3];
	s4 =	simm.s32 $0x0  }
0x5: {  	s12 =	stileid.u32;
	s5 =	srdreg.scid;
	s28 =	simm.s32 $0x8100  }
0x6: {  	s29 =	simm.s32 $0x8300;
	s30 =	simm.s32 $0x8180;
	s31 =	simm.s32 $0x8380  }
0x7: {  	[smem:$0x7FF] =	sst s4;
	s6 =	smul.u32 $0x50000, s12;
	s7 =	sadd.s32 $0x5400, s0  }
0x8: {  	s8 =	sand.u32 $0x1, s5;
	s25 =	smul.u32 $0x2800, s12;
	_ =	strace $0x8000004A  }
0x9: {  	s9 =	ssub.s32 $0x2, s8;
	s5 =	sshll.u32 s8, $0x4;
	s6 =	sshrl.u32 s6, $0x2  }
0xa: {  	p0 =	seq.s32 s8, $0x1;
	s11 =	sor.u32 s12, s5;
	s5 =	sadd.s32 s6, s3  }
0xb: {  	s8 =	smul.u32 $0x5000, s8;
	s10 =	sshrl.u32 s9, $0x1;
	s13 =	sadd.s32 $0x4000, s5  }
0xc: {  	s26 =	ssub.s32 s9, s10;
	s15 =	sadd.s32 $0x8000, s5;
	[dreg:$0x5] =	wrdreg s13  }
0xd: {  	s14 =	smul.u32 $0x500, s11;
	s16 =	sadd.s32 $0xC000, s5;
	[dreg:$0x6] =	wrdreg s15  }
0xe: {  	s11 =	simm.s32 $0x6;
	s17 =	sadd.s32 $0x10000, s5;
	[dreg:$0x7] =	wrdreg s16  }
0xf: {  	s6 =	smax.u32 s26, $0x1;
	s26 =	smul.u32 $0x500, s12;
	[dreg:$0x8] =	wrdreg s17  }
0x10: {  	s12 =	simm.s32 $0x0;
	s18 =	sadd.s32 s7, s14;
	[dreg:$0x11] =	wrdreg s6  }
0x11: {  	s19 =	sadd.s32 s2, s14;
	s20 =	sor.u32 $0x10, s14;
	[dreg:$0x9] =	wrdreg s18  }
0x12: {  	s22 =	sor.u32 $0x20, s14;
	[dreg:$0xa] =	wrdreg s19;
	s21 =	sadd.s32 s7, s20  }
0x13: {  	s9 =	sor.u32 $0x30, s14;
	s10 =	sadd.s32 s2, s20;
	[dreg:$0xb] =	wrdreg s21  }
0x14: {  	s6 =	simm.s32 $0x4;
	s23 =	sadd.s32 s7, s22;
	[dreg:$0xc] =	wrdreg s10  }
0x15: {  	s24 =	sadd.s32 s7, s9;
	s9 =	sadd.s32 s2, s9;
	[dreg:$0xd] =	wrdreg s23  }
0x16: {  	s7 =	sadd.s32 s8, s7;
	s10 =	sadd.s32 s2, s22;
	[dreg:$0xf] =	wrdreg s24  }
0x17: {  	[dreg:$0x10] =	wrdreg s9;
	s2 =	sadd.s32 s8, s2;
	s20 =	sadd.s32 s26, s7  }
0x18: {  	s22 =	simm.s32 $0x1;
	s23 =	simm.s32 $0x8000;
	s24 =	simm.s32 $0x8200  }
.Ltmp0:
0x19: {  	s7 =	simm.s32 $0x4000;
	s8 =	simm.s32 $0x7;
	(pc) =	sbr.rel .LBB2_1-.Ltmp0, $4  }
0x1a: {  	s9 =	simm.s32 $0x5;
	[dreg:$0xe] =	wrdreg s10;
	s10 =	simm.s32 $0x5F400  }
0x1b: {  	s21 =	sadd.s32 s26, s2;
	s26 =	simm.s32 $0x8280;
	s10 =	simm.s32 @!p0 $0x37400  }
0x1c: {  	s2 =	simm.s32 $0x80;
	s0 =	sadd.s32 s10, s0;
	s10 =	simm.s32 $0x2  }
0x1d: {  	v0 =	vimm.f32 $0.0e+00;
	s19 =	sadd.s32 s0, s25;
	s25 =	simm.s32 $0x8080;
	s0 =	simm.s32 $0x3  }
.LBB2_6:
0x1e: {  	_ =	swait.ge [sflag:s10], $0x4000  }
0x1f: {  	[sflag:s10] =	ssyncset.done $0x0  }
0x20: {  	[sflag:s10] =	ssyncadd.s32 $0xFFFFC000  }
0x21: {  	[spmem:s3] =	stream.indirect.scatter.add.f32 [tilespmem:s7], [sflag:$0x7], $0x80, s31, s2, $0xb8;
	[tilespmem:$0x1C400] =	vst v63  }
0x22: {  	_ =	swait.ge [sflag:s8], $0x4000  }
0x23: {  	s13 =	stileid.u32;
	[sflag:s8] =	ssyncset.done $0x0  }
0x24: {  	s13 =	sshll.u32 s13, $0x6;
	[sflag:s8] =	ssyncadd.s32 $0xFFFFC000  }
0x25: {  	s14 =	sshrl.u32 s5, $0x3;
	s13 =	sor.u32 $0x1C07, s13;
	[bflag:$0x0] =	sbarrier.arrive $0xFFFF  }
0x26: {  	[hbm:s19], [sflag:s13] =	dma.local [spmem:s14], $0x2800  }
0x27: {  	_ =	swait.ge [sflag:s8], $0x2800  }
0x28: {  	s12 =	sadd.s32 $0x1, s12;
	s18 =	rddreg [dreg:$0x11]  }
0x29: {  	p0 =	sne.s32 s12, s18  }
.Ltmp1:
0x2a: {  	_ = 	snop;
	(pc) =	sbr.rel @!p0 .LBB2_7-.Ltmp1, $3  }
0x2b: {  	_ =	sdelay $0x1  }
0x2c: {  	[sflag:s8] =	ssyncset.done $0x0  }
0x2d: {  	[sflag:s8] =	ssyncadd.s32 $0xFFFFD800  }
.LBB2_1:
0x2e: {  	s13 =	simm.s32 $0x0;
	s14 =	simm.s32 $0x200  }
.LBB2_2:
0x2f: {  	p0 =	sne.s32 s14, $0xFE00;
	[tilespmem:s13+$0x70] =	vst v0  }
0x30: {  	[tilespmem:s13+$0x0] =	vst v0  }
0x31: {  	[tilespmem:s13+$0x10] =	vst v0  }
.Ltmp2:
0x32: {  	[tilespmem:s13+$0x20] =	vst v0;
	(pc) =	sbr.rel @p0 .LBB2_2-.Ltmp2, $4  }
0x33: {  	[tilespmem:s13+$0x30] =	vst v0  }
0x34: {  	[tilespmem:s13+$0x40] =	vst v0  }
0x35: {  	[tilespmem:s13+$0x50] =	vst v0  }
0x36: {  	[tilespmem:s13+$0x60] =	vst v0;
	s13 =	sshra.s32 s14, $0x2;
	s14 =	sadd.s32 $0x200, s14  }
0x37: {  	[tilespmem:s13+$0x70] =	vst v0  }
0x38: {  	[tilespmem:s13+$0x0] =	vst v0  }
0x39: {  	[tilespmem:s13+$0x10] =	vst v0  }
0x3a: {  	[tilespmem:s13+$0x20] =	vst v0  }
0x3b: {  	[tilespmem:s13+$0x30] =	vst v0  }
0x3c: {  	[tilespmem:s13+$0x40] =	vst v0  }
0x3d: {  	[tilespmem:s13+$0x50] =	vst v0  }
0x3e: {  	[tilespmem:s13+$0x60] =	vst v0;
	s13 =	simm.s32 $0x0  }
0x3f: {  	[spmem:s5] =	stream.linear.scatter [tilespmem:s13], [sflag:$0x1], $0x4000, $0x38;
	[tilespmem:$0x1C400] =	vst v63  }
0x40: {  	s14 =	rddreg [dreg:$0x5]  }
0x41: {  	[spmem:s14] =	stream.linear.scatter [tilespmem:s13], [sflag:$0x1], $0x4000, $0x38;
	[tilespmem:$0x1C400] =	vst v63  }
0x42: {  	s16 =	rddreg [dreg:$0x6]  }
0x43: {  	[spmem:s16] =	stream.linear.scatter [tilespmem:s13], [sflag:$0x1], $0x4000, $0x38;
	[tilespmem:$0x1C400] =	vst v63  }
0x44: {  	s17 =	rddreg [dreg:$0x7]  }
0x45: {  	[spmem:s17] =	stream.linear.scatter [tilespmem:s13], [sflag:$0x1], $0x4000, $0x38;
	[tilespmem:$0x1C400] =	vst v63  }
0x46: {  	s18 =	rddreg [dreg:$0x8]  }
0x47: {  	[spmem:s18] =	stream.linear.scatter [tilespmem:s13], [sflag:$0x1], $0x4000, $0x38;
	[tilespmem:$0x1C400] =	vst v63  }
0x48: {  	_ =	swait.ge [sflag:s22], $0x4000  }
0x49: {  	[sflag:s22] =	ssyncset.done $0x0  }
0x4a: {  	[sflag:s22] =	ssyncadd.s32 $0xFFFFC000  }
0x4b: {  	_ =	swait.ge [sflag:s22], $0x4000  }
0x4c: {  	[sflag:s22] =	ssyncset.done $0x0  }
0x4d: {  	[sflag:s22] =	ssyncadd.s32 $0xFFFFC000  }
0x4e: {  	_ =	swait.ge [sflag:s22], $0x4000  }
0x4f: {  	[sflag:s22] =	ssyncset.done $0x0  }
0x50: {  	[sflag:s22] =	ssyncadd.s32 $0xFFFFC000  }
0x51: {  	_ =	swait.ge [sflag:s22], $0x4000  }
0x52: {  	[sflag:s22] =	ssyncset.done $0x0  }
0x53: {  	[sflag:s22] =	ssyncadd.s32 $0xFFFFC000  }
0x54: {  	_ =	swait.ge [sflag:s22], $0x4000  }
0x55: {  	[sflag:s22] =	ssyncset.done $0x0  }
0x56: {  	[sflag:s22] =	ssyncadd.s32 $0xFFFFC000  }
0x57: {  	[bflag:$0x0] =	sbarrier.arrive $0xFFFF  }
0x58: {  	s15 =	rddreg [dreg:$0x9]  }
0x59: {  	[tilespmem:s23], [sflag:$0x3] =	stream.linear.gather [hbm4b:s15+s13], $0x80, $0x38;
	[tilespmem:$0x1C400] =	vst v63  }
0x5a: {  	s16 =	rddreg [dreg:$0xa]  }
0x5b: {  	[tilespmem:s24], [sflag:$0x3] =	stream.linear.gather [hbm4b:s16+s13], $0x80, $0x38;
	[tilespmem:$0x1C400] =	vst v63  }
0x5c: {  	s17 =	rddreg [dreg:$0xb]  }
0x5d: {  	[tilespmem:s25], [sflag:$0x4] =	stream.linear.gather [hbm4b:s17+s13], $0x80, $0x38;
	[tilespmem:$0x1C400] =	vst v63  }
0x5e: {  	s18 =	rddreg [dreg:$0xc]  }
0x5f: {  	[tilespmem:s26], [sflag:$0x4] =	stream.linear.gather [hbm4b:s18+s13], $0x80, $0x38;
	[tilespmem:$0x1C400] =	vst v63  }
0x60: {  	s15 =	rddreg [dreg:$0xd]  }
0x61: {  	[tilespmem:s28], [sflag:$0x5] =	stream.linear.gather [hbm4b:s15+s13], $0x80, $0x38;
	[tilespmem:$0x1C400] =	vst v63  }
0x62: {  	s16 =	rddreg [dreg:$0xe]  }
0x63: {  	[tilespmem:s29], [sflag:$0x5] =	stream.linear.gather [hbm4b:s16+s13], $0x80, $0x38;
	[tilespmem:$0x1C400] =	vst v63  }
0x64: {  	s17 =	rddreg [dreg:$0xf]  }
0x65: {  	[tilespmem:s30], [sflag:$0x6] =	stream.linear.gather [hbm4b:s17+s13], $0x80, $0x38;
	[tilespmem:$0x1C400] =	vst v63  }
0x66: {  	s18 =	rddreg [dreg:$0x10]  }
0x67: {  	[tilespmem:s31], [sflag:$0x6] =	stream.linear.gather [hbm4b:s18+s13], $0x80, $0x38;
	[tilespmem:$0x1C400] =	vst v63  }
0x68: {  	_ =	swait.ge [sflag:s0], $0x80  }
0x69: {  	[sflag:s0] =	ssyncset.done $0x0  }
0x6a: {  	[sflag:s0] =	ssyncadd.s32 $0xFFFFFF80  }
0x6b: {  	_ =	swait.ge [sflag:s0], $0x80  }
0x6c: {  	[sflag:s0] =	ssyncset.done $0x0  }
0x6d: {  	[sflag:s0] =	ssyncadd.s32 $0xFFFFFF80  }
0x6e: {  	[tilespmem:s13], [sflag:$0x1] =	stream.indirect.gather [hbm4b:s1+s2], $0x80, s23, s2, $0xb8;
	[tilespmem:$0x1C400] =	vst v63  }
0x6f: {  	_ =	swait.ge [sflag:s6], $0x80  }
0x70: {  	[sflag:s6] =	ssyncset.done $0x0  }
0x71: {  	[sflag:s6] =	ssyncadd.s32 $0xFFFFFF80  }
0x72: {  	_ =	swait.ge [sflag:s6], $0x80  }
0x73: {  	[sflag:s6] =	ssyncset.done $0x0  }
0x74: {  	[sflag:s6] =	ssyncadd.s32 $0xFFFFFF80  }
0x75: {  	[tilespmem:s7], [sflag:$0x2] =	stream.indirect.gather [hbm4b:s1+s2], $0x80, s25, s2, $0xb8;
	[tilespmem:$0x1C400] =	vst v63  }
.LBB2_4:
0x76: {  	_ =	swait.ge [sflag:s22], $0x4000  }
0x77: {  	[sflag:s22] =	ssyncset.done $0x0  }
0x78: {  	[sflag:s22] =	ssyncadd.s32 $0xFFFFC000  }
0x79: {  	[spmem:s3] =	stream.indirect.scatter.add.f32 [tilespmem:s4], [sflag:$0x7], $0x80, s24, s2, $0xb8;
	[tilespmem:$0x1C400] =	vst v63  }
0x7a: {  	p0 =	seq.s32 s13, $0x4C0;
	_ =	swait.ge [sflag:s8], $0x4000  }
0x7b: {  	s14 =	sadd.s32 @!p0 s13, s20;
	s16 =	simm.s32 @!p0 $0x0;
	[sflag:s8] =	ssyncset.done $0x0  }
0x7c: {  	s17 =	simm.s32 @!p0 $0x8000;
	s15 =	sadd.s32 @!p0 $0x40, s14;
	[sflag:s8] =	ssyncadd.s32 $0xFFFFC000  }
0x7d: {  	[tilespmem:s17], [sflag:$0x3] =	stream.linear.gather @!p0 [hbm4b:s15+s16], $0x80, $0x38;
	[tilespmem:$0x1C400] =	vst v63  }
0x7e: {  	s15 =	sadd.s32 @!p0 s13, s21  }
0x7f: {  	s18 =	simm.s32 @!p0 $0x8200;
	s17 =	sadd.s32 @!p0 $0x40, s15  }
0x80: {  	[tilespmem:s18], [sflag:$0x3] =	stream.linear.gather @!p0 [hbm4b:s17+s16], $0x80, $0x38;
	[tilespmem:$0x1C400] =	vst v63  }
0x81: {  	_ =	swait.ge [sflag:s9], $0x80  }
0x82: {  	[sflag:s9] =	ssyncset.done $0x0  }
0x83: {  	[sflag:s9] =	ssyncadd.s32 $0xFFFFFF80  }
0x84: {  	_ =	swait.ge [sflag:s9], $0x80  }
0x85: {  	[sflag:s9] =	ssyncset.done $0x0  }
0x86: {  	[sflag:s9] =	ssyncadd.s32 $0xFFFFFF80  }
0x87: {  	[tilespmem:s4], [sflag:$0x1] =	stream.indirect.gather [hbm4b:s1+s2], $0x80, s28, s2, $0xb8;
	[tilespmem:$0x1C400] =	vst v63  }
0x88: {  	_ =	swait.ge [sflag:s10], $0x4000  }
0x89: {  	[sflag:s10] =	ssyncset.done $0x0  }
0x8a: {  	[sflag:s10] =	ssyncadd.s32 $0xFFFFC000  }
0x8b: {  	[spmem:s3] =	stream.indirect.scatter.add.f32 [tilespmem:s7], [sflag:$0x7], $0x80, s26, s2, $0xb8;
	[tilespmem:$0x1C400] =	vst v63  }
0x8c: {  	_ =	swait.ge [sflag:s8], $0x4000  }
0x8d: {  	[sflag:s8] =	ssyncset.done $0x0  }
0x8e: {  	s14 =	sadd.s32 @!p0 $0x50, s14;
	s17 =	simm.s32 @!p0 $0x8080;
	[sflag:s8] =	ssyncadd.s32 $0xFFFFC000  }
0x8f: {  	[tilespmem:s17], [sflag:$0x4] =	stream.linear.gather @!p0 [hbm4b:s14+s16], $0x80, $0x38;
	[tilespmem:$0x1C400] =	vst v63  }
0x90: {  	s14 =	sadd.s32 @!p0 $0x50, s15;
	s15 =	simm.s32 @!p0 $0x8280  }
0x91: {  	[tilespmem:s15], [sflag:$0x4] =	stream.linear.gather @!p0 [hbm4b:s14+s16], $0x80, $0x38;
	[tilespmem:$0x1C400] =	vst v63  }
0x92: {  	_ =	swait.ge [sflag:s11], $0x80  }
0x93: {  	[sflag:s11] =	ssyncset.done $0x0  }
0x94: {  	[sflag:s11] =	ssyncadd.s32 $0xFFFFFF80  }
0x95: {  	_ =	swait.ge [sflag:s11], $0x80  }
0x96: {  	[sflag:s11] =	ssyncset.done $0x0  }
0x97: {  	[sflag:s11] =	ssyncadd.s32 $0xFFFFFF80  }
0x98: {  	[tilespmem:s7], [sflag:$0x2] =	stream.indirect.gather [hbm4b:s1+s2], $0x80, s30, s2, $0xb8;
	[tilespmem:$0x1C400] =	vst v63  }
0x99: {  	_ =	swait.ge [sflag:s22], $0x4000  }
0x9a: {  	[sflag:s22] =	ssyncset.done $0x0  }
.Ltmp3:
0x9b: {  	[sflag:s22] =	ssyncadd.s32 $0xFFFFC000;
	(pc) =	sbr.rel @p0 .LBB2_6-.Ltmp3, $4  }
0x9c: {  	[spmem:s3] =	stream.indirect.scatter.add.f32 [tilespmem:s4], [sflag:$0x7], $0x80, s29, s2, $0xb8;
	[tilespmem:$0x1C400] =	vst v63  }
0x9d: {  	_ =	swait.ge [sflag:s8], $0x4000  }
0x9e: {  	[sflag:s8] =	ssyncset.done $0x0  }
0x9f: {  	[sflag:s8] =	ssyncadd.s32 $0xFFFFC000  }
0xa0: {  	s14 =	sadd.s32 s13, s20  }
0xa1: {  	s17 =	sadd.s32 s13, s21;
	s15 =	sadd.s32 $0x60, s14  }
0xa2: {  	[tilespmem:s28], [sflag:$0x5] =	stream.linear.gather [hbm4b:s15+s4], $0x80, $0x38;
	[tilespmem:$0x1C400] =	vst v63  }
0xa3: {  	s16 =	sadd.s32 $0x60, s17  }
0xa4: {  	[tilespmem:s29], [sflag:$0x5] =	stream.linear.gather [hbm4b:s16+s4], $0x80, $0x38;
	[tilespmem:$0x1C400] =	vst v63  }
0xa5: {  	_ =	swait.ge [sflag:s0], $0x80  }
0xa6: {  	[sflag:s0] =	ssyncset.done $0x0  }
0xa7: {  	[sflag:s0] =	ssyncadd.s32 $0xFFFFFF80  }
0xa8: {  	_ =	swait.ge [sflag:s0], $0x80  }
0xa9: {  	[sflag:s0] =	ssyncset.done $0x0  }
0xaa: {  	[sflag:s0] =	ssyncadd.s32 $0xFFFFFF80  }
0xab: {  	[tilespmem:s4], [sflag:$0x1] =	stream.indirect.gather [hbm4b:s1+s2], $0x80, s23, s2, $0xb8;
	[tilespmem:$0x1C400] =	vst v63  }
0xac: {  	_ =	swait.ge [sflag:s10], $0x4000  }
0xad: {  	[sflag:s10] =	ssyncset.done $0x0  }
0xae: {  	[sflag:s10] =	ssyncadd.s32 $0xFFFFC000  }
0xaf: {  	[spmem:s3] =	stream.indirect.scatter.add.f32 [tilespmem:s7], [sflag:$0x7], $0x80, s31, s2, $0xb8;
	[tilespmem:$0x1C400] =	vst v63  }
0xb0: {  	_ =	swait.ge [sflag:s8], $0x4000  }
0xb1: {  	[sflag:s8] =	ssyncset.done $0x0  }
0xb2: {  	s14 =	sadd.s32 $0x70, s14;
	[sflag:s8] =	ssyncadd.s32 $0xFFFFC000  }
0xb3: {  	[tilespmem:s30], [sflag:$0x6] =	stream.linear.gather [hbm4b:s14+s4], $0x80, $0x38;
	[tilespmem:$0x1C400] =	vst v63  }
0xb4: {  	s18 =	sadd.s32 $0x70, s17  }
0xb5: {  	[tilespmem:s31], [sflag:$0x6] =	stream.linear.gather [hbm4b:s18+s4], $0x80, $0x38;
	[tilespmem:$0x1C400] =	vst v63  }
0xb6: {  	_ =	swait.ge [sflag:s6], $0x80  }
0xb7: {  	[sflag:s6] =	ssyncset.done $0x0  }
.Ltmp4:
0xb8: {  	[sflag:s6] =	ssyncadd.s32 $0xFFFFFF80;
	(pc) =	sbr.rel .LBB2_4-.Ltmp4, $4  }
0xb9: {  	_ =	swait.ge [sflag:s6], $0x80  }
0xba: {  	[sflag:s6] =	ssyncset.done $0x0  }
0xbb: {  	s13 =	sadd.s32 $0x40, s13;
	[sflag:s6] =	ssyncadd.s32 $0xFFFFFF80  }
0xbc: {  	[tilespmem:s7], [sflag:$0x2] =	stream.indirect.gather [hbm4b:s1+s2], $0x80, s25, s2, $0xb8;
	[tilespmem:$0x1C400] =	vst v63  }
.LBB2_7:
0xbd: {  	_ =	sfence.sel $0x180000  }
0xbe: {  	[bflag:$0x0] =	sbarrier.arrive $0xFFFF  }
0xbf: {  	_ =	strace $0x9000004A  }
0xc0: {  	s0 =	stileid.u32;
	[bflag:$0x2] =	sbarrier.arrive $0xFFFF  }
0xc1: {  	p0 =	sne.s32 s0, $0x0;
	s0 =	rddreg [dreg:$0x4]  }
0xc2: {  	s0 =	sadd.s32 @!p0 $0x100000, s0  }
0xc3: {  	[sflag:s0] =	ssyncadd.tile.s32 @!p0 $0x1;
	_ =	shalt  }
.Lfunc_end2:
_tile_overlayer_lowered:
.L_overlay_start_2:
0xc4: {  	(tag) =	ssettag $0x2  }
0xc5: {  	s0 =	rddreg [dreg:$0x0];
	s2 =	stileid.u32  }
0xc6: {  	s1 =	rddreg [dreg:$0x1];
	p0 =	sne.s32 s2, $0x0  }
0xc7: {  	s3 =	rddreg [dreg:$0x2];
	[bflag:$0x3] =	sbarrier.arrive $0xFFFF;
	s2 =	simm.s32 @!p0 $0x1C07  }
0xc8: {  	[timem:s3], [sflag:s2] =	dma.local @!p0 [hbm:s0], s1  }
0xc9: {  	s0 =	simm.s32 @!p0 $0x7  }
0xca: {  	_ =	swait.ge @!p0 [sflag:s0], s1  }
0xcb: {  	s1 =	ssub.s32 @!p0 $0x0, s1;
	[sflag:s0] =	ssyncset.done @!p0 $0x0  }
0xcc: {  	[sflag:s0] =	ssyncadd.s32 @!p0 s1  }
0xcd: {  	[bflag:$0x3] =	sbarrier.arrive $0xFFFF  }
0xce: {  	_ =	shalt  }

// kernel: agg2k.7.cloned.1.call-start
scs
__scs_entry_jumppad:
0x0: {  	(pc) =	sbr.rel $0x88, $3  }
0x1: {  	(tag) =	ssettag $0x0;
	lr =	simm.s32 $0x1  }
0x2: {  	[smem:$0x3F9B] =	sst lr;
	_ =	strace $0xD0000000  }
0x3: {  	_ = 	snop  }
0x4: {  	_ = 	snop  }
0x5: {  	_ = 	snop  }
0x6: {  	_ = 	snop  }
0x7: {  	_ = 	snop  }
__scs_overlays_trampoline_lowered:
0x8: {  	[smem:$0x3FAA] =	sst s0  }
0x9: {  	[smem:$0x3FAB] =	sst s1  }
0xa: {  	[smem:$0x3FAC] =	sst s2  }
0xb: {  	[smem:$0x3FAD] =	sst s3  }
0xc: {  	[smem:$0x3FAE] =	sst s4  }
0xd: {  	[smem:$0x3FAF] =	sst s5  }
0xe: {  	[smem:$0x3FB0] =	sst s6  }
0xf: {  	[smem:$0x3FB1] =	sst s7  }
0x10: {  	[smem:$0x3FB2] =	sst s8  }
0x11: {  	[smem:$0x3FB3] =	sst s9;
	s0 =	simm.s32 @!p0 $0x0  }
0x12: {  	s1 =	sld [smem:$0x3F99];
	s0 =	simm.s32 @p0 $0x1  }
0x13: {  	[smem:$0x3FB4] =	sst s0;
	s0 =	simm.s32 @!p1 $0x0  }
0x14: {  	s2 =	sld [smem:$0x3F98];
	s0 =	simm.s32 @p1 $0x1  }
0x15: {  	[smem:$0x3FB5] =	sst s0;
	s0 =	simm.s32 @!p2 $0x0  }
0x16: {  	s3 =	sld [smem:$0x3FDB];
	s0 =	simm.s32 @p2 $0x1  }
0x17: {  	s4 =	simm.s32 $0x1BF5;
	[smem:$0x3FB7] =	sst s0  }
0x18: {  	s0 =	sld [smem:$0x3F9A];
	_ =	swait.ge [sflag:s4], $0x0  }
0x19: {  	s7 =	sld [smem:$0x3F9B]  }
0x1a: {  	s8 =	sadd.s32 $0xFFFFE003, lr  }
0x1b: {  	s9 =	sadd.s32 $0xFFFFFEF7, lr;
	s5 =	simm.s32 $0xFFFFFFFF;
	p2 =	slt.u32 s8, $0xFFFFF086  }
0x1c: {  	p1 =	slt.u32 s9, $0xF7A;
	s5 =	simm.s32 @!p2 $0x0  }
0x1d: {  	s5 =	simm.s32 @p1 $0x1;
	p0 =	seq.s32 s7, s2  }
0x1e: {  	s7 =	smul.u32 @!p0 $0xF7A, s2;
	p2 =	seq.s32 @!p0 s5, $0x0  }
0x1f: {  	s9 =	smul.u32 $0xF7A, s1;
	s8 =	simm.s32 @!p0 $0x1BF5;
	p2 =	por !p2, p0  }
0x20: {  	[sflag:s8] =	ssyncset.s32 @!p0 $0xFFFFF086;
	s6 =	sadd.s32 @!p0 s3, s7;
	s7 =	simm.s32 @!p0 $0x108  }
0x21: {  	s3 =	sadd.s32 s3, s9;
	s6 =	sadd.s32 @!p0 $0x88, s6;
	s7 =	simm.s32 @p2 $0x1082  }
0x22: {  	[simem:s7], [sflag:s8] =	dma.local @!p0 [hbm:s6], $0xF7A  }
0x23: {  	s9 =	sor.u32 $0xD0000000, s2;
	s6 =	simm.s32 $0x108;
	_ =	swait.ge @!p0 [sflag:s8], $0x0  }
0x24: {  	s3 =	sadd.s32 $0x88, s3;
	s6 =	simm.s32 @!p1 $0x1082;
	[sflag:s4] =	ssyncset.s32 $0xFFFFF086  }
0x25: {  	[simem:s6], [sflag:s4] =	dma.local [hbm:s3], $0xF7A  }
0x26: {  	[smem:$0x3F9B] =	sst s1;
	(tag) =	ssettag s2;
	_ =	strace s9  }
0x27: {  	s1 =	sld [smem:$0x3FAB]  }
0x28: {  	s2 =	sld [smem:$0x3FAC]  }
0x29: {  	s4 =	sld [smem:$0x3FAE]  }
0x2a: {  	p0 =	seq.s32 s5, $0x0;
	s5 =	sld [smem:$0x3FAF]  }
0x2b: {  	s6 =	sld [smem:$0x3FB0]  }
0x2c: {  	s7 =	sld [smem:$0x3FB1]  }
0x2d: {  	s3 =	simm.s32 $0x108;
	s8 =	sld [smem:$0x3FB2]  }
0x2e: {  	s3 =	simm.s32 @!p0 $0x1082;
	s9 =	sld [smem:$0x3FB3]  }
0x2f: {  	lr =	sadd.s32 s0, s3;
	s0 =	sld [smem:$0x3FAA]  }
0x30: {  	s3 =	sld [smem:$0x3FAD]  }
0x31: {  	[smem:$0x3FB6] =	sst s10  }
0x32: {  	s10 =	sld [smem:$0x3FB4];
	_ =	sdelay $0x3  }
0x33: {  	p0 =	seq.s32 s10, $0x1;
	s10 =	sld [smem:$0x3FB6];
	_ =	sdelay $0x3  }
0x34: {  	[smem:$0x3FB6] =	sst s10  }
0x35: {  	s10 =	sld [smem:$0x3FB5];
	_ =	sdelay $0x3  }
0x36: {  	p1 =	seq.s32 s10, $0x1;
	s10 =	sld [smem:$0x3FB6];
	_ =	sdelay $0x3  }
0x37: {  	[smem:$0x3FB6] =	sst s10  }
0x38: {  	s10 =	sld [smem:$0x3FB7]  }
0x39: {  	_ = 	snop;
	(pc) =	sbr.ind lr, $3  }
0x3a: {  	_ = 	snop  }
0x3b: {  	_ = 	snop  }
0x3c: {  	p2 =	seq.s32 s10, $0x1;
	s10 =	sld [smem:$0x3FB6]  }
0x3d: {  	_ =	shalt  }
0x3e: {  	_ =	shalt  }
0x3f: {  	_ =	shalt  }
0x40: {  	_ =	shalt  }
0x41: {  	_ =	shalt  }
0x42: {  	_ =	shalt  }
0x43: {  	_ =	shalt  }
0x44: {  	_ =	shalt  }
0x45: {  	_ =	shalt  }
0x46: {  	_ =	shalt  }
0x47: {  	_ =	shalt  }
0x48: {  	_ =	shalt  }
0x49: {  	_ =	shalt  }
0x4a: {  	_ =	shalt  }
0x4b: {  	_ =	shalt  }
0x4c: {  	_ =	shalt  }
0x4d: {  	_ =	shalt  }
0x4e: {  	_ =	shalt  }
0x4f: {  	_ =	shalt  }
0x50: {  	_ =	shalt  }
0x51: {  	_ =	shalt  }
0x52: {  	_ =	shalt  }
0x53: {  	_ =	shalt  }
0x54: {  	_ =	shalt  }
0x55: {  	_ =	shalt  }
0x56: {  	_ =	shalt  }
0x57: {  	_ =	shalt  }
0x58: {  	_ =	shalt  }
0x59: {  	_ =	shalt  }
0x5a: {  	_ =	shalt  }
0x5b: {  	_ =	shalt  }
0x5c: {  	_ =	shalt  }
0x5d: {  	_ =	shalt  }
0x5e: {  	_ =	shalt  }
0x5f: {  	_ =	shalt  }
0x60: {  	_ =	shalt  }
0x61: {  	_ =	shalt  }
0x62: {  	_ =	shalt  }
0x63: {  	_ =	shalt  }
0x64: {  	_ =	shalt  }
0x65: {  	_ =	shalt  }
0x66: {  	_ =	shalt  }
0x67: {  	_ =	shalt  }
0x68: {  	_ =	shalt  }
0x69: {  	_ =	shalt  }
0x6a: {  	_ =	shalt  }
0x6b: {  	_ =	shalt  }
0x6c: {  	_ =	shalt  }
0x6d: {  	_ =	shalt  }
0x6e: {  	_ =	shalt  }
0x6f: {  	_ =	shalt  }
0x70: {  	_ =	shalt  }
0x71: {  	_ =	shalt  }
0x72: {  	_ =	shalt  }
0x73: {  	_ =	shalt  }
0x74: {  	_ =	shalt  }
0x75: {  	_ =	shalt  }
0x76: {  	_ =	shalt  }
0x77: {  	_ =	shalt  }
0x78: {  	_ =	shalt  }
0x79: {  	_ =	shalt  }
0x7a: {  	_ =	shalt  }
0x7b: {  	_ =	shalt  }
0x7c: {  	_ =	shalt  }
0x7d: {  	_ =	shalt  }
0x7e: {  	_ =	shalt  }
0x7f: {  	_ =	shalt  }
0x80: {  	_ =	shalt  }
0x81: {  	_ =	shalt  }
0x82: {  	_ =	shalt  }
0x83: {  	_ =	shalt  }
0x84: {  	_ =	shalt  }
0x85: {  	_ =	shalt  }
0x86: {  	_ =	shalt  }
0x87: {  	_ =	shalt  }
.Lfunc_end0:
.L_simem_size_0:
called_computation.2_lowered:
.L_overlay_start_0:
0x88: {  	s2 =	sld [smem:$0x3FD9]  }
0x89: {  	s3 =	sld [smem:$0x3FFE];
	_ =	sdelay $0x1  }
0x8a: {  	s1 =	srdreg.scid  }
0x8b: {  	s0 =	sand.u32 $0x1, s1  }
0x8c: {  	s14 =	sshll.u32 s0, $0xA;
	s2 =	sadd.s32 s3, s2  }
0x8d: {  	s2 =	sadd.s32 s2, s14  }
0x8e: {  	[smem:$0x3FC2] =	sst s2  }
0x8f: {  	_ = 	snop  }
0x90: {  	s2 =	sld [smem:$0x3FD0];
	_ =	sdelay $0x2  }
0x91: {  	s15 =	simm.s32 $0xA;
	s4 =	simm.s32 $0x10  }
0x92: {  	[smem:s4], [sflag:s15] =	dma.local [hbm:s2], $0x1  }
0x93: {  	_ =	swait.eq [sflag:s15], $0x1  }
0x94: {  	[sflag:s15] =	ssyncset.done $0x0  }
0x95: {  	[sflag:s15] =	ssyncadd.s32 $0xFFFFFFFF  }
0x96: {  	s16 =	sld [smem:$0x10];
	(tm) =	ssettm $0x1  }
0x97: {  	s17 =	sld [smem:$0x3FFB];
	_ =	sdelay $0x3  }
0x98: {  	_ =	strace s17  }
0x99: {  	s3 =	sld [smem:$0x3FFC];
	_ =	sdelay $0x3  }
0x9a: {  	_ =	strace s3  }
0x9b: {  	s3 =	sld [smem:$0x3FFD];
	_ =	sdelay $0x3  }
0x9c: {  	_ =	strace s3  }
0x9d: {  	_ =	strace $0x8FFFFFFF  }
0x9e: {  	s18 =	sld [smem:$0x3FDB];
	_ =	sdelay $0x1  }
0x9f: {  	s19 =	simm.s32 $_scs_section_size  }
0xa0: {  	s5 =	simm.s32 $_size__tile_overlayer_lowered;
	s6 =	simm.s32 $_tile_overlayer_lowered  }
0xa1: {  	s22 =	simm.s32 $0x1BFF;
	s21 =	sshll.u32 s6, $0x1;
	s3 =	sadd.s32 s19, s18  }
0xa2: {  	s7 =	simm.s32 $0x0;
	s20 =	sshll.u32 s5, $0x1;
	s5 =	sadd.s32 s21, s3  }
0xa3: {  	[timem:s7], [sflag:s22] =	dma.local [hbm:s5], s20  }
0xa4: {  	_ =	swait.ge [sflag:s22], s20  }
0xa5: {  	s4 =	ssub.s32 $0x0, s20;
	[sflag:s22] =	ssyncset.done $0x0  }
0xa6: {  	[sflag:s22] =	ssyncadd.s32 s4;
	_ =	sdelay $0x1  }
0xa7: {  	s23 =	simm.s32 $0x1B8B  }
0xa8: {  	_ =	swait.ge [sflag:s23], $0x1  }
0xa9: {  	[sflag:s23] =	ssyncset.done $0x0  }
0xaa: {  	s25 =	simm.s32 $0x1B8E;
	s24 =	sld [smem:$0x3FFE];
	[sflag:s23] =	ssyncadd.s32 $0xFFFFFFFF  }
0xab: {  	s26 =	simm.s32 $execute0_lowered;
	[smem:$0x3FD2] =	sst s25  }
0xac: {  	s5 =	sshll.u32 s26, $0x1;
	_ =	strace $0x8000004C;
	[dreg:$0x1] =	wrdreg $0xFFFFFFFF  }
0xad: {  	s28 =	simm.s32 $_size_execute0_lowered;
	s3 =	sadd.s32 s3, s5;
	[dreg:$0x0] =	wrdreg $0x0  }
0xae: {  	s5 =	sshll.u32 s28, $0x1;
	[dreg:$0x2] =	wrdreg s3  }
0xaf: {  	[dreg:$0x3] =	wrdreg s5  }
0xb0: {  	[dreg:$0x4] =	wrdreg $0xC0  }
0xb1: {  	_ =	task [dreg:s7], $0x5FFFF  }
0xb2: {  	[dreg:$0x1] =	wrdreg $0xFFFFFFFF  }
0xb3: {  	[dreg:$0x0] =	wrdreg $0x60  }
0xb4: {  	[dreg:$0x2] =	wrdreg s24  }
0xb5: {  	[dreg:$0x3] =	wrdreg s16  }
0xb6: {  	[dreg:$0x4] =	wrdreg $0x84000  }
0xb7: {  	[dreg:$0x5] =	wrdreg $0x9  }
0xb8: {  	_ =	task.clear_ibuf [dreg:s7], $0x6FFFF;
	_ =	strace $0x9000004C  }
0xb9: {  	s29 =	simm.s32 $0x9;
	_ =	strace $0x8000004E  }
0xba: {  	_ =	swait.ge [sflag:s29], $0x1  }
0xbb: {  	[sflag:s29] =	ssyncadd.s32 $0xFFFFFFFF  }
0xbc: {  	_ =	strace $0x9000004E  }
0xbd: {  	_ =	sfence  }
0xbe: {  	s30 =	sld [smem:$0x0];
	_ =	sdelay $0x2  }
0xbf: {  	s31 =	sshll.u32 s1, $0xD;
	s1 =	sshrl.u32 s1, $0x2  }
0xc0: {  	s3 =	sand.u32 $0x4000, s31;
	s1 =	sadd.s32 s1, s30  }
0xc1: {  	s0 =	sor.u32 s3, s0;
	s1 =	sshll.u32 s1, $0x11  }
0xc2: {  	s0 =	sor.u32 s1, s0  }
0xc3: {  	s0 =	sadd.s32 $0x8F2B, s0  }
0xc4: {  	[sflag:s0] =	ssyncadd.remote.s32 $0x1  }
0xc5: {  	_ =	sfence.sel $0xFFFF  }
0xc6: {  	[dreg:$0x0] =	wrdreg $0xFFFFFFFF;
	(pc) =	sbr.abs _section_cstart, $3  }
0xc7: {  	[dreg:$0x1] =	wrdreg $0xFFFFFFFF  }
0xc8: {  	_ =	task.clear_ibuf [dreg:s7], $0x2FFFF;
	_ =	strace $0x9FFFFFFF  }
0xc9: {  	(tm) =	ssettm $0x7FFFFFFF  }
tec
execute0_lowered:
.L_overlay_start_1:
0x0: {  	(tag) =	ssettag $0x1  }
0x1: {  	s0 =	rddreg [dreg:$0x0]  }
0x2: {  	s1 =	rddreg [dreg:$0x1]  }
0x3: {  	s2 =	rddreg [dreg:$0x2];
	s3 =	simm.s32 $0x0;
	s12 =	stileid.u32  }
0x4: {  	s5 =	srdreg.scid;
	s28 =	simm.s32 $0x8100;
	s29 =	simm.s32 $0x8300  }
0x5: {  	s30 =	simm.s32 $0x8180;
	s31 =	simm.s32 $0x8380;
	[smem:$0x7FF] =	sst s3  }
0x6: {  	s6 =	smul.u32 $0x50000, s12;
	s4 =	sadd.s32 $0x37400, s0;
	s7 =	sadd.s32 $0x5400, s0  }
0x7: {  	s8 =	sand.u32 $0x1, s5;
	s25 =	smul.u32 $0x2800, s12;
	_ =	strace $0x8000004D  }
0x8: {  	s9 =	ssub.s32 $0x2, s8;
	s5 =	sshll.u32 s8, $0x4;
	s6 =	sshrl.u32 s6, $0x2  }
0x9: {  	p0 =	seq.s32 s8, $0x1;
	s11 =	sor.u32 s12, s5;
	s5 =	sadd.s32 s6, s2  }
0xa: {  	s8 =	smul.u32 $0x5000, s8;
	s10 =	sshrl.u32 s9, $0x1;
	s13 =	sadd.s32 $0x4000, s5  }
0xb: {  	s26 =	ssub.s32 s9, s10;
	s15 =	sadd.s32 $0x8000, s5;
	[dreg:$0x4] =	wrdreg s13  }
0xc: {  	s14 =	smul.u32 $0x500, s11;
	s16 =	sadd.s32 $0xC000, s5;
	[dreg:$0x5] =	wrdreg s15  }
0xd: {  	s11 =	simm.s32 $0x6;
	s17 =	sadd.s32 $0x10000, s5;
	[dreg:$0x6] =	wrdreg s16  }
0xe: {  	s6 =	smax.u32 s26, $0x1;
	s26 =	smul.u32 $0x500, s12;
	[dreg:$0x7] =	wrdreg s17  }
0xf: {  	s12 =	simm.s32 $0x0;
	s18 =	sadd.s32 s7, s14;
	[dreg:$0x10] =	wrdreg s6  }
0x10: {  	s19 =	sadd.s32 s1, s14;
	s20 =	sor.u32 $0x10, s14;
	[dreg:$0x8] =	wrdreg s18  }
0x11: {  	s22 =	sor.u32 $0x20, s14;
	[dreg:$0x9] =	wrdreg s19;
	s21 =	sadd.s32 s7, s20  }
0x12: {  	s9 =	sor.u32 $0x30, s14;
	s10 =	sadd.s32 s1, s20;
	[dreg:$0xa] =	wrdreg s21  }
0x13: {  	s6 =	simm.s32 $0x4;
	s23 =	sadd.s32 s7, s22;
	[dreg:$0xb] =	wrdreg s10  }
0x14: {  	s24 =	sadd.s32 s7, s9;
	s9 =	sadd.s32 s1, s9;
	[dreg:$0xc] =	wrdreg s23  }
0x15: {  	s7 =	sadd.s32 s8, s7;
	s10 =	sadd.s32 s1, s22;
	[dreg:$0xe] =	wrdreg s24  }
0x16: {  	[dreg:$0xf] =	wrdreg s9;
	s1 =	sadd.s32 s8, s1;
	s20 =	sadd.s32 s26, s7  }
0x17: {  	s22 =	simm.s32 $0x1;
	s23 =	simm.s32 $0x8000;
	s24 =	simm.s32 $0x8200  }
.Ltmp0:
0x18: {  	s7 =	simm.s32 $0x4000;
	s8 =	simm.s32 $0x7;
	(pc) =	sbr.rel .LBB2_1-.Ltmp0, $4  }
0x19: {  	s9 =	simm.s32 $0x5;
	[dreg:$0xd] =	wrdreg s10;
	s10 =	simm.s32 $0x87400  }
0x1a: {  	s21 =	sadd.s32 s26, s1;
	s26 =	simm.s32 $0x8280;
	s10 =	simm.s32 @!p0 $0x5F400  }
0x1b: {  	s1 =	simm.s32 $0x80;
	s0 =	sadd.s32 s10, s0;
	s10 =	simm.s32 $0x2  }
0x1c: {  	v0 =	vimm.f32 $0.0e+00;
	s19 =	sadd.s32 s0, s25;
	s25 =	simm.s32 $0x8080;
	s0 =	simm.s32 $0x3  }
.LBB2_6:
0x1d: {  	_ =	swait.ge [sflag:s10], $0x4000  }
0x1e: {  	[sflag:s10] =	ssyncset.done $0x0  }
0x1f: {  	[sflag:s10] =	ssyncadd.s32 $0xFFFFC000  }
0x20: {  	[spmem:s2] =	stream.indirect.scatter.add.f32 [tilespmem:s7], [sflag:$0x7], $0x80, s31, s1, $0xb8;
	[tilespmem:$0x1C400] =	vst v63  }
0x21: {  	_ =	swait.ge [sflag:s8], $0x4000  }
0x22: {  	s13 =	stileid.u32;
	[sflag:s8] =	ssyncset.done $0x0  }
0x23: {  	s13 =	sshll.u32 s13, $0x6;
	[sflag:s8] =	ssyncadd.s32 $0xFFFFC000  }
0x24: {  	s14 =	sshrl.u32 s5, $0x3;
	s13 =	sor.u32 $0x1C07, s13;
	[bflag:$0x0] =	sbarrier.arrive $0xFFFF  }
0x25: {  	[hbm:s19], [sflag:s13] =	dma.local [spmem:s14], $0x2800  }
0x26: {  	_ =	swait.ge [sflag:s8], $0x2800  }
0x27: {  	s12 =	sadd.s32 $0x1, s12;
	s18 =	rddreg [dreg:$0x10]  }
0x28: {  	p0 =	sne.s32 s12, s18  }
.Ltmp1:
0x29: {  	_ = 	snop;
	(pc) =	sbr.rel @!p0 .LBB2_7-.Ltmp1, $3  }
0x2a: {  	_ =	sdelay $0x1  }
0x2b: {  	[sflag:s8] =	ssyncset.done $0x0  }
0x2c: {  	[sflag:s8] =	ssyncadd.s32 $0xFFFFD800  }
.LBB2_1:
0x2d: {  	s13 =	simm.s32 $0x0;
	s14 =	simm.s32 $0x200  }
.LBB2_2:
0x2e: {  	p0 =	sne.s32 s14, $0xFE00;
	[tilespmem:s13+$0x70] =	vst v0  }
0x2f: {  	[tilespmem:s13+$0x0] =	vst v0  }
0x30: {  	[tilespmem:s13+$0x10] =	vst v0  }
.Ltmp2:
0x31: {  	[tilespmem:s13+$0x20] =	vst v0;
	(pc) =	sbr.rel @p0 .LBB2_2-.Ltmp2, $4  }
0x32: {  	[tilespmem:s13+$0x30] =	vst v0  }
0x33: {  	[tilespmem:s13+$0x40] =	vst v0  }
0x34: {  	[tilespmem:s13+$0x50] =	vst v0  }
0x35: {  	[tilespmem:s13+$0x60] =	vst v0;
	s13 =	sshra.s32 s14, $0x2;
	s14 =	sadd.s32 $0x200, s14  }
0x36: {  	[tilespmem:s13+$0x70] =	vst v0  }
0x37: {  	[tilespmem:s13+$0x0] =	vst v0  }
0x38: {  	[tilespmem:s13+$0x10] =	vst v0  }
0x39: {  	[tilespmem:s13+$0x20] =	vst v0  }
0x3a: {  	[tilespmem:s13+$0x30] =	vst v0  }
0x3b: {  	[tilespmem:s13+$0x40] =	vst v0  }
0x3c: {  	[tilespmem:s13+$0x50] =	vst v0  }
0x3d: {  	[tilespmem:s13+$0x60] =	vst v0;
	s13 =	simm.s32 $0x0  }
0x3e: {  	[spmem:s5] =	stream.linear.scatter [tilespmem:s13], [sflag:$0x1], $0x4000, $0x38;
	[tilespmem:$0x1C400] =	vst v63  }
0x3f: {  	s14 =	rddreg [dreg:$0x4]  }
0x40: {  	[spmem:s14] =	stream.linear.scatter [tilespmem:s13], [sflag:$0x1], $0x4000, $0x38;
	[tilespmem:$0x1C400] =	vst v63  }
0x41: {  	s16 =	rddreg [dreg:$0x5]  }
0x42: {  	[spmem:s16] =	stream.linear.scatter [tilespmem:s13], [sflag:$0x1], $0x4000, $0x38;
	[tilespmem:$0x1C400] =	vst v63  }
0x43: {  	s17 =	rddreg [dreg:$0x6]  }
0x44: {  	[spmem:s17] =	stream.linear.scatter [tilespmem:s13], [sflag:$0x1], $0x4000, $0x38;
	[tilespmem:$0x1C400] =	vst v63  }
0x45: {  	s18 =	rddreg [dreg:$0x7]  }
0x46: {  	[spmem:s18] =	stream.linear.scatter [tilespmem:s13], [sflag:$0x1], $0x4000, $0x38;
	[tilespmem:$0x1C400] =	vst v63  }
0x47: {  	_ =	swait.ge [sflag:s22], $0x4000  }
0x48: {  	[sflag:s22] =	ssyncset.done $0x0  }
0x49: {  	[sflag:s22] =	ssyncadd.s32 $0xFFFFC000  }
0x4a: {  	_ =	swait.ge [sflag:s22], $0x4000  }
0x4b: {  	[sflag:s22] =	ssyncset.done $0x0  }
0x4c: {  	[sflag:s22] =	ssyncadd.s32 $0xFFFFC000  }
0x4d: {  	_ =	swait.ge [sflag:s22], $0x4000  }
0x4e: {  	[sflag:s22] =	ssyncset.done $0x0  }
0x4f: {  	[sflag:s22] =	ssyncadd.s32 $0xFFFFC000  }
0x50: {  	_ =	swait.ge [sflag:s22], $0x4000  }
0x51: {  	[sflag:s22] =	ssyncset.done $0x0  }
0x52: {  	[sflag:s22] =	ssyncadd.s32 $0xFFFFC000  }
0x53: {  	_ =	swait.ge [sflag:s22], $0x4000  }
0x54: {  	[sflag:s22] =	ssyncset.done $0x0  }
0x55: {  	[sflag:s22] =	ssyncadd.s32 $0xFFFFC000  }
0x56: {  	[bflag:$0x0] =	sbarrier.arrive $0xFFFF  }
0x57: {  	s15 =	rddreg [dreg:$0x8]  }
0x58: {  	[tilespmem:s23], [sflag:$0x3] =	stream.linear.gather [hbm4b:s15+s13], $0x80, $0x38;
	[tilespmem:$0x1C400] =	vst v63  }
0x59: {  	s16 =	rddreg [dreg:$0x9]  }
0x5a: {  	[tilespmem:s24], [sflag:$0x3] =	stream.linear.gather [hbm4b:s16+s13], $0x80, $0x38;
	[tilespmem:$0x1C400] =	vst v63  }
0x5b: {  	s17 =	rddreg [dreg:$0xa]  }
0x5c: {  	[tilespmem:s25], [sflag:$0x4] =	stream.linear.gather [hbm4b:s17+s13], $0x80, $0x38;
	[tilespmem:$0x1C400] =	vst v63  }
0x5d: {  	s18 =	rddreg [dreg:$0xb]  }
0x5e: {  	[tilespmem:s26], [sflag:$0x4] =	stream.linear.gather [hbm4b:s18+s13], $0x80, $0x38;
	[tilespmem:$0x1C400] =	vst v63  }
0x5f: {  	s15 =	rddreg [dreg:$0xc]  }
0x60: {  	[tilespmem:s28], [sflag:$0x5] =	stream.linear.gather [hbm4b:s15+s13], $0x80, $0x38;
	[tilespmem:$0x1C400] =	vst v63  }
0x61: {  	s16 =	rddreg [dreg:$0xd]  }
0x62: {  	[tilespmem:s29], [sflag:$0x5] =	stream.linear.gather [hbm4b:s16+s13], $0x80, $0x38;
	[tilespmem:$0x1C400] =	vst v63  }
0x63: {  	s17 =	rddreg [dreg:$0xe]  }
0x64: {  	[tilespmem:s30], [sflag:$0x6] =	stream.linear.gather [hbm4b:s17+s13], $0x80, $0x38;
	[tilespmem:$0x1C400] =	vst v63  }
0x65: {  	s18 =	rddreg [dreg:$0xf]  }
0x66: {  	[tilespmem:s31], [sflag:$0x6] =	stream.linear.gather [hbm4b:s18+s13], $0x80, $0x38;
	[tilespmem:$0x1C400] =	vst v63  }
0x67: {  	_ =	swait.ge [sflag:s0], $0x80  }
0x68: {  	[sflag:s0] =	ssyncset.done $0x0  }
0x69: {  	[sflag:s0] =	ssyncadd.s32 $0xFFFFFF80  }
0x6a: {  	_ =	swait.ge [sflag:s0], $0x80  }
0x6b: {  	[sflag:s0] =	ssyncset.done $0x0  }
0x6c: {  	[sflag:s0] =	ssyncadd.s32 $0xFFFFFF80  }
0x6d: {  	[tilespmem:s13], [sflag:$0x1] =	stream.indirect.gather [hbm4b:s4+s1], $0x80, s23, s1, $0xb8;
	[tilespmem:$0x1C400] =	vst v63  }
0x6e: {  	_ =	swait.ge [sflag:s6], $0x80  }
0x6f: {  	[sflag:s6] =	ssyncset.done $0x0  }
0x70: {  	[sflag:s6] =	ssyncadd.s32 $0xFFFFFF80  }
0x71: {  	_ =	swait.ge [sflag:s6], $0x80  }
0x72: {  	[sflag:s6] =	ssyncset.done $0x0  }
0x73: {  	[sflag:s6] =	ssyncadd.s32 $0xFFFFFF80  }
0x74: {  	[tilespmem:s7], [sflag:$0x2] =	stream.indirect.gather [hbm4b:s4+s1], $0x80, s25, s1, $0xb8;
	[tilespmem:$0x1C400] =	vst v63  }
.LBB2_4:
0x75: {  	_ =	swait.ge [sflag:s22], $0x4000  }
0x76: {  	[sflag:s22] =	ssyncset.done $0x0  }
0x77: {  	[sflag:s22] =	ssyncadd.s32 $0xFFFFC000  }
0x78: {  	[spmem:s2] =	stream.indirect.scatter.add.f32 [tilespmem:s3], [sflag:$0x7], $0x80, s24, s1, $0xb8;
	[tilespmem:$0x1C400] =	vst v63  }
0x79: {  	p0 =	seq.s32 s13, $0x4C0;
	_ =	swait.ge [sflag:s8], $0x4000  }
0x7a: {  	s14 =	sadd.s32 @!p0 s13, s20;
	s16 =	simm.s32 @!p0 $0x0;
	[sflag:s8] =	ssyncset.done $0x0  }
0x7b: {  	s17 =	simm.s32 @!p0 $0x8000;
	s15 =	sadd.s32 @!p0 $0x40, s14;
	[sflag:s8] =	ssyncadd.s32 $0xFFFFC000  }
0x7c: {  	[tilespmem:s17], [sflag:$0x3] =	stream.linear.gather @!p0 [hbm4b:s15+s16], $0x80, $0x38;
	[tilespmem:$0x1C400] =	vst v63  }
0x7d: {  	s15 =	sadd.s32 @!p0 s13, s21  }
0x7e: {  	s18 =	simm.s32 @!p0 $0x8200;
	s17 =	sadd.s32 @!p0 $0x40, s15  }
0x7f: {  	[tilespmem:s18], [sflag:$0x3] =	stream.linear.gather @!p0 [hbm4b:s17+s16], $0x80, $0x38;
	[tilespmem:$0x1C400] =	vst v63  }
0x80: {  	_ =	swait.ge [sflag:s9], $0x80  }
0x81: {  	[sflag:s9] =	ssyncset.done $0x0  }
0x82: {  	[sflag:s9] =	ssyncadd.s32 $0xFFFFFF80  }
0x83: {  	_ =	swait.ge [sflag:s9], $0x80  }
0x84: {  	[sflag:s9] =	ssyncset.done $0x0  }
0x85: {  	[sflag:s9] =	ssyncadd.s32 $0xFFFFFF80  }
0x86: {  	[tilespmem:s3], [sflag:$0x1] =	stream.indirect.gather [hbm4b:s4+s1], $0x80, s28, s1, $0xb8;
	[tilespmem:$0x1C400] =	vst v63  }
0x87: {  	_ =	swait.ge [sflag:s10], $0x4000  }
0x88: {  	[sflag:s10] =	ssyncset.done $0x0  }
0x89: {  	[sflag:s10] =	ssyncadd.s32 $0xFFFFC000  }
0x8a: {  	[spmem:s2] =	stream.indirect.scatter.add.f32 [tilespmem:s7], [sflag:$0x7], $0x80, s26, s1, $0xb8;
	[tilespmem:$0x1C400] =	vst v63  }
0x8b: {  	_ =	swait.ge [sflag:s8], $0x4000  }
0x8c: {  	[sflag:s8] =	ssyncset.done $0x0  }
0x8d: {  	s14 =	sadd.s32 @!p0 $0x50, s14;
	s17 =	simm.s32 @!p0 $0x8080;
	[sflag:s8] =	ssyncadd.s32 $0xFFFFC000  }
0x8e: {  	[tilespmem:s17], [sflag:$0x4] =	stream.linear.gather @!p0 [hbm4b:s14+s16], $0x80, $0x38;
	[tilespmem:$0x1C400] =	vst v63  }
0x8f: {  	s14 =	sadd.s32 @!p0 $0x50, s15;
	s15 =	simm.s32 @!p0 $0x8280  }
0x90: {  	[tilespmem:s15], [sflag:$0x4] =	stream.linear.gather @!p0 [hbm4b:s14+s16], $0x80, $0x38;
	[tilespmem:$0x1C400] =	vst v63  }
0x91: {  	_ =	swait.ge [sflag:s11], $0x80  }
0x92: {  	[sflag:s11] =	ssyncset.done $0x0  }
0x93: {  	[sflag:s11] =	ssyncadd.s32 $0xFFFFFF80  }
0x94: {  	_ =	swait.ge [sflag:s11], $0x80  }
0x95: {  	[sflag:s11] =	ssyncset.done $0x0  }
0x96: {  	[sflag:s11] =	ssyncadd.s32 $0xFFFFFF80  }
0x97: {  	[tilespmem:s7], [sflag:$0x2] =	stream.indirect.gather [hbm4b:s4+s1], $0x80, s30, s1, $0xb8;
	[tilespmem:$0x1C400] =	vst v63  }
0x98: {  	_ =	swait.ge [sflag:s22], $0x4000  }
0x99: {  	[sflag:s22] =	ssyncset.done $0x0  }
.Ltmp3:
0x9a: {  	[sflag:s22] =	ssyncadd.s32 $0xFFFFC000;
	(pc) =	sbr.rel @p0 .LBB2_6-.Ltmp3, $4  }
0x9b: {  	[spmem:s2] =	stream.indirect.scatter.add.f32 [tilespmem:s3], [sflag:$0x7], $0x80, s29, s1, $0xb8;
	[tilespmem:$0x1C400] =	vst v63  }
0x9c: {  	_ =	swait.ge [sflag:s8], $0x4000  }
0x9d: {  	[sflag:s8] =	ssyncset.done $0x0  }
0x9e: {  	[sflag:s8] =	ssyncadd.s32 $0xFFFFC000  }
0x9f: {  	s14 =	sadd.s32 s13, s20  }
0xa0: {  	s17 =	sadd.s32 s13, s21;
	s15 =	sadd.s32 $0x60, s14  }
0xa1: {  	[tilespmem:s28], [sflag:$0x5] =	stream.linear.gather [hbm4b:s15+s3], $0x80, $0x38;
	[tilespmem:$0x1C400] =	vst v63  }
0xa2: {  	s16 =	sadd.s32 $0x60, s17  }
0xa3: {  	[tilespmem:s29], [sflag:$0x5] =	stream.linear.gather [hbm4b:s16+s3], $0x80, $0x38;
	[tilespmem:$0x1C400] =	vst v63  }
0xa4: {  	_ =	swait.ge [sflag:s0], $0x80  }
0xa5: {  	[sflag:s0] =	ssyncset.done $0x0  }
0xa6: {  	[sflag:s0] =	ssyncadd.s32 $0xFFFFFF80  }
0xa7: {  	_ =	swait.ge [sflag:s0], $0x80  }
0xa8: {  	[sflag:s0] =	ssyncset.done $0x0  }
0xa9: {  	[sflag:s0] =	ssyncadd.s32 $0xFFFFFF80  }
0xaa: {  	[tilespmem:s3], [sflag:$0x1] =	stream.indirect.gather [hbm4b:s4+s1], $0x80, s23, s1, $0xb8;
	[tilespmem:$0x1C400] =	vst v63  }
0xab: {  	_ =	swait.ge [sflag:s10], $0x4000  }
0xac: {  	[sflag:s10] =	ssyncset.done $0x0  }
0xad: {  	[sflag:s10] =	ssyncadd.s32 $0xFFFFC000  }
0xae: {  	[spmem:s2] =	stream.indirect.scatter.add.f32 [tilespmem:s7], [sflag:$0x7], $0x80, s31, s1, $0xb8;
	[tilespmem:$0x1C400] =	vst v63  }
0xaf: {  	_ =	swait.ge [sflag:s8], $0x4000  }
0xb0: {  	[sflag:s8] =	ssyncset.done $0x0  }
0xb1: {  	s14 =	sadd.s32 $0x70, s14;
	[sflag:s8] =	ssyncadd.s32 $0xFFFFC000  }
0xb2: {  	[tilespmem:s30], [sflag:$0x6] =	stream.linear.gather [hbm4b:s14+s3], $0x80, $0x38;
	[tilespmem:$0x1C400] =	vst v63  }
0xb3: {  	s18 =	sadd.s32 $0x70, s17  }
0xb4: {  	[tilespmem:s31], [sflag:$0x6] =	stream.linear.gather [hbm4b:s18+s3], $0x80, $0x38;
	[tilespmem:$0x1C400] =	vst v63  }
0xb5: {  	_ =	swait.ge [sflag:s6], $0x80  }
0xb6: {  	[sflag:s6] =	ssyncset.done $0x0  }
.Ltmp4:
0xb7: {  	[sflag:s6] =	ssyncadd.s32 $0xFFFFFF80;
	(pc) =	sbr.rel .LBB2_4-.Ltmp4, $4  }
0xb8: {  	_ =	swait.ge [sflag:s6], $0x80  }
0xb9: {  	[sflag:s6] =	ssyncset.done $0x0  }
0xba: {  	s13 =	sadd.s32 $0x40, s13;
	[sflag:s6] =	ssyncadd.s32 $0xFFFFFF80  }
0xbb: {  	[tilespmem:s7], [sflag:$0x2] =	stream.indirect.gather [hbm4b:s4+s1], $0x80, s25, s1, $0xb8;
	[tilespmem:$0x1C400] =	vst v63  }
.LBB2_7:
0xbc: {  	_ =	sfence.sel $0x180000  }
0xbd: {  	[bflag:$0x0] =	sbarrier.arrive $0xFFFF  }
0xbe: {  	_ =	strace $0x9000004D  }
0xbf: {  	s0 =	stileid.u32;
	[bflag:$0x2] =	sbarrier.arrive $0xFFFF  }
0xc0: {  	p0 =	sne.s32 s0, $0x0;
	s0 =	rddreg [dreg:$0x3]  }
0xc1: {  	s0 =	sadd.s32 @!p0 $0x100000, s0  }
0xc2: {  	[sflag:s0] =	ssyncadd.tile.s32 @!p0 $0x1;
	_ =	shalt  }
.Lfunc_end2:
_tile_overlayer_lowered:
.L_overlay_start_2:
0xc3: {  	(tag) =	ssettag $0x2  }
0xc4: {  	s0 =	rddreg [dreg:$0x0];
	s2 =	stileid.u32  }
0xc5: {  	s1 =	rddreg [dreg:$0x1];
	p0 =	sne.s32 s2, $0x0  }
0xc6: {  	s3 =	rddreg [dreg:$0x2];
	[bflag:$0x3] =	sbarrier.arrive $0xFFFF;
	s2 =	simm.s32 @!p0 $0x1C07  }
0xc7: {  	[timem:s3], [sflag:s2] =	dma.local @!p0 [hbm:s0], s1  }
0xc8: {  	s0 =	simm.s32 @!p0 $0x7  }
0xc9: {  	_ =	swait.ge @!p0 [sflag:s0], s1  }
0xca: {  	s1 =	ssub.s32 @!p0 $0x0, s1;
	[sflag:s0] =	ssyncset.done @!p0 $0x0  }
0xcb: {  	[sflag:s0] =	ssyncadd.s32 @!p0 s1  }
0xcc: {  	[bflag:$0x3] =	sbarrier.arrive $0xFFFF  }
0xcd: {  	_ =	shalt  }

// kernel: degk.3.cloned.1.call-start
scs
__scs_entry_jumppad:
0x0: {  	(pc) =	sbr.rel $0x88, $3  }
0x1: {  	(tag) =	ssettag $0x0;
	lr =	simm.s32 $0x1  }
0x2: {  	[smem:$0x3F9B] =	sst lr;
	_ =	strace $0xD0000000  }
0x3: {  	_ = 	snop  }
0x4: {  	_ = 	snop  }
0x5: {  	_ = 	snop  }
0x6: {  	_ = 	snop  }
0x7: {  	_ = 	snop  }
__scs_overlays_trampoline_lowered:
0x8: {  	[smem:$0x3FAA] =	sst s0  }
0x9: {  	[smem:$0x3FAB] =	sst s1  }
0xa: {  	[smem:$0x3FAC] =	sst s2  }
0xb: {  	[smem:$0x3FAD] =	sst s3  }
0xc: {  	[smem:$0x3FAE] =	sst s4  }
0xd: {  	[smem:$0x3FAF] =	sst s5  }
0xe: {  	[smem:$0x3FB0] =	sst s6  }
0xf: {  	[smem:$0x3FB1] =	sst s7  }
0x10: {  	[smem:$0x3FB2] =	sst s8  }
0x11: {  	[smem:$0x3FB3] =	sst s9;
	s0 =	simm.s32 @!p0 $0x0  }
0x12: {  	s1 =	sld [smem:$0x3F99];
	s0 =	simm.s32 @p0 $0x1  }
0x13: {  	[smem:$0x3FB4] =	sst s0;
	s0 =	simm.s32 @!p1 $0x0  }
0x14: {  	s2 =	sld [smem:$0x3F98];
	s0 =	simm.s32 @p1 $0x1  }
0x15: {  	[smem:$0x3FB5] =	sst s0;
	s0 =	simm.s32 @!p2 $0x0  }
0x16: {  	s3 =	sld [smem:$0x3FDB];
	s0 =	simm.s32 @p2 $0x1  }
0x17: {  	s4 =	simm.s32 $0x1BF5;
	[smem:$0x3FB7] =	sst s0  }
0x18: {  	s0 =	sld [smem:$0x3F9A];
	_ =	swait.ge [sflag:s4], $0x0  }
0x19: {  	s7 =	sld [smem:$0x3F9B]  }
0x1a: {  	s8 =	sadd.s32 $0xFFFFE003, lr  }
0x1b: {  	s9 =	sadd.s32 $0xFFFFFEF7, lr;
	s5 =	simm.s32 $0xFFFFFFFF;
	p2 =	slt.u32 s8, $0xFFFFF086  }
0x1c: {  	p1 =	slt.u32 s9, $0xF7A;
	s5 =	simm.s32 @!p2 $0x0  }
0x1d: {  	s5 =	simm.s32 @p1 $0x1;
	p0 =	seq.s32 s7, s2  }
0x1e: {  	s7 =	smul.u32 @!p0 $0xF7A, s2;
	p2 =	seq.s32 @!p0 s5, $0x0  }
0x1f: {  	s9 =	smul.u32 $0xF7A, s1;
	s8 =	simm.s32 @!p0 $0x1BF5;
	p2 =	por !p2, p0  }
0x20: {  	[sflag:s8] =	ssyncset.s32 @!p0 $0xFFFFF086;
	s6 =	sadd.s32 @!p0 s3, s7;
	s7 =	simm.s32 @!p0 $0x108  }
0x21: {  	s3 =	sadd.s32 s3, s9;
	s6 =	sadd.s32 @!p0 $0x88, s6;
	s7 =	simm.s32 @p2 $0x1082  }
0x22: {  	[simem:s7], [sflag:s8] =	dma.local @!p0 [hbm:s6], $0xF7A  }
0x23: {  	s9 =	sor.u32 $0xD0000000, s2;
	s6 =	simm.s32 $0x108;
	_ =	swait.ge @!p0 [sflag:s8], $0x0  }
0x24: {  	s3 =	sadd.s32 $0x88, s3;
	s6 =	simm.s32 @!p1 $0x1082;
	[sflag:s4] =	ssyncset.s32 $0xFFFFF086  }
0x25: {  	[simem:s6], [sflag:s4] =	dma.local [hbm:s3], $0xF7A  }
0x26: {  	[smem:$0x3F9B] =	sst s1;
	(tag) =	ssettag s2;
	_ =	strace s9  }
0x27: {  	s1 =	sld [smem:$0x3FAB]  }
0x28: {  	s2 =	sld [smem:$0x3FAC]  }
0x29: {  	s4 =	sld [smem:$0x3FAE]  }
0x2a: {  	p0 =	seq.s32 s5, $0x0;
	s5 =	sld [smem:$0x3FAF]  }
0x2b: {  	s6 =	sld [smem:$0x3FB0]  }
0x2c: {  	s7 =	sld [smem:$0x3FB1]  }
0x2d: {  	s3 =	simm.s32 $0x108;
	s8 =	sld [smem:$0x3FB2]  }
0x2e: {  	s3 =	simm.s32 @!p0 $0x1082;
	s9 =	sld [smem:$0x3FB3]  }
0x2f: {  	lr =	sadd.s32 s0, s3;
	s0 =	sld [smem:$0x3FAA]  }
0x30: {  	s3 =	sld [smem:$0x3FAD]  }
0x31: {  	[smem:$0x3FB6] =	sst s10  }
0x32: {  	s10 =	sld [smem:$0x3FB4];
	_ =	sdelay $0x3  }
0x33: {  	p0 =	seq.s32 s10, $0x1;
	s10 =	sld [smem:$0x3FB6];
	_ =	sdelay $0x3  }
0x34: {  	[smem:$0x3FB6] =	sst s10  }
0x35: {  	s10 =	sld [smem:$0x3FB5];
	_ =	sdelay $0x3  }
0x36: {  	p1 =	seq.s32 s10, $0x1;
	s10 =	sld [smem:$0x3FB6];
	_ =	sdelay $0x3  }
0x37: {  	[smem:$0x3FB6] =	sst s10  }
0x38: {  	s10 =	sld [smem:$0x3FB7]  }
0x39: {  	_ = 	snop;
	(pc) =	sbr.ind lr, $3  }
0x3a: {  	_ = 	snop  }
0x3b: {  	_ = 	snop  }
0x3c: {  	p2 =	seq.s32 s10, $0x1;
	s10 =	sld [smem:$0x3FB6]  }
0x3d: {  	_ =	shalt  }
0x3e: {  	_ =	shalt  }
0x3f: {  	_ =	shalt  }
0x40: {  	_ =	shalt  }
0x41: {  	_ =	shalt  }
0x42: {  	_ =	shalt  }
0x43: {  	_ =	shalt  }
0x44: {  	_ =	shalt  }
0x45: {  	_ =	shalt  }
0x46: {  	_ =	shalt  }
0x47: {  	_ =	shalt  }
0x48: {  	_ =	shalt  }
0x49: {  	_ =	shalt  }
0x4a: {  	_ =	shalt  }
0x4b: {  	_ =	shalt  }
0x4c: {  	_ =	shalt  }
0x4d: {  	_ =	shalt  }
0x4e: {  	_ =	shalt  }
0x4f: {  	_ =	shalt  }
0x50: {  	_ =	shalt  }
0x51: {  	_ =	shalt  }
0x52: {  	_ =	shalt  }
0x53: {  	_ =	shalt  }
0x54: {  	_ =	shalt  }
0x55: {  	_ =	shalt  }
0x56: {  	_ =	shalt  }
0x57: {  	_ =	shalt  }
0x58: {  	_ =	shalt  }
0x59: {  	_ =	shalt  }
0x5a: {  	_ =	shalt  }
0x5b: {  	_ =	shalt  }
0x5c: {  	_ =	shalt  }
0x5d: {  	_ =	shalt  }
0x5e: {  	_ =	shalt  }
0x5f: {  	_ =	shalt  }
0x60: {  	_ =	shalt  }
0x61: {  	_ =	shalt  }
0x62: {  	_ =	shalt  }
0x63: {  	_ =	shalt  }
0x64: {  	_ =	shalt  }
0x65: {  	_ =	shalt  }
0x66: {  	_ =	shalt  }
0x67: {  	_ =	shalt  }
0x68: {  	_ =	shalt  }
0x69: {  	_ =	shalt  }
0x6a: {  	_ =	shalt  }
0x6b: {  	_ =	shalt  }
0x6c: {  	_ =	shalt  }
0x6d: {  	_ =	shalt  }
0x6e: {  	_ =	shalt  }
0x6f: {  	_ =	shalt  }
0x70: {  	_ =	shalt  }
0x71: {  	_ =	shalt  }
0x72: {  	_ =	shalt  }
0x73: {  	_ =	shalt  }
0x74: {  	_ =	shalt  }
0x75: {  	_ =	shalt  }
0x76: {  	_ =	shalt  }
0x77: {  	_ =	shalt  }
0x78: {  	_ =	shalt  }
0x79: {  	_ =	shalt  }
0x7a: {  	_ =	shalt  }
0x7b: {  	_ =	shalt  }
0x7c: {  	_ =	shalt  }
0x7d: {  	_ =	shalt  }
0x7e: {  	_ =	shalt  }
0x7f: {  	_ =	shalt  }
0x80: {  	_ =	shalt  }
0x81: {  	_ =	shalt  }
0x82: {  	_ =	shalt  }
0x83: {  	_ =	shalt  }
0x84: {  	_ =	shalt  }
0x85: {  	_ =	shalt  }
0x86: {  	_ =	shalt  }
0x87: {  	_ =	shalt  }
.Lfunc_end0:
.L_simem_size_0:
called_computation_lowered:
.L_overlay_start_0:
0x88: {  	s2 =	sld [smem:$0x3FD9]  }
0x89: {  	s3 =	sld [smem:$0x3FFE];
	_ =	sdelay $0x1  }
0x8a: {  	s1 =	srdreg.scid  }
0x8b: {  	s0 =	sand.u32 $0x1, s1  }
0x8c: {  	s14 =	sshll.u32 s0, $0xA;
	s2 =	sadd.s32 s3, s2  }
0x8d: {  	s2 =	sadd.s32 s2, s14  }
0x8e: {  	[smem:$0x3FC2] =	sst s2  }
0x8f: {  	_ = 	snop  }
0x90: {  	s2 =	sld [smem:$0x3FD0];
	_ =	sdelay $0x2  }
0x91: {  	s4 =	simm.s32 $0xA;
	s5 =	simm.s32 $0x10;
	s15 =	sld [smem:$0x3FC8]  }
0x92: {  	[smem:s5], [sflag:s4] =	dma.local [hbm:s2], $0x1  }
0x93: {  	_ =	swait.eq [sflag:s4], $0x1  }
0x94: {  	[sflag:s4] =	ssyncset.done $0x0  }
0x95: {  	[sflag:s4] =	ssyncadd.s32 $0xFFFFFFFF  }
0x96: {  	s16 =	sld [smem:$0x11];
	(tm) =	ssettm $0x1  }
0x97: {  	s17 =	sld [smem:$0x3FFB];
	_ =	sdelay $0x3  }
0x98: {  	_ =	strace s17  }
0x99: {  	s4 =	sld [smem:$0x3FFC];
	_ =	sdelay $0x3  }
0x9a: {  	_ =	strace s4  }
0x9b: {  	s4 =	sld [smem:$0x3FFD];
	_ =	sdelay $0x3  }
0x9c: {  	_ =	strace s4  }
0x9d: {  	_ =	strace $0x8FFFFFFF  }
0x9e: {  	s18 =	sld [smem:$0x3FDB];
	_ =	sdelay $0x1  }
0x9f: {  	s19 =	simm.s32 $_scs_section_size  }
0xa0: {  	s6 =	simm.s32 $_size__tile_overlayer_lowered;
	s7 =	simm.s32 $_tile_overlayer_lowered  }
0xa1: {  	s22 =	simm.s32 $0x1BFF;
	s21 =	sshll.u32 s7, $0x1;
	s4 =	sadd.s32 s19, s18  }
0xa2: {  	s8 =	simm.s32 $0x0;
	s20 =	sshll.u32 s6, $0x1;
	s6 =	sadd.s32 s21, s4  }
0xa3: {  	[timem:s8], [sflag:s22] =	dma.local [hbm:s6], s20  }
0xa4: {  	_ =	swait.ge [sflag:s22], s20  }
0xa5: {  	s5 =	ssub.s32 $0x0, s20;
	[sflag:s22] =	ssyncset.done $0x0  }
0xa6: {  	[sflag:s22] =	ssyncadd.s32 s5;
	_ =	sdelay $0x1  }
0xa7: {  	s23 =	simm.s32 $0x1B8B  }
0xa8: {  	_ =	swait.ge [sflag:s23], $0x1  }
0xa9: {  	[sflag:s23] =	ssyncset.done $0x0  }
0xaa: {  	s25 =	simm.s32 $0x1B8E;
	s24 =	sld [smem:$0x3FFE];
	[sflag:s23] =	ssyncadd.s32 $0xFFFFFFFF  }
0xab: {  	s26 =	simm.s32 $execute0_lowered;
	[smem:$0x3FD2] =	sst s25  }
0xac: {  	s6 =	sshll.u32 s26, $0x1;
	_ =	strace $0x80000046;
	[dreg:$0x1] =	wrdreg $0xFFFFFFFF  }
0xad: {  	s28 =	simm.s32 $_size_execute0_lowered;
	s4 =	sadd.s32 s4, s6;
	[dreg:$0x0] =	wrdreg $0x0  }
0xae: {  	s6 =	sshll.u32 s28, $0x1;
	[dreg:$0x2] =	wrdreg s4  }
0xaf: {  	[dreg:$0x3] =	wrdreg s6  }
0xb0: {  	[dreg:$0x4] =	wrdreg $0xC0  }
0xb1: {  	_ =	task [dreg:s8], $0x5FFFF  }
0xb2: {  	[dreg:$0x1] =	wrdreg $0xFFFFFFFF  }
0xb3: {  	[dreg:$0x0] =	wrdreg $0x60  }
0xb4: {  	[dreg:$0x2] =	wrdreg s15  }
0xb5: {  	[dreg:$0x3] =	wrdreg s16  }
0xb6: {  	[dreg:$0x4] =	wrdreg s24  }
0xb7: {  	[dreg:$0x5] =	wrdreg $0x1CA800  }
0xb8: {  	[dreg:$0x6] =	wrdreg $0x9  }
0xb9: {  	_ =	task.clear_ibuf [dreg:s8], $0x7FFFF;
	_ =	strace $0x90000046  }
0xba: {  	s29 =	simm.s32 $0x9;
	_ =	strace $0x80000048  }
0xbb: {  	_ =	swait.ge [sflag:s29], $0x1  }
0xbc: {  	[sflag:s29] =	ssyncadd.s32 $0xFFFFFFFF  }
0xbd: {  	_ =	strace $0x90000048  }
0xbe: {  	_ =	sfence  }
0xbf: {  	s30 =	sld [smem:$0x0];
	_ =	sdelay $0x2  }
0xc0: {  	s31 =	sshll.u32 s1, $0xD;
	s1 =	sshrl.u32 s1, $0x2  }
0xc1: {  	s3 =	sand.u32 $0x4000, s31;
	s1 =	sadd.s32 s1, s30  }
0xc2: {  	s0 =	sor.u32 s3, s0;
	s1 =	sshll.u32 s1, $0x11  }
0xc3: {  	s0 =	sor.u32 s1, s0  }
0xc4: {  	s0 =	sadd.s32 $0x8F2B, s0  }
0xc5: {  	[sflag:s0] =	ssyncadd.remote.s32 $0x1  }
0xc6: {  	_ =	sfence.sel $0xFFFF  }
0xc7: {  	[dreg:$0x0] =	wrdreg $0xFFFFFFFF;
	(pc) =	sbr.abs _section_cstart, $3  }
0xc8: {  	[dreg:$0x1] =	wrdreg $0xFFFFFFFF  }
0xc9: {  	_ =	task.clear_ibuf [dreg:s8], $0x2FFFF;
	_ =	strace $0x9FFFFFFF  }
0xca: {  	(tm) =	ssettm $0x7FFFFFFF  }
0xcb: {  	_ =	shalt  }
tec
execute0_lowered:
.L_overlay_start_1:
0x0: {  	(tag) =	ssettag $0x1  }
0x1: {  	s4 =	rddreg [dreg:$0x0]  }
0x2: {  	s9 =	rddreg [dreg:$0x1]  }
0x3: {  	s3 =	rddreg [dreg:$0x2]  }
0x4: {  	s7 =	rddreg [dreg:$0x3]  }
0x5: {  	s0 =	rddreg [dreg:$0x4];
	s1 =	simm.s32 $0x0;
	s2 =	srdreg.scid  }
0x6: {  	s17 =	simm.s32 $0x1A280;
	s18 =	simm.s32 $0x0;
	[smem:$0x7FF] =	sst s1  }
0x7: {  	s8 =	sand.u32 $0x1, s2;
	s2 =	stileid.u32;
	s10 =	sadd.s32 $0x5000, s3  }
0x8: {  	s3 =	simm.s32 $0x9D;
	_ =	strace $0x80000047;
	s11 =	smul.u32 $0x1380, s2  }
0x9: {  	s5 =	ssub.s32 $0x2, s8;
	p0 =	slt.u32 s2, $0x4;
	s14 =	smul.u32 $0x1400, s8  }
0xa: {  	s12 =	sshrl.u32 s2, $0x3;
	s26 =	sshll.u32 s2, $0x5;
	s16 =	smul.u32 $0x5000, s2  }
0xb: {  	s28 =	sshll.u32 s2, $0x7;
	s31 =	smul.u32 $0x50, s2;
	p1 =	sgt.u32 s2, $0x7  }
0xc: {  	s6 =	sshrl.u32 s5, $0x1;
	s3 =	simm.s32 @!p0 $0x9C;
	s24 =	smul.u32 $0x28000, s12  }
0xd: {  	s29 =	sand.u32 $0x380, s28;
	p0 =	seq.s32 s8, $0x1;
	s12 =	simm.s32 $0x1  }
0xe: {  	s13 =	ssub.s32 s5, s6;
	s25 =	sadd.s32 s11, s4;
	s11 =	sadd.s32 s26, s4  }
0xf: {  	s30 =	sshrl.u32 s16, $0x2;
	s9 =	smov.u32 @p0 s10;
	p0 =	sgt.u32 s2, $0x3  }
.Ltmp0:
0x10: {  	s10 =	simm.s32 $0x80;
	v0 =	vmov s14;
	s14 =	simm.s32 $0x18E80;
	(pc) =	sbr.rel .LBB2_1-.Ltmp0, $4  }
0x11: {  	s16 =	simm.s32 $0xA000;
	s5 =	sshrl.u32 s24, $0x2;
	s4 =	sadd.s32 $0x10, s25  }
0x12: {  	s8 =	smax.u32 s13, $0x1;
	s9 =	sadd.s32 s9, s31;
	s13 =	simm.s32 $0x400  }
0x13: {  	v2 =	vlaneseq.u32;
	s15 =	sadd.s32 s5, s7;
	s5 =	sadd.s32 $0x13810, s11;
	s7 =	sadd.s32 s30, s7  }
0x14: {  	v1 =	vimm.f32 $0.0e+00;
	v3 =	vimm.f32 $1.000000000e+00;
	v2 =	vmul.u32 $0x1400, v2;
	s11 =	simm.s32 $0x100;
	s6 =	sadd.s32 s29, s15;
	s15 =	simm.s32 $0x1400  }
.LBB2_10:
0x15: {  	v4 =	vld [tilespmem:s20+$0x1A300]  }
0x16: {  	v5 =	vld [tilespmem:s20+$0x1A280];
	_ =	sdelay $0x1  }
0x17: {  	v6 =	vld [tilespmem:s20+$0x1A380];
	_ =	sdelay $0x1  }
0x18: {  	v7 =	vld [tilespmem:s20+$0x1A400]  }
0x19: {  	v4 =	vadd.f32 v4, v5  }
0x1a: {  	v5 =	vld [tilespmem:s20+$0x1A480]  }
0x1b: {  	v4 =	vadd.f32 v6, v4  }
0x1c: {  	v56 =	vld [tilespmem:s20+$0x1A500]  }
0x1d: {  	v4 =	vadd.f32 v7, v4  }
0x1e: {  	v57 =	vld [tilespmem:s20+$0x1A580]  }
0x1f: {  	v4 =	vadd.f32 v5, v4  }
0x20: {  	v5 =	vld [tilespmem:s20+$0x1A600]  }
0x21: {  	v4 =	vadd.f32 v56, v4  }
0x22: {  	v58 =	vld [tilespmem:s20+$0x1B680]  }
0x23: {  	v4 =	vadd.f32 v57, v4  }
0x24: {  	v59 =	vld [tilespmem:s20+$0x1B700]  }
0x25: {  	v4 =	vadd.f32 v5, v4  }
0x26: {  	v5 =	vld [tilespmem:s20+$0x1B780]  }
0x27: {  	v4 =	vadd.f32 v58, v4  }
0x28: {  	v60 =	vld [tilespmem:s20+$0x1B800]  }
0x29: {  	v4 =	vadd.f32 v59, v4  }
0x2a: {  	v61 =	vld [tilespmem:s20+$0x1B880]  }
0x2b: {  	v4 =	vadd.f32 v5, v4  }
0x2c: {  	v5 =	vld [tilespmem:s20+$0x1B900]  }
0x2d: {  	v4 =	vadd.f32 v60, v4  }
0x2e: {  	v62 =	vld [tilespmem:s20+$0x1B980]  }
0x2f: {  	v4 =	vadd.f32 v61, v4  }
0x30: {  	v63 =	vld [tilespmem:s20+$0x1BA00]  }
0x31: {  	v4 =	vadd.f32 v5, v4;
	_ =	sdelay $0x1  }
0x32: {  	v4 =	vadd.f32 v62, v4;
	_ =	sdelay $0x1  }
0x33: {  	v4 =	vadd.f32 v63, v4  }
0x34: {  	s19 =	sadd.s32 $0x10, s19  }
0x35: {  	[tilespmem:s19+$0x0] =	vst v4  }
0x36: {  	[hbm4b:s9+s1] =	stream.linear.scatter [tilespmem:s14], [sflag:$0x1], $0x280, $0x38;
	[tilespmem:$0x1DE80] =	vst v63  }
0x37: {  	_ =	swait.ge [sflag:s12], $0x280  }
0x38: {  	[sflag:s12] =	ssyncset.done $0x0  }
0x39: {  	[sflag:s12] =	ssyncadd.s32 $0xFFFFFD80  }
.LBB2_11:
0x3a: {  	s18 =	sadd.s32 $0x1, s18  }
0x3b: {  	p2 =	sne.s32 s18, s8  }
.Ltmp1:
0x3c: {  	_ = 	snop;
	(pc) =	sbr.rel @!p2 .LBB2_12-.Ltmp1, $1  }
0x3d: {  	_ =	sdelay $0x3  }
.LBB2_1:
0x3e: {  	[tilespmem:s1], [sflag:$0x1] =	stream.strided.gather [hbm4b:s4+s10], $0x4E00, s11, s10, $0x38;
	[tilespmem:$0x1DE80] =	vst v63  }
0x3f: {  	_ =	swait.ge [sflag:s12], $0x4E00  }
0x40: {  	[sflag:s12] =	ssyncset.done $0x0  }
0x41: {  	s19 =	simm.s32 @!p0 $0x0;
	s20 =	simm.s32 @!p0 $0x4E00;
	[sflag:s12] =	ssyncadd.s32 $0xFFFFB200  }
0x42: {  	[tilespmem:s20], [sflag:$0x1] =	stream.linear.gather @!p0 [hbm4b:s5+s19], $0x80, $0x38;
	[tilespmem:$0x1DE80] =	vst v63  }
0x43: {  	s19 =	simm.s32 @!p0 $0x1  }
0x44: {  	_ =	swait.ge @!p0 [sflag:s19], $0x80  }
0x45: {  	[sflag:s19] =	ssyncset.done @!p0 $0x0  }
0x46: {  	s20 =	simm.s32 $0x200;
	[sflag:s19] =	ssyncadd.s32 @!p0 $0xFFFFFF80;
	s19 =	simm.s32 $0x0  }
.LBB2_2:
0x47: {  	p2 =	sne.s32 s20, $0x4FE00;
	[tilespmem:s19+$0x4EF0] =	vst v1  }
0x48: {  	[tilespmem:s19+$0x4E80] =	vst v1  }
0x49: {  	[tilespmem:s19+$0x4E90] =	vst v1  }
.Ltmp2:
0x4a: {  	[tilespmem:s19+$0x4EA0] =	vst v1;
	(pc) =	sbr.rel @p2 .LBB2_2-.Ltmp2, $4  }
0x4b: {  	[tilespmem:s19+$0x4EB0] =	vst v1  }
0x4c: {  	[tilespmem:s19+$0x4EC0] =	vst v1  }
0x4d: {  	[tilespmem:s19+$0x4ED0] =	vst v1  }
0x4e: {  	[tilespmem:s19+$0x4EE0] =	vst v1;
	s19 =	sshra.s32 s20, $0x2;
	s20 =	sadd.s32 $0x200, s20  }
0x4f: {  	[tilespmem:s19+$0x4EF0] =	vst v1  }
0x50: {  	[tilespmem:s19+$0x4E80] =	vst v1  }
0x51: {  	[tilespmem:s19+$0x4E90] =	vst v1  }
0x52: {  	[tilespmem:s19+$0x4EA0] =	vst v1  }
0x53: {  	[tilespmem:s19+$0x4EB0] =	vst v1  }
0x54: {  	[tilespmem:s19+$0x4EC0] =	vst v1  }
0x55: {  	[tilespmem:s19+$0x4ED0] =	vst v1  }
0x56: {  	[tilespmem:s19+$0x4EE0] =	vst v1;
	s19 =	simm.s32 $0x40;
	s20 =	smov.u32 s3  }
.LBB2_4:
0x57: {  	v4 =	vld [tilespmem:s19+$0xFFFFFFC0];
	_ =	sdelay $0x4  }
0x58: {  	v4 =	vsub.s32 v4, v0  }
0x59: {  	vm0 =	vgt.s32 v4, $0x0  }
0x5a: {  	v5 =	vnsel vm0, $0x0, v4  }
0x5b: {  	v5 =	vmin.u32 v5, $0x13FF  }
0x5c: {  	v6 =	vadd.s32 v2, v5  }
0x5d: {  	vm13 =	vlt.u32 v4, $0x1400;
	v5 =	vand.u32 $0x7F, v5;
	v4 =	vand.u32 $0x3FF80, v6  }
0x5e: {  	v4 =	vor.u32 v5, v4;
	_ =	sdelay $0x3  }
0x5f: {  	s21 =	simm.s32 $0x4E80  }
0x60: {  	[tilespmem:v4+s21+$0x0] =	vst.idx.add.f32.msk vm13, v3  }
0x61: {  	v4 =	vld [tilespmem:s19+$0xFFFFFFD0];
	_ =	sdelay $0x4  }
0x62: {  	v4 =	vsub.s32 v4, v0  }
0x63: {  	vm14 =	vgt.s32 v4, $0x0  }
0x64: {  	v5 =	vnsel vm14, $0x0, v4  }
0x65: {  	v5 =	vmin.u32 v5, $0x13FF  }
0x66: {  	v57 =	vadd.s32 v2, v5  }
0x67: {  	vm15 =	vlt.u32 v4, $0x1400;
	v5 =	vand.u32 $0x7F, v5;
	v4 =	vand.u32 $0x3FF80, v57  }
0x68: {  	v4 =	vor.u32 v5, v4;
	_ =	sdelay $0x4  }
0x69: {  	[tilespmem:v4+s21+$0x0] =	vst.idx.add.f32.msk vm15, v3  }
0x6a: {  	v4 =	vld [tilespmem:s19+$0xFFFFFFE0];
	_ =	sdelay $0x4  }
0x6b: {  	v4 =	vsub.s32 v4, v0  }
0x6c: {  	vm4 =	vgt.s32 v4, $0x0  }
0x6d: {  	v5 =	vnsel vm4, $0x0, v4  }
0x6e: {  	v5 =	vmin.u32 v5, $0x13FF  }
0x6f: {  	v58 =	vadd.s32 v2, v5  }
0x70: {  	vm5 =	vlt.u32 v4, $0x1400;
	v5 =	vand.u32 $0x7F, v5;
	v4 =	vand.u32 $0x3FF80, v58  }
0x71: {  	v4 =	vor.u32 v5, v4;
	_ =	sdelay $0x4  }
0x72: {  	[tilespmem:v4+s21+$0x0] =	vst.idx.add.f32.msk vm5, v3  }
0x73: {  	v4 =	vld [tilespmem:s19+$0xFFFFFFF0];
	_ =	sdelay $0x4  }
0x74: {  	v4 =	vsub.s32 v4, v0  }
0x75: {  	vm6 =	vgt.s32 v4, $0x0  }
0x76: {  	v5 =	vnsel vm6, $0x0, v4  }
0x77: {  	v5 =	vmin.u32 v5, $0x13FF  }
0x78: {  	v59 =	vadd.s32 v2, v5  }
0x79: {  	vm7 =	vlt.u32 v4, $0x1400;
	v5 =	vand.u32 $0x7F, v5;
	v4 =	vand.u32 $0x3FF80, v59  }
0x7a: {  	v4 =	vor.u32 v5, v4;
	_ =	sdelay $0x4  }
0x7b: {  	[tilespmem:v4+s21+$0x0] =	vst.idx.add.f32.msk vm7, v3  }
0x7c: {  	v4 =	vld [tilespmem:s19+$0x0];
	_ =	sdelay $0x4  }
0x7d: {  	v4 =	vsub.s32 v4, v0  }
0x7e: {  	vm8 =	vgt.s32 v4, $0x0  }
0x7f: {  	v5 =	vnsel vm8, $0x0, v4  }
0x80: {  	v5 =	vmin.u32 v5, $0x13FF  }
0x81: {  	v60 =	vadd.s32 v2, v5  }
0x82: {  	vm9 =	vlt.u32 v4, $0x1400;
	v5 =	vand.u32 $0x7F, v5;
	v4 =	vand.u32 $0x3FF80, v60  }
0x83: {  	v4 =	vor.u32 v5, v4;
	_ =	sdelay $0x4  }
0x84: {  	[tilespmem:v4+s21+$0x0] =	vst.idx.add.f32.msk vm9, v3  }
0x85: {  	v4 =	vld [tilespmem:s19+$0x10];
	_ =	sdelay $0x4  }
0x86: {  	v4 =	vsub.s32 v4, v0  }
0x87: {  	vm10 =	vgt.s32 v4, $0x0  }
0x88: {  	v5 =	vnsel vm10, $0x0, v4  }
0x89: {  	v5 =	vmin.u32 v5, $0x13FF  }
0x8a: {  	v61 =	vadd.s32 v2, v5  }
0x8b: {  	vm11 =	vlt.u32 v4, $0x1400;
	v5 =	vand.u32 $0x7F, v5;
	v4 =	vand.u32 $0x3FF80, v61  }
0x8c: {  	v4 =	vor.u32 v5, v4;
	_ =	sdelay $0x4  }
0x8d: {  	[tilespmem:v4+s21+$0x0] =	vst.idx.add.f32.msk vm11, v3  }
0x8e: {  	v4 =	vld [tilespmem:s19+$0x20];
	_ =	sdelay $0x4  }
0x8f: {  	v4 =	vsub.s32 v4, v0  }
0x90: {  	vm12 =	vgt.s32 v4, $0x0  }
0x91: {  	v5 =	vnsel vm12, $0x0, v4  }
0x92: {  	v5 =	vmin.u32 v5, $0x13FF  }
0x93: {  	v62 =	vadd.s32 v2, v5  }
0x94: {  	vm13 =	vlt.u32 v4, $0x1400;
	v5 =	vand.u32 $0x7F, v5;
	v4 =	vand.u32 $0x3FF80, v62  }
0x95: {  	v4 =	vor.u32 v5, v4;
	_ =	sdelay $0x4  }
0x96: {  	[tilespmem:v4+s21+$0x0] =	vst.idx.add.f32.msk vm13, v3  }
0x97: {  	v4 =	vld [tilespmem:s19+$0x30];
	_ =	sdelay $0x4  }
0x98: {  	v4 =	vsub.s32 v4, v0  }
0x99: {  	vm14 =	vgt.s32 v4, $0x0  }
0x9a: {  	v5 =	vnsel vm14, $0x0, v4  }
0x9b: {  	v5 =	vmin.u32 v5, $0x13FF  }
0x9c: {  	v63 =	vadd.s32 v2, v5  }
0x9d: {  	vm15 =	vlt.u32 v4, $0x1400;
	v5 =	vand.u32 $0x7F, v5;
	v4 =	vand.u32 $0x3FF80, v63  }
0x9e: {  	p2 =	sne.s32 s20, $0x1;
	v4 =	vor.u32 v5, v4  }
.Ltmp3:
0x9f: {  	_ = 	snop;
	(pc) =	sbr.rel @p2 .LBB2_4-.Ltmp3, $2  }
0xa0: {  	_ =	sdelay $0x2  }
0xa1: {  	s20 =	sadd.s32 $0xFFFFFFFF, s20;
	s19 =	sadd.s32 $0x80, s19;
	[tilespmem:v4+s21+$0x0] =	vst.idx.add.f32.msk vm15, v3  }
0xa2: {  	s19 =	simm.s32 $0x0  }
0xa3: {  	v5 =	vld [tilespmem:s21+$0x0];
	s19 =	sand.u32 $0x1FF0, s19  }
0xa4: {  	v4 =	vld [tilespmem:s19+$0x6280];
	_ =	sdelay $0x1  }
0xa5: {  	v6 =	vld [tilespmem:s19+$0x7680];
	_ =	sdelay $0x1  }
0xa6: {  	v7 =	vld [tilespmem:s19+$0x8A80]  }
0xa7: {  	v4 =	vadd.f32 v4, v5  }
0xa8: {  	v5 =	vld [tilespmem:s19+$0x9E80]  }
0xa9: {  	v4 =	vadd.f32 v6, v4  }
0xaa: {  	v6 =	vld [tilespmem:s19+$0xB280]  }
0xab: {  	v4 =	vadd.f32 v7, v4  }
0xac: {  	v7 =	vld [tilespmem:s19+$0xC680]  }
0xad: {  	v4 =	vadd.f32 v5, v4  }
0xae: {  	v5 =	vld [tilespmem:s19+$0xDA80]  }
0xaf: {  	v4 =	vadd.f32 v6, v4  }
0xb0: {  	v6 =	vld [tilespmem:s19+$0xEE80]  }
0xb1: {  	v4 =	vadd.f32 v7, v4  }
0xb2: {  	v7 =	vld [tilespmem:s19+$0x10280]  }
0xb3: {  	v4 =	vadd.f32 v5, v4  }
0xb4: {  	v5 =	vld [tilespmem:s19+$0x11680]  }
0xb5: {  	v4 =	vadd.f32 v6, v4  }
0xb6: {  	v6 =	vld [tilespmem:s19+$0x12A80]  }
0xb7: {  	v4 =	vadd.f32 v7, v4  }
0xb8: {  	v7 =	vld [tilespmem:s19+$0x13E80]  }
0xb9: {  	v4 =	vadd.f32 v5, v4  }
0xba: {  	v5 =	vld [tilespmem:s19+$0x15280]  }
0xbb: {  	v4 =	vadd.f32 v6, v4  }
0xbc: {  	v6 =	vld [tilespmem:s19+$0x16680]  }
0xbd: {  	v4 =	vadd.f32 v7, v4  }
0xbe: {  	v7 =	vld [tilespmem:s19+$0x17A80]  }
0xbf: {  	v4 =	vadd.f32 v5, v4;
	_ =	sdelay $0x1  }
0xc0: {  	v4 =	vadd.f32 v6, v4;
	_ =	sdelay $0x1  }
0xc1: {  	v4 =	vadd.f32 v7, v4  }
0xc2: {  	s20 =	simm.s32 $0x10;
	s19 =	simm.s32 $0x18E80  }
0xc3: {  	s20 =	sand.u32 $0x1FF0, s20;
	[tilespmem:s19+$0x0] =	vst v4  }
0xc4: {  	s22 =	simm.s32 $0x20;
	s21 =	simm.s32 $0x4E90;
	v4 =	vld [tilespmem:s20+$0x6280]  }
.LBB2_6:
0xc5: {  	p2 =	sne.s32 s22, $0x13F0;
	v5 =	vld [tilespmem:s21+$0x0];
	_ =	sdelay $0x1  }
0xc6: {  	v6 =	vld [tilespmem:s20+$0x7680];
	_ =	sdelay $0x1  }
0xc7: {  	v7 =	vld [tilespmem:s20+$0x8A80]  }
0xc8: {  	v4 =	vadd.f32 v4, v5  }
0xc9: {  	v5 =	vld [tilespmem:s20+$0x9E80]  }
0xca: {  	v4 =	vadd.f32 v6, v4  }
0xcb: {  	v6 =	vld [tilespmem:s20+$0xB280]  }
0xcc: {  	v4 =	vadd.f32 v7, v4  }
0xcd: {  	v7 =	vld [tilespmem:s20+$0xC680]  }
0xce: {  	v4 =	vadd.f32 v5, v4  }
0xcf: {  	v5 =	vld [tilespmem:s20+$0xDA80]  }
0xd0: {  	v4 =	vadd.f32 v6, v4  }
0xd1: {  	v6 =	vld [tilespmem:s20+$0xEE80]  }
0xd2: {  	v4 =	vadd.f32 v7, v4  }
0xd3: {  	v7 =	vld [tilespmem:s20+$0x10280]  }
0xd4: {  	v4 =	vadd.f32 v5, v4  }
0xd5: {  	v5 =	vld [tilespmem:s20+$0x11680]  }
0xd6: {  	v4 =	vadd.f32 v6, v4  }
0xd7: {  	v6 =	vld [tilespmem:s20+$0x12A80]  }
0xd8: {  	v4 =	vadd.f32 v7, v4  }
0xd9: {  	v7 =	vld [tilespmem:s20+$0x13E80]  }
0xda: {  	v4 =	vadd.f32 v5, v4  }
0xdb: {  	v5 =	vld [tilespmem:s20+$0x15280]  }
0xdc: {  	v4 =	vadd.f32 v6, v4  }
0xdd: {  	v6 =	vld [tilespmem:s20+$0x16680]  }
0xde: {  	v4 =	vadd.f32 v7, v4  }
0xdf: {  	v7 =	vld [tilespmem:s20+$0x17A80]  }
0xe0: {  	v4 =	vadd.f32 v5, v4;
	_ =	sdelay $0x1  }
0xe1: {  	v4 =	vadd.f32 v6, v4  }
.Ltmp4:
0xe2: {  	(pc) =	sbr.rel @p2 .LBB2_6-.Ltmp4, $4  }
0xe3: {  	v4 =	vadd.f32 v7, v4  }
0xe4: {  	s19 =	sadd.s32 $0x10, s19  }
0xe5: {  	s20 =	sand.u32 $0x1FF0, s22;
	[tilespmem:s19+$0x0] =	vst v4  }
0xe6: {  	s21 =	sadd.s32 $0x10, s21;
	s22 =	sadd.s32 $0x10, s22;
	v4 =	vld [tilespmem:s20+$0x6280]  }
0xe7: {  	v5 =	vld [tilespmem:s21+$0x0];
	_ =	sdelay $0x1  }
0xe8: {  	v6 =	vld [tilespmem:s20+$0x7680];
	_ =	sdelay $0x1  }
0xe9: {  	v7 =	vld [tilespmem:s20+$0x8A80]  }
0xea: {  	v4 =	vadd.f32 v4, v5  }
0xeb: {  	v5 =	vld [tilespmem:s20+$0x9E80]  }
0xec: {  	v4 =	vadd.f32 v6, v4  }
0xed: {  	v56 =	vld [tilespmem:s20+$0xB280]  }
0xee: {  	v4 =	vadd.f32 v7, v4  }
0xef: {  	v57 =	vld [tilespmem:s20+$0xC680]  }
0xf0: {  	v4 =	vadd.f32 v5, v4  }
0xf1: {  	v5 =	vld [tilespmem:s20+$0xDA80]  }
0xf2: {  	v4 =	vadd.f32 v56, v4  }
0xf3: {  	v58 =	vld [tilespmem:s20+$0xEE80]  }
0xf4: {  	v4 =	vadd.f32 v57, v4  }
0xf5: {  	v59 =	vld [tilespmem:s20+$0x10280]  }
0xf6: {  	v4 =	vadd.f32 v5, v4  }
0xf7: {  	v5 =	vld [tilespmem:s20+$0x11680]  }
0xf8: {  	v4 =	vadd.f32 v58, v4  }
0xf9: {  	v60 =	vld [tilespmem:s20+$0x12A80]  }
0xfa: {  	v4 =	vadd.f32 v59, v4  }
0xfb: {  	v61 =	vld [tilespmem:s20+$0x13E80]  }
0xfc: {  	v4 =	vadd.f32 v5, v4  }
0xfd: {  	v5 =	vld [tilespmem:s20+$0x15280]  }
0xfe: {  	v4 =	vadd.f32 v60, v4  }
0xff: {  	v62 =	vld [tilespmem:s20+$0x16680]  }
0x100: {  	v4 =	vadd.f32 v61, v4  }
0x101: {  	v63 =	vld [tilespmem:s20+$0x17A80]  }
0x102: {  	v4 =	vadd.f32 v5, v4;
	_ =	sdelay $0x1  }
0x103: {  	v4 =	vadd.f32 v62, v4;
	_ =	sdelay $0x1  }
0x104: {  	v4 =	vadd.f32 v63, v4  }
0x105: {  	s19 =	sadd.s32 $0x10, s19  }
0x106: {  	[tilespmem:s19+$0x0] =	vst v4  }
0x107: {  	[spmem:s6] =	stream.strided.scatter [tilespmem:s14], [sflag:$0x1], $0x1400, s13, s10, $0x38;
	[tilespmem:$0x1DE80] =	vst v63  }
.Ltmp5:
0x108: {  	_ =	swait.ge [sflag:s12], $0x1400;
	(pc) =	sbr.rel @p1 .LBB2_11-.Ltmp5, $3  }
0x109: {  	[sflag:s12] =	ssyncset.done $0x0  }
0x10a: {  	[sflag:s12] =	ssyncadd.s32 $0xFFFFEC00  }
0x10b: {  	[bflag:$0x0] =	sbarrier.arrive $0xFFFF;
	_ =	sdelay $0x1  }
0x10c: {  	[tilespmem:s17], [sflag:$0x1] =	stream.strided.gather [spmem:s7], $0x2800, s16, s15, $0x38;
	[tilespmem:$0x1DE80] =	vst v63  }
0x10d: {  	s19 =	simm.s32 $0x0;
	_ =	swait.ge [sflag:s12], $0x2800  }
0x10e: {  	s20 =	sand.u32 $0x70, s19;
	s19 =	sand.u32 $0x1C00, s19;
	[sflag:s12] =	ssyncset.done $0x0  }
0x10f: {  	s19 =	sor.u32 s20, s19;
	[sflag:s12] =	ssyncadd.s32 $0xFFFFD800  }
0x110: {  	v4 =	vld [tilespmem:s19+$0x1A300]  }
0x111: {  	v5 =	vld [tilespmem:s19+$0x1A280];
	_ =	sdelay $0x1  }
0x112: {  	v6 =	vld [tilespmem:s19+$0x1A380];
	_ =	sdelay $0x1  }
0x113: {  	v7 =	vld [tilespmem:s19+$0x1A400]  }
0x114: {  	v4 =	vadd.f32 v4, v5  }
0x115: {  	v5 =	vld [tilespmem:s19+$0x1A480]  }
0x116: {  	v4 =	vadd.f32 v6, v4  }
0x117: {  	v56 =	vld [tilespmem:s19+$0x1A500]  }
0x118: {  	v4 =	vadd.f32 v7, v4  }
0x119: {  	v57 =	vld [tilespmem:s19+$0x1A580]  }
0x11a: {  	v4 =	vadd.f32 v5, v4  }
0x11b: {  	v5 =	vld [tilespmem:s19+$0x1A600]  }
0x11c: {  	v4 =	vadd.f32 v56, v4  }
0x11d: {  	v58 =	vld [tilespmem:s19+$0x1B680]  }
0x11e: {  	v4 =	vadd.f32 v57, v4  }
0x11f: {  	v59 =	vld [tilespmem:s19+$0x1B700]  }
0x120: {  	v4 =	vadd.f32 v5, v4  }
0x121: {  	v5 =	vld [tilespmem:s19+$0x1B780]  }
0x122: {  	v4 =	vadd.f32 v58, v4  }
0x123: {  	v60 =	vld [tilespmem:s19+$0x1B800]  }
0x124: {  	v4 =	vadd.f32 v59, v4  }
0x125: {  	v61 =	vld [tilespmem:s19+$0x1B880]  }
0x126: {  	v4 =	vadd.f32 v5, v4  }
0x127: {  	v5 =	vld [tilespmem:s19+$0x1B900]  }
0x128: {  	v4 =	vadd.f32 v60, v4  }
0x129: {  	v62 =	vld [tilespmem:s19+$0x1B980]  }
0x12a: {  	v4 =	vadd.f32 v61, v4  }
0x12b: {  	v63 =	vld [tilespmem:s19+$0x1BA00]  }
0x12c: {  	v4 =	vadd.f32 v5, v4;
	_ =	sdelay $0x1  }
0x12d: {  	v4 =	vadd.f32 v62, v4;
	_ =	sdelay $0x1  }
0x12e: {  	s31 =	simm.s32 $0x10;
	s21 =	simm.s32 $0x80;
	v4 =	vadd.f32 v63, v4  }
0x12f: {  	s22 =	sand.u32 $0x1C00, s21;
	s20 =	sand.u32 $0x70, s31;
	s19 =	simm.s32 $0x18E80  }
0x130: {  	s20 =	sor.u32 s20, s22;
	s22 =	simm.s32 $0x20;
	[tilespmem:s19+$0x0] =	vst v4  }
.LBB2_9:
0x131: {  	p2 =	sne.s32 s22, $0x270;
	v4 =	vld [tilespmem:s20+$0x1A300]  }
0x132: {  	v5 =	vld [tilespmem:s20+$0x1A280];
	_ =	sdelay $0x1  }
0x133: {  	v6 =	vld [tilespmem:s20+$0x1A380];
	_ =	sdelay $0x1  }
0x134: {  	v7 =	vld [tilespmem:s20+$0x1A400]  }
0x135: {  	v4 =	vadd.f32 v4, v5  }
0x136: {  	v5 =	vld [tilespmem:s20+$0x1A480]  }
0x137: {  	v4 =	vadd.f32 v6, v4  }
0x138: {  	v6 =	vld [tilespmem:s20+$0x1A500]  }
0x139: {  	v4 =	vadd.f32 v7, v4  }
0x13a: {  	v7 =	vld [tilespmem:s20+$0x1A580]  }
0x13b: {  	v4 =	vadd.f32 v5, v4  }
0x13c: {  	v5 =	vld [tilespmem:s20+$0x1A600]  }
0x13d: {  	v4 =	vadd.f32 v6, v4  }
0x13e: {  	v6 =	vld [tilespmem:s20+$0x1B680]  }
0x13f: {  	v4 =	vadd.f32 v7, v4  }
0x140: {  	v7 =	vld [tilespmem:s20+$0x1B700]  }
0x141: {  	v4 =	vadd.f32 v5, v4  }
0x142: {  	v5 =	vld [tilespmem:s20+$0x1B780]  }
0x143: {  	v4 =	vadd.f32 v6, v4  }
0x144: {  	v6 =	vld [tilespmem:s20+$0x1B800]  }
0x145: {  	v4 =	vadd.f32 v7, v4  }
0x146: {  	v7 =	vld [tilespmem:s20+$0x1B880]  }
0x147: {  	v4 =	vadd.f32 v5, v4  }
0x148: {  	v5 =	vld [tilespmem:s20+$0x1B900]  }
0x149: {  	v4 =	vadd.f32 v6, v4  }
0x14a: {  	v6 =	vld [tilespmem:s20+$0x1B980]  }
0x14b: {  	v4 =	vadd.f32 v7, v4  }
0x14c: {  	v7 =	vld [tilespmem:s20+$0x1BA00]  }
0x14d: {  	v4 =	vadd.f32 v5, v4;
	_ =	sdelay $0x1  }
.Ltmp6:
0x14e: {  	v4 =	vadd.f32 v6, v4;
	(pc) =	sbr.rel @p2 .LBB2_9-.Ltmp6, $4  }
0x14f: {  	_ = 	snop  }
0x150: {  	s21 =	sadd.s32 $0x80, s21;
	v4 =	vadd.f32 v7, v4  }
0x151: {  	s19 =	sadd.s32 $0x10, s19;
	s23 =	sand.u32 $0x1C00, s21;
	s20 =	sand.u32 $0x70, s22  }
0x152: {  	s22 =	sadd.s32 $0x10, s22;
	s20 =	sor.u32 s20, s23;
	[tilespmem:s19+$0x0] =	vst v4  }
.Ltmp7:
0x153: {  	_ = 	snop;
	(pc) =	sbr.rel .LBB2_10-.Ltmp7, $1  }
0x154: {  	_ =	sdelay $0x3  }
.LBB2_12:
0x155: {  	_ =	sfence.sel $0x180000  }
0x156: {  	[bflag:$0x0] =	sbarrier.arrive $0xFFFF  }
0x157: {  	p0 =	sne.s32 s2, $0x0;
	_ =	strace $0x90000047  }
0x158: {  	s0 =	sadd.s32 @!p0 $0x100000, s0;
	[bflag:$0x2] =	sbarrier.arrive $0xFFFF  }
0x159: {  	[sflag:s0] =	ssyncadd.tile.s32 @!p0 $0x1;
	_ =	shalt  }
.Lfunc_end2:
_tile_overlayer_lowered:
.L_overlay_start_2:
0x15a: {  	(tag) =	ssettag $0x2  }
0x15b: {  	s0 =	rddreg [dreg:$0x0];
	s2 =	stileid.u32  }
0x15c: {  	s1 =	rddreg [dreg:$0x1];
	p0 =	sne.s32 s2, $0x0  }
0x15d: {  	s3 =	rddreg [dreg:$0x2];
	[bflag:$0x3] =	sbarrier.arrive $0xFFFF;
	s2 =	simm.s32 @!p0 $0x1C01  }
0x15e: {  	[timem:s3], [sflag:s2] =	dma.local @!p0 [hbm:s0], s1  }
0x15f: {  	s0 =	simm.s32 @!p0 $0x1  }
0x160: {  	_ =	swait.ge @!p0 [sflag:s0], s1  }
0x161: {  	s1 =	ssub.s32 @!p0 $0x0, s1;
	[sflag:s0] =	ssyncset.done @!p0 $0x0  }
0x162: {  	[sflag:s0] =	ssyncadd.s32 @!p0 s1  }
0x163: {  	[bflag:$0x3] =	sbarrier.arrive $0xFFFF  }
0x164: {  	_ =	shalt  }

</sc_bundles>
